<compile_context>
chip_gen: v7x
topology: tpu7x:2x2x1
jax: 0.10.2.dev20260603
libtpu: 0.0.44.dev20260713+nightly
codegen_flags: <defaults>
</compile_context>

<pallas_src>
import functools

import jax
import jax.numpy as jnp
import numpy as np
from jax import lax
from jax.experimental import pallas as pl
from jax.experimental.pallas import tpu as pltpu
from jax.experimental.pallas import tpu_sc as plsc

HID = 128
INT = 64
NSPH = 7
NRAD = 6
CUTOFF = 5.0
NGRAPH = 16
TE = 1600

_NC = 2
_NS = 16
_NW = _NC * _NS

_F32 = jnp.float32


def _np_consts():
    eye8 = np.eye(8, dtype=np.float32)
    pa = np.repeat(eye8, 64, axis=1)
    pb = np.tile(np.repeat(eye8, 8, axis=1), (1, 8))
    pc = np.tile(eye8, (1, 64))
    pa2 = np.repeat(eye8, 8, axis=1)
    pc2 = np.tile(eye8, (1, 8))
    return pa, pb, pc, pa2, pc2


(_PA, _PB, _PC, _PA2, _PC2) = _np_consts()


def _silu(v):
    return v * (1.0 / (1.0 + jnp.exp(-v)))



def _sc_gather(table, idx):
    v, d = table.shape
    b = idx.shape[0]
    assert d == 128 and b % (8 * _NW) == 0
    w = b // _NW
    c = max(cc for cc in range(8, w + 1, 8)
            if w % cc == 0 and cc * (d + 1) <= 129_000)
    nit = w // c
    mesh = plsc.VectorSubcoreMesh(core_axis_name="c", subcore_axis_name="s")

    @functools.partial(
        pl.kernel,
        out_type=jax.ShapeDtypeStruct((b, d), jnp.float32),
        mesh=mesh,
        scratch_types=[
            pltpu.VMEM((c,), jnp.int32),
            pltpu.VMEM((c, d), jnp.float32),
            pltpu.SemaphoreType.DMA,
        ],
    )
    def gk(table_hbm, idx_hbm, out_hbm, idx_v, rows_v, sem):
        wid = lax.axis_index("s") * _NC + lax.axis_index("c")
        base = wid * w

        def body(t, carry):
            off = base + t * c
            pltpu.sync_copy(idx_hbm.at[pl.ds(off, c)], idx_v)
            pltpu.async_copy(table_hbm.at[idx_v], rows_v, sem).wait()
            pltpu.sync_copy(rows_v, out_hbm.at[pl.ds(off, c)])
            return carry

        lax.fori_loop(0, nit, body, 0)

    return gk(table, idx)



def _rbf6(dist):
    xd = jnp.clip(dist * (1.0 / CUTOFF), 0.05, 1.0)
    inv = 1.0 / xd
    x2 = xd * xd
    x4 = x2 * x2
    x5 = x4 * xd
    x6 = x5 * xd
    x7 = x6 * xd
    env = inv - 28.0 * x5 + 48.0 * x6 - 21.0 * x7
    s1 = jnp.sin(jnp.pi * xd)
    c1 = jnp.cos(jnp.pi * xd)
    planes = []
    sk, ck = s1, c1
    for _ in range(NRAD):
        planes.append(env * sk)
        sk, ck = sk * c1 + ck * s1, ck * c1 - sk * s1
    return planes


def _cheb7(ca):
    planes = [jnp.ones_like(ca), ca]
    for _ in range(NSPH - 2):
        planes.append(2.0 * ca * planes[-1] - planes[-2])
    return planes


def _geom_body(pxi, pyi, pzi, pxj, pyj, pzj, pxk, pyk, pzk, m_ref,
               rbf_ref, rad_ref, ang_ref, tor_ref):
    v1x = pxi[...] - pxj[...]
    v1y = pyi[...] - pyj[...]
    v1z = pzi[...] - pzj[...]
    v2x = pxk[...] - pxj[...]
    v2y = pyk[...] - pyj[...]
    v2z = pzk[...] - pzj[...]
    d2 = v1x * v1x + v1y * v1y + v1z * v1z + 1e-12
    rbf = _rbf6(jnp.sqrt(d2))
    d2k = v2x * v2x + v2y * v2y + v2z * v2z + 1e-12
    rad = _rbf6(jnp.sqrt(d2k))
    dotp = v1x * v2x + v1y * v2y + v1z * v2z
    cr0 = v1y * v2z - v1z * v2y
    cr1 = v1z * v2x - v1x * v2z
    cr2 = v1x * v2y - v1y * v2x
    crn2 = cr0 * cr0 + cr1 * cr1 + cr2 * cr2 + 1e-12
    ca = dotp * lax.rsqrt(dotp * dotp + crn2)
    xx = cr2 + 1e-6
    ct = xx * lax.rsqrt(xx * xx + cr0 * cr0)
    m = m_ref[...]
    ang = [a * m for a in _cheb7(ca)]
    tor = _cheb7(ct)
    zero = jnp.zeros_like(d2)
    for l in range(8):
        rbf_ref[l] = rbf[l] if l < 6 else zero
        rad_ref[l] = rad[l] if l < 6 else zero
        ang_ref[l] = ang[l] if l < 7 else zero
        tor_ref[l] = tor[l] if l < 7 else zero


def _geom(xg3, mask_e, ne):
    m = ne // 128
    tm = m
    grid = 1

    def comp(seg, c):
        return xg3[seg * ne:(seg + 1) * ne, c:c + 1].reshape(m, 128)

    comps = [comp(s, c) for s in range(3) for c in (48, 49, 50)]
    espec = pl.BlockSpec((tm, 128), lambda t: (t, 0))
    ospec = pl.BlockSpec((8, tm, 128), lambda t: (0, t, 0))
    rbf, rad, ang, tor = pl.pallas_call(
        _geom_body,
        grid=(grid,),
        in_specs=[espec] * 10,
        out_specs=[ospec] * 4,
        out_shape=[jax.ShapeDtypeStruct((8, m, 128), jnp.float32)] * 4,
    )(*comps, mask_e.reshape(m, 128))
    cols = jnp.concatenate([rbf, rad, ang, tor], axis=0)
    return jnp.transpose(cols, (1, 2, 0)).reshape(ne, 32)



def _main_body_pre(o_ref, feat_ref, wpre_ref, wkj_ref, bkj_ref, wr_ref,
                   wdown_ref, d_ref):
    h = jnp.dot(o_ref[...], wpre_ref[...], preferred_element_type=_F32)
    _main_tail(h, feat_ref, wkj_ref, bkj_ref, wr_ref, wdown_ref, d_ref)


def _main_body_bn(o_ref, feat_ref, a_ref, b_ref, wkj_ref, bkj_ref, wr_ref,
                  wdown_ref, d_ref):
    h = o_ref[...] * a_ref[...] + b_ref[...]
    _main_tail(h, feat_ref, wkj_ref, bkj_ref, wr_ref, wdown_ref, d_ref)


def _main_tail(h, feat_ref, wkj_ref, bkj_ref, wr_ref, wdown_ref, d_ref):
    rbf8 = feat_ref[:, 0:8]
    xkj = _silu(jnp.dot(h, wkj_ref[...], preferred_element_type=_F32)
                + bkj_ref[...])
    xkj = xkj * jnp.dot(rbf8, wr_ref[...], preferred_element_type=_F32)
    d_ref[...] = _silu(jnp.dot(xkj, wdown_ref[...],
                               preferred_element_type=_F32))


def _post_body_pre(o_ref, feat_ref, g_ref, wpre_ref, wji_ref, bji_ref,
                   ws_ref, wt_ref, pa_ref, pb_ref, pc_ref, pa2_ref, pc2_ref,
                   wup_ref, wlin_ref, blin_ref, wout_ref, bout_ref,
                   o_out_ref, acc_ref):
    h = jnp.dot(o_ref[...], wpre_ref[...], preferred_element_type=_F32)
    _post_tail(h, feat_ref, g_ref, wji_ref, bji_ref, ws_ref, wt_ref,
               pa_ref, pb_ref, pc_ref, pa2_ref, pc2_ref,
               wup_ref, wlin_ref, blin_ref, wout_ref, bout_ref,
               o_out_ref, acc_ref)


def _post_body_bn(o_ref, feat_ref, g_ref, a_ref, b_ref, wji_ref, bji_ref,
                  ws_ref, wt_ref, pa_ref, pb_ref, pc_ref, pa2_ref, pc2_ref,
                  wup_ref, wlin_ref, blin_ref, wout_ref, bout_ref,
                  o_out_ref, acc_ref):
    h = o_ref[...] * a_ref[...] + b_ref[...]
    _post_tail(h, feat_ref, g_ref, wji_ref, bji_ref, ws_ref, wt_ref,
               pa_ref, pb_ref, pc_ref, pa2_ref, pc2_ref,
               wup_ref, wlin_ref, blin_ref, wout_ref, bout_ref,
               o_out_ref, acc_ref)


def _post_tail(h, feat_ref, g_ref, wji_ref, bji_ref, ws_ref, wt_ref,
               pa_ref, pb_ref, pc_ref, pa2_ref, pc2_ref,
               wup_ref, wlin_ref, blin_ref, wout_ref, bout_ref,
               o_out_ref, acc_ref):
    rad8 = feat_ref[:, 8:16]
    ang8 = feat_ref[:, 16:24]
    tor8 = feat_ref[:, 24:32]
    x_ji = _silu(jnp.dot(h, wji_ref[...], preferred_element_type=_F32)
                 + bji_ref[...])
    sbf64 = (jnp.dot(ang8, pa2_ref[...], preferred_element_type=_F32)
             * jnp.dot(rad8, pc2_ref[...], preferred_element_type=_F32))
    sbf_e = jnp.dot(sbf64, ws_ref[...], preferred_element_type=_F32)
    r512 = (jnp.dot(ang8, pa_ref[...], preferred_element_type=_F32)
            * jnp.dot(tor8, pb_ref[...], preferred_element_type=_F32)
            * jnp.dot(rad8, pc_ref[...], preferred_element_type=_F32))
    t_e = jnp.dot(r512, wt_ref[...], preferred_element_type=_F32)
    s = g_ref[:, 0:64] * sbf_e * t_e
    x_up = _silu(jnp.dot(s, wup_ref[...], preferred_element_type=_F32))
    hh = x_ji + x_up
    hh = _silu(jnp.dot(hh, wlin_ref[...], preferred_element_type=_F32)
               + blin_ref[...]) + h
    o = _silu(jnp.dot(hh, wout_ref[...], preferred_element_type=_F32)
              + bout_ref[...])
    o_out_ref[...] = o

    @pl.when(pl.program_id(0) == 0)
    def _init():
        acc_ref[...] = jnp.zeros_like(acc_ref)

    acc_ref[0:1, :] += jnp.sum(o, axis=0, keepdims=True)
    acc_ref[1:2, :] += jnp.sum(o * o, axis=0, keepdims=True)


def _final_body(o_ref, a_ref, b_ref, gfe_ref, out_ref):
    h = o_ref[...] * a_ref[...] + b_ref[...]
    gids = gfe_ref[...]
    iota = lax.broadcasted_iota(jnp.int32, (TE, NGRAPH), 1)
    oh = (gids == iota).astype(_F32)

    @pl.when(pl.program_id(0) == 0)
    def _init():
        out_ref[...] = jnp.zeros_like(out_ref)

    out_ref[...] += lax.dot_general(oh, h, (((0,), (0,)), ((), ())),
                                    preferred_element_type=_F32)



def kernel(x, pos, params, batch, edge_index, idx_kj, idx_ji):
    ne = edge_index.shape[1]
    nn = x.shape[0]
    grid = ne // TE
    j = edge_index[0]
    i = edge_index[1]

    kj_s = jnp.full((ne,), -1, jnp.int32).at[idx_ji].set(
        idx_kj, indices_are_sorted=True, unique_indices=True)
    mask_e = (kj_s >= 0).astype(jnp.float32)
    kj_of_e = jnp.maximum(kj_s, 0)
    k_src = j[kj_of_e]
    g_of_e = batch[i]

    xp = jnp.zeros((nn, HID), jnp.float32)
    xp = xp.at[:, 0:48].set(x).at[:, 48:51].set(pos)

    idx3 = jnp.concatenate([i, j, k_src])
    xg3 = _sc_gather(xp, idx3)

    feat = _geom(xg3, mask_e, ne)

    wnode = jnp.zeros((HID, HID), jnp.float32).at[0:48, :].set(
        params['W_node'])

    espec128 = pl.BlockSpec((TE, HID), lambda t: (t, 0))
    espec64 = pl.BlockSpec((TE, 64), lambda t: (t, 0))
    espec32 = pl.BlockSpec((TE, 32), lambda t: (t, 0))

    def cspec(r, c):
        return pl.BlockSpec((r, c), lambda t: (0, 0))

    def run_main(o_prev, ab, bp, pre):
        wr = jnp.dot(jnp.pad(bp['W_rbf1'], ((0, 2), (0, 0))), bp['W_rbf2'])
        wd = jnp.zeros((HID, HID), jnp.float32).at[:, 0:64].set(bp['W_down'])
        body = _main_body_pre if pre else _main_body_bn
        lead = ([cspec(HID, HID)] if pre
                else [cspec(1, HID), cspec(1, HID)])
        lead_args = ((wnode,) if pre else ab)
        return pl.pallas_call(
            body,
            grid=(grid,),
            in_specs=[espec128, espec32, *lead,
                      cspec(HID, HID), cspec(1, HID), cspec(8, HID),
                      cspec(HID, HID)],
            out_specs=espec128,
            out_shape=jax.ShapeDtypeStruct((ne, HID), jnp.float32),
        )(o_prev, feat, *lead_args,
          bp['W_kj'], bp['b_kj'].reshape(1, HID), wr, wd)

    def run_post(o_prev, ab, bp, g, pre):
        ws = jnp.zeros((8, 8, 64), jnp.float32).at[0:7, 0:6, :].set(
            jnp.dot(bp['W_sbf1'], bp['W_sbf2']).reshape(7, 6, 64)
        ).reshape(64, 64)
        wt = jnp.zeros((8, 8, 8, 64), jnp.float32).at[0:7, 0:7, 0:6, :].set(
            jnp.dot(bp['W_t1'], bp['W_t2']).reshape(7, 7, 6, 64)
        ).reshape(512, 64)
        body = _post_body_pre if pre else _post_body_bn
        lead = ([cspec(HID, HID)] if pre
                else [cspec(1, HID), cspec(1, HID)])
        lead_args = ((wnode,) if pre else ab)
        return pl.pallas_call(
            body,
            grid=(grid,),
            in_specs=[espec128, espec32, espec128, *lead,
                      cspec(HID, HID), cspec(1, HID),
                      cspec(64, 64), cspec(512, 64),
                      cspec(8, 512), cspec(8, 512), cspec(8, 512),
                      cspec(8, 64), cspec(8, 64),
                      cspec(64, HID), cspec(HID, HID), cspec(1, HID),
                      cspec(HID, HID), cspec(1, HID)],
            out_specs=[espec128, pl.BlockSpec((8, HID), lambda t: (0, 0))],
            out_shape=[jax.ShapeDtypeStruct((ne, HID), jnp.float32),
                       jax.ShapeDtypeStruct((8, HID), jnp.float32)],
        )(o_prev, feat, g, *lead_args,
          bp['W_ji'], bp['b_ji'].reshape(1, HID), ws, wt,
          _PA, _PB, _PC, _PA2, _PC2,
          bp['W_up'], bp['W_lin'], bp['b_lin'].reshape(1, HID),
          bp['W_out'], bp['b_out'].reshape(1, HID))

    o_prev = xg3
    ab = None
    for bi, bp in enumerate(params['blocks']):
        pre = (bi == 0)
        d = run_main(o_prev, ab, bp, pre)
        g = _sc_gather(d, kj_of_e)
        o_prev, acc = run_post(o_prev, ab, bp, g, pre)
        mu = acc[0] / ne
        var = acc[1] / ne - mu * mu
        a_vec = bp['gamma'] / jnp.sqrt(var + 1e-5)
        b_vec = bp['beta'] - mu * a_vec
        ab = (a_vec.reshape(1, HID), b_vec.reshape(1, HID))

    out = pl.pallas_call(
        _final_body,
        grid=(grid,),
        in_specs=[espec128, cspec(1, HID), cspec(1, HID),
                  pl.BlockSpec((TE, 1), lambda t: (t, 0))],
        out_specs=pl.BlockSpec((NGRAPH, HID), lambda t: (0, 0)),
        out_shape=jax.ShapeDtypeStruct((NGRAPH, HID), jnp.float32),
    )(o_prev, ab[0], ab[1], g_of_e.reshape(ne, 1).astype(jnp.int32))
    return out

# --- scband reference (transcript-rebuilt; emitter-appended) ---
"""Pipeline reference for scband-td-com-net-5952824672733 (READ-ONLY COPY).

The authoritative reference and input builder live on the scoring server;
editing this copy changes nothing except your own understanding.
"""

import jax, jax.numpy as jnp
import numpy as np

HIDDEN = 128
INT_EMB = 64
BASIS = 8
NSPH = 7
NRAD = 6
CUTOFF = 5.0
PEXP = 6  # envelope_exponent + 1
N_NODES = 10000
N_EDGES = 160000
N_GRAPHS = 16
NBLOCKS = 3


def _glorot(rng, shape):
    lim = np.sqrt(6.0 / (shape[0] + shape[1]))
    return jnp.asarray(rng.uniform(-lim, lim, size=shape), dtype=jnp.float32)


def _make_params(rng):
    blocks = []
    for _ in range(NBLOCKS):
        blocks.append({
            'W_rbf1': _glorot(rng, (NRAD, BASIS)),
            'W_rbf2': _glorot(rng, (BASIS, HIDDEN)),
            'W_sbf1': _glorot(rng, (NSPH * NRAD, BASIS)),
            'W_sbf2': _glorot(rng, (BASIS, INT_EMB)),
            'W_t1': _glorot(rng, (NSPH * NSPH * NRAD, BASIS)),
            'W_t2': _glorot(rng, (BASIS, INT_EMB)),
            'W_kj': _glorot(rng, (HIDDEN, HIDDEN)), 'b_kj': jnp.zeros((HIDDEN,), jnp.float32),
            'W_ji': _glorot(rng, (HIDDEN, HIDDEN)), 'b_ji': jnp.zeros((HIDDEN,), jnp.float32),
            'W_down': _glorot(rng, (HIDDEN, INT_EMB)),
            'W_up': _glorot(rng, (INT_EMB, HIDDEN)),
            'W_lin': _glorot(rng, (HIDDEN, HIDDEN)), 'b_lin': jnp.zeros((HIDDEN,), jnp.float32),
            'W_out': _glorot(rng, (HIDDEN, HIDDEN)), 'b_out': jnp.zeros((HIDDEN,), jnp.float32),
            'gamma': jnp.ones((HIDDEN,), jnp.float32), 'beta': jnp.zeros((HIDDEN,), jnp.float32),
        })
    return {'W_node': _glorot(rng, (48, HIDDEN)), 'blocks': blocks}


def setup_inputs() -> dict:
    rng = np.random.default_rng(0)
    x = jnp.asarray(rng.normal(size=(N_NODES, 48)), dtype=jnp.float32)
    pos = jnp.asarray(rng.normal(scale=1.5, size=(N_NODES, 3)), dtype=jnp.float32)
    batch = jnp.asarray(np.sort(rng.integers(0, N_GRAPHS, size=N_NODES)), dtype=jnp.int32)
    ei = rng.integers(0, N_NODES, size=(2, N_EDGES))
    # build 1 triplet (k->j->i) per edge (j->i): pick one incoming edge of source j
    targets = ei[1]
    order = np.argsort(targets, kind='stable')
    st = targets[order]
    first = np.searchsorted(st, np.arange(N_NODES), side='left')
    cnt = np.searchsorted(st, np.arange(N_NODES), side='right') - first
    src = ei[0]
    has = cnt[src] > 0
    cand = order[np.minimum(first[src], N_EDGES - 1)]
    mask = has & (cand != np.arange(N_EDGES))
    idx_ji = np.arange(N_EDGES)[mask]
    idx_kj = cand[mask]
    params = _make_params(rng)
    return {
        'x': x, 'pos': pos, 'params': params, 'batch': batch,
        'edge_index': jnp.asarray(ei, dtype=jnp.int32),
        'idx_kj': jnp.asarray(idx_kj, dtype=jnp.int32),
        'idx_ji': jnp.asarray(idx_ji, dtype=jnp.int32),
    }


def _forward(x, pos, params, batch, edge_index, idx_kj, idx_ji):
    act = jax.nn.silu
    j, i = edge_index[0], edge_index[1]
    rel = pos[i] - pos[j]
    dist = jnp.sqrt(jnp.sum(rel * rel, axis=1) + 1e-12)
    # triplet geometry
    i_t = i[idx_ji]
    j_t = j[idx_ji]
    k_t = j[idx_kj]
    v1 = pos[i_t] - pos[j_t]
    v2 = pos[k_t] - pos[j_t]
    cr = jnp.cross(v1, v2)
    cr_n = jnp.sqrt(jnp.sum(cr * cr, axis=1) + 1e-12)
    angle = jnp.arctan2(cr_n, jnp.sum(v1 * v2, axis=1))
    torsion = jnp.arctan2(cr[:, 0], cr[:, 2] + 1e-6)
    # radial basis (Bessel-style with polynomial envelope)
    xd = jnp.clip(dist / CUTOFF, 0.05, 1.0)
    p = PEXP
    a = -(p + 1) * (p + 2) / 2.0
    b = p * (p + 2) * 1.0
    c = -p * (p + 1) / 2.0
    env = 1.0 / xd + a * xd ** (p - 1) + b * xd ** p + c * xd ** (p + 1)
    freqs = (jnp.arange(NRAD, dtype=jnp.float32) + 1.0) * jnp.pi
    rbf = env[:, None] * jnp.sin(freqs[None, :] * xd[:, None])  # [E, NRAD]
    rad = rbf[idx_kj]  # [T, NRAD]
    ls = jnp.arange(NSPH, dtype=jnp.float32)
    ang = jnp.cos(ls[None, :] * angle[:, None])  # [T, NSPH]
    T = ang.shape[0]
    sbf = (ang[:, :, None] * rad[:, None, :]).reshape(T, NSPH * NRAD)
    tor = jnp.cos(ls[None, :] * torsion[:, None])  # [T, NSPH]
    tbf = (ang[:, :, None, None] * tor[:, None, :, None] * rad[:, None, None, :]).reshape(T, NSPH * NSPH * NRAD)
    # node embedding, gathered onto edges
    h = x @ params['W_node']
    h = h[i]  # [E, HIDDEN]
    E = h.shape[0]
    for bp in params['blocks']:
        x_ji = act(h @ bp['W_ji'] + bp['b_ji'])
        x_kj = act(h @ bp['W_kj'] + bp['b_kj'])
        rbf_e = (rbf @ bp['W_rbf1']) @ bp['W_rbf2']
        x_kj = x_kj * rbf_e
        x_kj = act(x_kj @ bp['W_down'])
        sbf_e = (sbf @ bp['W_sbf1']) @ bp['W_sbf2']
        x_kj = x_kj[idx_kj] * sbf_e
        t_e = (tbf @ bp['W_t1']) @ bp['W_t2']
        x_kj = x_kj * t_e
        x_kj = jax.ops.segment_sum(x_kj, idx_ji, num_segments=E)
        x_kj = act(x_kj @ bp['W_up'])
        hh = x_ji + x_kj
        hh = act(hh @ bp['W_lin'] + bp['b_lin']) + h
        # lin_out: Linear -> (Dropout eval: identity) -> SiLU -> BatchNorm1d (batch stats)
        o = hh @ bp['W_out'] + bp['b_out']
        o = act(o)
        mu = jnp.mean(o, axis=0)
        var = jnp.var(o, axis=0)
        h = (o - mu) / jnp.sqrt(var + 1e-5) * bp['gamma'] + bp['beta']
    node_out = jax.ops.segment_sum(h, i, num_segments=x.shape[0])
    out = jax.ops.segment_sum(node_out, batch, num_segments=N_GRAPHS)
    return out


def reference(x, pos, params, batch, edge_index, idx_kj, idx_ji):
    return _forward(x, pos, params, batch, edge_index, idx_kj, idx_ji)

if __name__ == "__main__":
    import jax
    _d = setup_inputs()
    print(jax.jit(kernel)(*tuple(_d.values())))

</pallas_src>

<mosaic_0001>
#map = affine_map<(d0, d1) -> (0, 0)>
#map1 = affine_map<(d0, d1) -> (0)>
module attributes {stable_mosaic.version = 14 : i64} {
  func.func @gk(%arg0: i32, %arg1: i32, %arg2: memref<160000x128xf32, #tpu.memory_space<hbm>>, %arg3: memref<160000xi32, #tpu.memory_space<hbm>>, %arg4: memref<160000x128xf32, #tpu.memory_space<hbm>>, %arg5: memref<1000xi32, #tpu.memory_space<vmem>>, %arg6: memref<1000x128xf32, #tpu.memory_space<vmem>>, %arg7: memref<!tpu.dma_semaphore, #tpu.memory_space<semaphore_mem>>) attributes {dimension_semantics = [#tpu.dimension_semantics<core_parallel>, #tpu.dimension_semantics<subcore_parallel>], iteration_bounds = array<i64: 2, 16>, scalar_prefetch = 0 : i64, scratch_operands = 3 : i64, tpu.core_type = #tpu.core_type<sc_vector_subcore>, window_params = [{transform_indices = #map}, {transform_indices = #map1}, {transform_indices = #map}]} {
    %mul3A = arith.constant 2 : i32
    %mul3A_0 = arith.muli %arg1, %mul3A : i32
    %add3A = arith.addi %mul3A_0, %arg0 : i32
    %mul3A_1 = arith.constant 5000 : i32
    %mul3A_2 = arith.muli %add3A, %mul3A_1 : i32
    %scan3A = arith.constant 0 : i32
    %scan3A_3 = arith.constant 0 : i32
    %scan3A_4 = arith.constant 5 : i32
    %scan3A_5 = arith.addi %scan3A_3, %scan3A_4 : i32
    %scan3A_6 = arith.constant 1 : i32
    scf.for %scan3A_8 = %scan3A_3 to %scan3A_5 step %scan3A_6  : i32 {
      %mul3A_9 = arith.constant 1000 : i32
      %mul3A_10 = arith.muli %scan3A_8, %mul3A_9 : i32
      %add3A_11 = arith.addi %mul3A_2, %mul3A_10 : i32
      "tpu.region"() ({
        %run_scoped3A = tpu.sem_alloc : memref<!tpu.dma_semaphore, #tpu.memory_space<semaphore_mem>>
        %dma_start3A_16 = tpu.memref_slice %arg3[%add3A_11] : memref<160000xi32, #tpu.memory_space<hbm>> -> memref<1000xi32, #tpu.memory_space<hbm>>
        %dma_start3A_17 = tpu.memref_slice %arg3[%add3A_11] : memref<160000xi32, #tpu.memory_space<hbm>> -> memref<1000xi32, #tpu.memory_space<hbm>>
        tpu.enqueue_dma source(%dma_start3A_17 : memref<1000xi32, #tpu.memory_space<hbm>>) target(%arg5 : memref<1000xi32, #tpu.memory_space<vmem>>) target_semaphore(%run_scoped3A : memref<!tpu.dma_semaphore, #tpu.memory_space<semaphore_mem>>)
        %dma_wait3A_18 = tpu.memref_slice %arg3[%add3A_11] : memref<160000xi32, #tpu.memory_space<hbm>> -> memref<1000xi32, #tpu.memory_space<hbm>>
        %dma_wait3A_19 = tpu.memref_slice %arg3[%add3A_11] : memref<160000xi32, #tpu.memory_space<hbm>> -> memref<1000xi32, #tpu.memory_space<hbm>>
        tpu.wait_dma2 semaphore(%run_scoped3A : memref<!tpu.dma_semaphore, #tpu.memory_space<semaphore_mem>>) src(%dma_wait3A_19 : memref<1000xi32, #tpu.memory_space<hbm>>) dst(%arg5 : memref<1000xi32, #tpu.memory_space<vmem>>)
        tpu.yield
      }) : () -> ()
      %dma_start3A = arith.constant 0 : i32
      %dma_start3A_12 = arith.constant 0 : i32
      %dma_start3A_13 = tpu.memref_slice %arg2[%dma_start3A, %dma_start3A_12] : memref<160000x128xf32, #tpu.memory_space<hbm>> -> memref<160000x128xf32, #tpu.memory_space<hbm>>
      tpu.enqueue_indirect_dma source(%dma_start3A_13 : memref<160000x128xf32, #tpu.memory_space<hbm>>) target(%arg6 : memref<1000x128xf32, #tpu.memory_space<vmem>>) offsets(%arg5 : memref<1000xi32, #tpu.memory_space<vmem>>) semaphore(%arg7 : memref<!tpu.dma_semaphore, #tpu.memory_space<semaphore_mem>>)
      %dma_wait3A = arith.constant 0 : i32
      %dma_wait3A_14 = arith.constant 0 : i32
      %dma_wait3A_15 = tpu.memref_slice %arg2[%dma_wait3A, %dma_wait3A_14] : memref<160000x128xf32, #tpu.memory_space<hbm>> -> memref<160000x128xf32, #tpu.memory_space<hbm>>
      tpu.wait_indirect_dma semaphore(%arg7 : memref<!tpu.dma_semaphore, #tpu.memory_space<semaphore_mem>>) src(%dma_wait3A_15 : memref<160000x128xf32, #tpu.memory_space<hbm>>) dst(%arg6 : memref<1000x128xf32, #tpu.memory_space<vmem>>)
      "tpu.region"() ({
        %run_scoped3A = tpu.sem_alloc : memref<!tpu.dma_semaphore, #tpu.memory_space<semaphore_mem>>
        %dma_start3A_16 = arith.constant 0 : i32
        %dma_start3A_17 = tpu.memref_slice %arg4[%add3A_11, %dma_start3A_16] : memref<160000x128xf32, #tpu.memory_space<hbm>> -> memref<1000x128xf32, #tpu.memory_space<hbm>>
        %dma_start3A_18 = arith.constant 0 : i32
        %dma_start3A_19 = tpu.memref_slice %arg4[%add3A_11, %dma_start3A_18] : memref<160000x128xf32, #tpu.memory_space<hbm>> -> memref<1000x128xf32, #tpu.memory_space<hbm>>
        tpu.enqueue_dma source(%arg6 : memref<1000x128xf32, #tpu.memory_space<vmem>>) target(%dma_start3A_19 : memref<1000x128xf32, #tpu.memory_space<hbm>>) target_semaphore(%run_scoped3A : memref<!tpu.dma_semaphore, #tpu.memory_space<semaphore_mem>>)
        %dma_wait3A_20 = arith.constant 0 : i32
        %dma_wait3A_21 = tpu.memref_slice %arg4[%add3A_11, %dma_wait3A_20] : memref<160000x128xf32, #tpu.memory_space<hbm>> -> memref<1000x128xf32, #tpu.memory_space<hbm>>
        %dma_wait3A_22 = arith.constant 0 : i32
        %dma_wait3A_23 = tpu.memref_slice %arg4[%add3A_11, %dma_wait3A_22] : memref<160000x128xf32, #tpu.memory_space<hbm>> -> memref<1000x128xf32, #tpu.memory_space<hbm>>
        tpu.wait_dma2 semaphore(%run_scoped3A : memref<!tpu.dma_semaphore, #tpu.memory_space<semaphore_mem>>) src(%arg6 : memref<1000x128xf32, #tpu.memory_space<vmem>>) dst(%dma_wait3A_23 : memref<1000x128xf32, #tpu.memory_space<hbm>>)
        tpu.yield
      }) : () -> ()
    }
    %scan3A_7 = arith.constant 5 : i32
    return
  }
}

#map = affine_map<(d0, d1) -> (0, 0)>
#map1 = affine_map<(d0, d1) -> (0)>
module attributes {stable_mosaic.version = 14 : i64} {
  func.func @gk(%arg0: i32, %arg1: i32, %arg2: memref<10000x128xf32, #tpu.memory_space<hbm>>, %arg3: memref<480000xi32, #tpu.memory_space<hbm>>, %arg4: memref<480000x128xf32, #tpu.memory_space<hbm>>, %arg5: memref<1000xi32, #tpu.memory_space<vmem>>, %arg6: memref<1000x128xf32, #tpu.memory_space<vmem>>, %arg7: memref<!tpu.dma_semaphore, #tpu.memory_space<semaphore_mem>>) attributes {dimension_semantics = [#tpu.dimension_semantics<core_parallel>, #tpu.dimension_semantics<subcore_parallel>], iteration_bounds = array<i64: 2, 16>, scalar_prefetch = 0 : i64, scratch_operands = 3 : i64, tpu.core_type = #tpu.core_type<sc_vector_subcore>, window_params = [{transform_indices = #map}, {transform_indices = #map1}, {transform_indices = #map}]} {
    %mul3A = arith.constant 2 : i32
    %mul3A_0 = arith.muli %arg1, %mul3A : i32
    %add3A = arith.addi %mul3A_0, %arg0 : i32
    %mul3A_1 = arith.constant 15000 : i32
    %mul3A_2 = arith.muli %add3A, %mul3A_1 : i32
    %scan3A = arith.constant 0 : i32
    %scan3A_3 = arith.constant 0 : i32
    %scan3A_4 = arith.constant 15 : i32
    %scan3A_5 = arith.addi %scan3A_3, %scan3A_4 : i32
    %scan3A_6 = arith.constant 1 : i32
    scf.for %scan3A_8 = %scan3A_3 to %scan3A_5 step %scan3A_6  : i32 {
      %mul3A_9 = arith.constant 1000 : i32
      %mul3A_10 = arith.muli %scan3A_8, %mul3A_9 : i32
      %add3A_11 = arith.addi %mul3A_2, %mul3A_10 : i32
      "tpu.region"() ({
        %run_scoped3A = tpu.sem_alloc : memref<!tpu.dma_semaphore, #tpu.memory_space<semaphore_mem>>
        %dma_start3A_16 = tpu.memref_slice %arg3[%add3A_11] : memref<480000xi32, #tpu.memory_space<hbm>> -> memref<1000xi32, #tpu.memory_space<hbm>>
        %dma_start3A_17 = tpu.memref_slice %arg3[%add3A_11] : memref<480000xi32, #tpu.memory_space<hbm>> -> memref<1000xi32, #tpu.memory_space<hbm>>
        tpu.enqueue_dma source(%dma_start3A_17 : memref<1000xi32, #tpu.memory_space<hbm>>) target(%arg5 : memref<1000xi32, #tpu.memory_space<vmem>>) target_semaphore(%run_scoped3A : memref<!tpu.dma_semaphore, #tpu.memory_space<semaphore_mem>>)
        %dma_wait3A_18 = tpu.memref_slice %arg3[%add3A_11] : memref<480000xi32, #tpu.memory_space<hbm>> -> memref<1000xi32, #tpu.memory_space<hbm>>
        %dma_wait3A_19 = tpu.memref_slice %arg3[%add3A_11] : memref<480000xi32, #tpu.memory_space<hbm>> -> memref<1000xi32, #tpu.memory_space<hbm>>
        tpu.wait_dma2 semaphore(%run_scoped3A : memref<!tpu.dma_semaphore, #tpu.memory_space<semaphore_mem>>) src(%dma_wait3A_19 : memref<1000xi32, #tpu.memory_space<hbm>>) dst(%arg5 : memref<1000xi32, #tpu.memory_space<vmem>>)
        tpu.yield
      }) : () -> ()
      %dma_start3A = arith.constant 0 : i32
      %dma_start3A_12 = arith.constant 0 : i32
      %dma_start3A_13 = tpu.memref_slice %arg2[%dma_start3A, %dma_start3A_12] : memref<10000x128xf32, #tpu.memory_space<hbm>> -> memref<10000x128xf32, #tpu.memory_space<hbm>>
      tpu.enqueue_indirect_dma source(%dma_start3A_13 : memref<10000x128xf32, #tpu.memory_space<hbm>>) target(%arg6 : memref<1000x128xf32, #tpu.memory_space<vmem>>) offsets(%arg5 : memref<1000xi32, #tpu.memory_space<vmem>>) semaphore(%arg7 : memref<!tpu.dma_semaphore, #tpu.memory_space<semaphore_mem>>)
      %dma_wait3A = arith.constant 0 : i32
      %dma_wait3A_14 = arith.constant 0 : i32
      %dma_wait3A_15 = tpu.memref_slice %arg2[%dma_wait3A, %dma_wait3A_14] : memref<10000x128xf32, #tpu.memory_space<hbm>> -> memref<10000x128xf32, #tpu.memory_space<hbm>>
      tpu.wait_indirect_dma semaphore(%arg7 : memref<!tpu.dma_semaphore, #tpu.memory_space<semaphore_mem>>) src(%dma_wait3A_15 : memref<10000x128xf32, #tpu.memory_space<hbm>>) dst(%arg6 : memref<1000x128xf32, #tpu.memory_space<vmem>>)
      "tpu.region"() ({
        %run_scoped3A = tpu.sem_alloc : memref<!tpu.dma_semaphore, #tpu.memory_space<semaphore_mem>>
        %dma_start3A_16 = arith.constant 0 : i32
        %dma_start3A_17 = tpu.memref_slice %arg4[%add3A_11, %dma_start3A_16] : memref<480000x128xf32, #tpu.memory_space<hbm>> -> memref<1000x128xf32, #tpu.memory_space<hbm>>
        %dma_start3A_18 = arith.constant 0 : i32
        %dma_start3A_19 = tpu.memref_slice %arg4[%add3A_11, %dma_start3A_18] : memref<480000x128xf32, #tpu.memory_space<hbm>> -> memref<1000x128xf32, #tpu.memory_space<hbm>>
        tpu.enqueue_dma source(%arg6 : memref<1000x128xf32, #tpu.memory_space<vmem>>) target(%dma_start3A_19 : memref<1000x128xf32, #tpu.memory_space<hbm>>) target_semaphore(%run_scoped3A : memref<!tpu.dma_semaphore, #tpu.memory_space<semaphore_mem>>)
        %dma_wait3A_20 = arith.constant 0 : i32
        %dma_wait3A_21 = tpu.memref_slice %arg4[%add3A_11, %dma_wait3A_20] : memref<480000x128xf32, #tpu.memory_space<hbm>> -> memref<1000x128xf32, #tpu.memory_space<hbm>>
        %dma_wait3A_22 = arith.constant 0 : i32
        %dma_wait3A_23 = tpu.memref_slice %arg4[%add3A_11, %dma_wait3A_22] : memref<480000x128xf32, #tpu.memory_space<hbm>> -> memref<1000x128xf32, #tpu.memory_space<hbm>>
        tpu.wait_dma2 semaphore(%run_scoped3A : memref<!tpu.dma_semaphore, #tpu.memory_space<semaphore_mem>>) src(%arg6 : memref<1000x128xf32, #tpu.memory_space<vmem>>) dst(%dma_wait3A_23 : memref<1000x128xf32, #tpu.memory_space<hbm>>)
        tpu.yield
      }) : () -> ()
    }
    %scan3A_7 = arith.constant 15 : i32
    return
  }
}

#map = affine_map<(d0, d1) -> (0, 0)>
#map1 = affine_map<(d0, d1) -> (0)>
module attributes {stable_mosaic.version = 14 : i64} {
  func.func @gk(%arg0: i32, %arg1: i32, %arg2: memref<160000x128xf32, #tpu.memory_space<hbm>>, %arg3: memref<160000xi32, #tpu.memory_space<hbm>>, %arg4: memref<160000x128xf32, #tpu.memory_space<hbm>>, %arg5: memref<1000xi32, #tpu.memory_space<vmem>>, %arg6: memref<1000x128xf32, #tpu.memory_space<vmem>>, %arg7: memref<!tpu.dma_semaphore, #tpu.memory_space<semaphore_mem>>) attributes {dimension_semantics = [#tpu.dimension_semantics<core_parallel>, #tpu.dimension_semantics<subcore_parallel>], iteration_bounds = array<i64: 2, 16>, scalar_prefetch = 0 : i64, scratch_operands = 3 : i64, tpu.core_type = #tpu.core_type<sc_vector_subcore>, window_params = [{transform_indices = #map}, {transform_indices = #map1}, {transform_indices = #map}]} {
    %mul3A = arith.constant 2 : i32
    %mul3A_0 = arith.muli %arg1, %mul3A : i32
    %add3A = arith.addi %mul3A_0, %arg0 : i32
    %mul3A_1 = arith.constant 5000 : i32
    %mul3A_2 = arith.muli %add3A, %mul3A_1 : i32
    %scan3A = arith.constant 0 : i32
    %scan3A_3 = arith.constant 0 : i32
    %scan3A_4 = arith.constant 5 : i32
    %scan3A_5 = arith.addi %scan3A_3, %scan3A_4 : i32
    %scan3A_6 = arith.constant 1 : i32
    scf.for %scan3A_8 = %scan3A_3 to %scan3A_5 step %scan3A_6  : i32 {
      %mul3A_9 = arith.constant 1000 : i32
      %mul3A_10 = arith.muli %scan3A_8, %mul3A_9 : i32
      %add3A_11 = arith.addi %mul3A_2, %mul3A_10 : i32
      "tpu.region"() ({
        %run_scoped3A = tpu.sem_alloc : memref<!tpu.dma_semaphore, #tpu.memory_space<semaphore_mem>>
        %dma_start3A_16 = tpu.memref_slice %arg3[%add3A_11] : memref<160000xi32, #tpu.memory_space<hbm>> -> memref<1000xi32, #tpu.memory_space<hbm>>
        %dma_start3A_17 = tpu.memref_slice %arg3[%add3A_11] : memref<160000xi32, #tpu.memory_space<hbm>> -> memref<1000xi32, #tpu.memory_space<hbm>>
        tpu.enqueue_dma source(%dma_start3A_17 : memref<1000xi32, #tpu.memory_space<hbm>>) target(%arg5 : memref<1000xi32, #tpu.memory_space<vmem>>) target_semaphore(%run_scoped3A : memref<!tpu.dma_semaphore, #tpu.memory_space<semaphore_mem>>)
        %dma_wait3A_18 = tpu.memref_slice %arg3[%add3A_11] : memref<160000xi32, #tpu.memory_space<hbm>> -> memref<1000xi32, #tpu.memory_space<hbm>>
        %dma_wait3A_19 = tpu.memref_slice %arg3[%add3A_11] : memref<160000xi32, #tpu.memory_space<hbm>> -> memref<1000xi32, #tpu.memory_space<hbm>>
        tpu.wait_dma2 semaphore(%run_scoped3A : memref<!tpu.dma_semaphore, #tpu.memory_space<semaphore_mem>>) src(%dma_wait3A_19 : memref<1000xi32, #tpu.memory_space<hbm>>) dst(%arg5 : memref<1000xi32, #tpu.memory_space<vmem>>)
        tpu.yield
      }) : () -> ()
      %dma_start3A = arith.constant 0 : i32
      %dma_start3A_12 = arith.constant 0 : i32
      %dma_start3A_13 = tpu.memref_slice %arg2[%dma_start3A, %dma_start3A_12] : memref<160000x128xf32, #tpu.memory_space<hbm>> -> memref<160000x128xf32, #tpu.memory_space<hbm>>
      tpu.enqueue_indirect_dma source(%dma_start3A_13 : memref<160000x128xf32, #tpu.memory_space<hbm>>) target(%arg6 : memref<1000x128xf32, #tpu.memory_space<vmem>>) offsets(%arg5 : memref<1000xi32, #tpu.memory_space<vmem>>) semaphore(%arg7 : memref<!tpu.dma_semaphore, #tpu.memory_space<semaphore_mem>>)
      %dma_wait3A = arith.constant 0 : i32
      %dma_wait3A_14 = arith.constant 0 : i32
      %dma_wait3A_15 = tpu.memref_slice %arg2[%dma_wait3A, %dma_wait3A_14] : memref<160000x128xf32, #tpu.memory_space<hbm>> -> memref<160000x128xf32, #tpu.memory_space<hbm>>
      tpu.wait_indirect_dma semaphore(%arg7 : memref<!tpu.dma_semaphore, #tpu.memory_space<semaphore_mem>>) src(%dma_wait3A_15 : memref<160000x128xf32, #tpu.memory_space<hbm>>) dst(%arg6 : memref<1000x128xf32, #tpu.memory_space<vmem>>)
      "tpu.region"() ({
        %run_scoped3A = tpu.sem_alloc : memref<!tpu.dma_semaphore, #tpu.memory_space<semaphore_mem>>
        %dma_start3A_16 = arith.constant 0 : i32
        %dma_start3A_17 = tpu.memref_slice %arg4[%add3A_11, %dma_start3A_16] : memref<160000x128xf32, #tpu.memory_space<hbm>> -> memref<1000x128xf32, #tpu.memory_space<hbm>>
        %dma_start3A_18 = arith.constant 0 : i32
        %dma_start3A_19 = tpu.memref_slice %arg4[%add3A_11, %dma_start3A_18] : memref<160000x128xf32, #tpu.memory_space<hbm>> -> memref<1000x128xf32, #tpu.memory_space<hbm>>
        tpu.enqueue_dma source(%arg6 : memref<1000x128xf32, #tpu.memory_space<vmem>>) target(%dma_start3A_19 : memref<1000x128xf32, #tpu.memory_space<hbm>>) target_semaphore(%run_scoped3A : memref<!tpu.dma_semaphore, #tpu.memory_space<semaphore_mem>>)
        %dma_wait3A_20 = arith.constant 0 : i32
        %dma_wait3A_21 = tpu.memref_slice %arg4[%add3A_11, %dma_wait3A_20] : memref<160000x128xf32, #tpu.memory_space<hbm>> -> memref<1000x128xf32, #tpu.memory_space<hbm>>
        %dma_wait3A_22 = arith.constant 0 : i32
        %dma_wait3A_23 = tpu.memref_slice %arg4[%add3A_11, %dma_wait3A_22] : memref<160000x128xf32, #tpu.memory_space<hbm>> -> memref<1000x128xf32, #tpu.memory_space<hbm>>
        tpu.wait_dma2 semaphore(%run_scoped3A : memref<!tpu.dma_semaphore, #tpu.memory_space<semaphore_mem>>) src(%arg6 : memref<1000x128xf32, #tpu.memory_space<vmem>>) dst(%dma_wait3A_23 : memref<1000x128xf32, #tpu.memory_space<hbm>>)
        tpu.yield
      }) : () -> ()
    }
    %scan3A_7 = arith.constant 5 : i32
    return
  }
}

#map = affine_map<(d0, d1) -> (0, 0)>
#map1 = affine_map<(d0, d1) -> (0)>
module attributes {stable_mosaic.version = 14 : i64} {
  func.func @gk(%arg0: i32, %arg1: i32, %arg2: memref<160000x128xf32, #tpu.memory_space<hbm>>, %arg3: memref<160000xi32, #tpu.memory_space<hbm>>, %arg4: memref<160000x128xf32, #tpu.memory_space<hbm>>, %arg5: memref<1000xi32, #tpu.memory_space<vmem>>, %arg6: memref<1000x128xf32, #tpu.memory_space<vmem>>, %arg7: memref<!tpu.dma_semaphore, #tpu.memory_space<semaphore_mem>>) attributes {dimension_semantics = [#tpu.dimension_semantics<core_parallel>, #tpu.dimension_semantics<subcore_parallel>], iteration_bounds = array<i64: 2, 16>, scalar_prefetch = 0 : i64, scratch_operands = 3 : i64, tpu.core_type = #tpu.core_type<sc_vector_subcore>, window_params = [{transform_indices = #map}, {transform_indices = #map1}, {transform_indices = #map}]} {
    %mul3A = arith.constant 2 : i32
    %mul3A_0 = arith.muli %arg1, %mul3A : i32
    %add3A = arith.addi %mul3A_0, %arg0 : i32
    %mul3A_1 = arith.constant 5000 : i32
    %mul3A_2 = arith.muli %add3A, %mul3A_1 : i32
    %scan3A = arith.constant 0 : i32
    %scan3A_3 = arith.constant 0 : i32
    %scan3A_4 = arith.constant 5 : i32
    %scan3A_5 = arith.addi %scan3A_3, %scan3A_4 : i32
    %scan3A_6 = arith.constant 1 : i32
    scf.for %scan3A_8 = %scan3A_3 to %scan3A_5 step %scan3A_6  : i32 {
      %mul3A_9 = arith.constant 1000 : i32
      %mul3A_10 = arith.muli %scan3A_8, %mul3A_9 : i32
      %add3A_11 = arith.addi %mul3A_2, %mul3A_10 : i32
      "tpu.region"() ({
        %run_scoped3A = tpu.sem_alloc : memref<!tpu.dma_semaphore, #tpu.memory_space<semaphore_mem>>
        %dma_start3A_16 = tpu.memref_slice %arg3[%add3A_11] : memref<160000xi32, #tpu.memory_space<hbm>> -> memref<1000xi32, #tpu.memory_space<hbm>>
        %dma_start3A_17 = tpu.memref_slice %arg3[%add3A_11] : memref<160000xi32, #tpu.memory_space<hbm>> -> memref<1000xi32, #tpu.memory_space<hbm>>
        tpu.enqueue_dma source(%dma_start3A_17 : memref<1000xi32, #tpu.memory_space<hbm>>) target(%arg5 : memref<1000xi32, #tpu.memory_space<vmem>>) target_semaphore(%run_scoped3A : memref<!tpu.dma_semaphore, #tpu.memory_space<semaphore_mem>>)
        %dma_wait3A_18 = tpu.memref_slice %arg3[%add3A_11] : memref<160000xi32, #tpu.memory_space<hbm>> -> memref<1000xi32, #tpu.memory_space<hbm>>
        %dma_wait3A_19 = tpu.memref_slice %arg3[%add3A_11] : memref<160000xi32, #tpu.memory_space<hbm>> -> memref<1000xi32, #tpu.memory_space<hbm>>
        tpu.wait_dma2 semaphore(%run_scoped3A : memref<!tpu.dma_semaphore, #tpu.memory_space<semaphore_mem>>) src(%dma_wait3A_19 : memref<1000xi32, #tpu.memory_space<hbm>>) dst(%arg5 : memref<1000xi32, #tpu.memory_space<vmem>>)
        tpu.yield
      }) : () -> ()
      %dma_start3A = arith.constant 0 : i32
      %dma_start3A_12 = arith.constant 0 : i32
      %dma_start3A_13 = tpu.memref_slice %arg2[%dma_start3A, %dma_start3A_12] : memref<160000x128xf32, #tpu.memory_space<hbm>> -> memref<160000x128xf32, #tpu.memory_space<hbm>>
      tpu.enqueue_indirect_dma source(%dma_start3A_13 : memref<160000x128xf32, #tpu.memory_space<hbm>>) target(%arg6 : memref<1000x128xf32, #tpu.memory_space<vmem>>) offsets(%arg5 : memref<1000xi32, #tpu.memory_space<vmem>>) semaphore(%arg7 : memref<!tpu.dma_semaphore, #tpu.memory_space<semaphore_mem>>)
      %dma_wait3A = arith.constant 0 : i32
      %dma_wait3A_14 = arith.constant 0 : i32
      %dma_wait3A_15 = tpu.memref_slice %arg2[%dma_wait3A, %dma_wait3A_14] : memref<160000x128xf32, #tpu.memory_space<hbm>> -> memref<160000x128xf32, #tpu.memory_space<hbm>>
      tpu.wait_indirect_dma semaphore(%arg7 : memref<!tpu.dma_semaphore, #tpu.memory_space<semaphore_mem>>) src(%dma_wait3A_15 : memref<160000x128xf32, #tpu.memory_space<hbm>>) dst(%arg6 : memref<1000x128xf32, #tpu.memory_space<vmem>>)
      "tpu.region"() ({
        %run_scoped3A = tpu.sem_alloc : memref<!tpu.dma_semaphore, #tpu.memory_space<semaphore_mem>>
        %dma_start3A_16 = arith.constant 0 : i32
        %dma_start3A_17 = tpu.memref_slice %arg4[%add3A_11, %dma_start3A_16] : memref<160000x128xf32, #tpu.memory_space<hbm>> -> memref<1000x128xf32, #tpu.memory_space<hbm>>
        %dma_start3A_18 = arith.constant 0 : i32
        %dma_start3A_19 = tpu.memref_slice %arg4[%add3A_11, %dma_start3A_18] : memref<160000x128xf32, #tpu.memory_space<hbm>> -> memref<1000x128xf32, #tpu.memory_space<hbm>>
        tpu.enqueue_dma source(%arg6 : memref<1000x128xf32, #tpu.memory_space<vmem>>) target(%dma_start3A_19 : memref<1000x128xf32, #tpu.memory_space<hbm>>) target_semaphore(%run_scoped3A : memref<!tpu.dma_semaphore, #tpu.memory_space<semaphore_mem>>)
        %dma_wait3A_20 = arith.constant 0 : i32
        %dma_wait3A_21 = tpu.memref_slice %arg4[%add3A_11, %dma_wait3A_20] : memref<160000x128xf32, #tpu.memory_space<hbm>> -> memref<1000x128xf32, #tpu.memory_space<hbm>>
        %dma_wait3A_22 = arith.constant 0 : i32
        %dma_wait3A_23 = tpu.memref_slice %arg4[%add3A_11, %dma_wait3A_22] : memref<160000x128xf32, #tpu.memory_space<hbm>> -> memref<1000x128xf32, #tpu.memory_space<hbm>>
        tpu.wait_dma2 semaphore(%run_scoped3A : memref<!tpu.dma_semaphore, #tpu.memory_space<semaphore_mem>>) src(%arg6 : memref<1000x128xf32, #tpu.memory_space<vmem>>) dst(%dma_wait3A_23 : memref<1000x128xf32, #tpu.memory_space<hbm>>)
        tpu.yield
      }) : () -> ()
    }
    %scan3A_7 = arith.constant 5 : i32
    return
  }
}

module attributes {stable_mosaic.version = 14 : i64} {
  func.func @_geom_body(%arg0: i32, %arg1: memref<1250x128xf32, #tpu.memory_space<vmem>>, %arg2: memref<1250x128xf32, #tpu.memory_space<vmem>>, %arg3: memref<1250x128xf32, #tpu.memory_space<vmem>>, %arg4: memref<1250x128xf32, #tpu.memory_space<vmem>>, %arg5: memref<1250x128xf32, #tpu.memory_space<vmem>>, %arg6: memref<1250x128xf32, #tpu.memory_space<vmem>>, %arg7: memref<1250x128xf32, #tpu.memory_space<vmem>>, %arg8: memref<1250x128xf32, #tpu.memory_space<vmem>>, %arg9: memref<1250x128xf32, #tpu.memory_space<vmem>>, %arg10: memref<1250x128xf32, #tpu.memory_space<vmem>>, %arg11: memref<8x1250x128xf32, #tpu.memory_space<vmem>>, %arg12: memref<8x1250x128xf32, #tpu.memory_space<vmem>>, %arg13: memref<8x1250x128xf32, #tpu.memory_space<vmem>>, %arg14: memref<8x1250x128xf32, #tpu.memory_space<vmem>>) attributes {dimension_semantics = [#tpu.dimension_semantics<arbitrary>], iteration_bounds = array<i64: 1>, scalar_prefetch = 0 : i64, scratch_operands = 0 : i64, tpu.core_type = #tpu.core_type<tc>, window_params = [{transform_indices = @transform_0, window_bounds = array<i64: 1250, 128>}, {transform_indices = @transform_1, window_bounds = array<i64: 1250, 128>}, {transform_indices = @transform_2, window_bounds = array<i64: 1250, 128>}, {transform_indices = @transform_3, window_bounds = array<i64: 1250, 128>}, {transform_indices = @transform_4, window_bounds = array<i64: 1250, 128>}, {transform_indices = @transform_5, window_bounds = array<i64: 1250, 128>}, {transform_indices = @transform_6, window_bounds = array<i64: 1250, 128>}, {transform_indices = @transform_7, window_bounds = array<i64: 1250, 128>}, {transform_indices = @transform_8, window_bounds = array<i64: 1250, 128>}, {transform_indices = @transform_9, window_bounds = array<i64: 1250, 128>}, {transform_indices = @transform_10, window_bounds = array<i64: 8, 1250, 128>}, {transform_indices = @transform_11, window_bounds = array<i64: 8, 1250, 128>}, {transform_indices = @transform_12, window_bounds = array<i64: 8, 1250, 128>}, {transform_indices = @transform_13, window_bounds = array<i64: 8, 1250, 128>}]} {
    %get3A = arith.constant 0 : index
    %get3A_0 = arith.constant 0 : index
    %get3A_1 = vector.load %arg1[%get3A, %get3A_0] : memref<1250x128xf32, #tpu.memory_space<vmem>>, vector<1250x128xf32>
    %get3A_2 = arith.constant 0 : index
    %get3A_3 = arith.constant 0 : index
    %get3A_4 = vector.load %arg4[%get3A_2, %get3A_3] : memref<1250x128xf32, #tpu.memory_space<vmem>>, vector<1250x128xf32>
    %sub3A = arith.subf %get3A_1, %get3A_4 : vector<1250x128xf32>
    %get3A_5 = arith.constant 0 : index
    %get3A_6 = arith.constant 0 : index
    %get3A_7 = vector.load %arg2[%get3A_5, %get3A_6] : memref<1250x128xf32, #tpu.memory_space<vmem>>, vector<1250x128xf32>
    %get3A_8 = arith.constant 0 : index
    %get3A_9 = arith.constant 0 : index
    %get3A_10 = vector.load %arg5[%get3A_8, %get3A_9] : memref<1250x128xf32, #tpu.memory_space<vmem>>, vector<1250x128xf32>
    %sub3A_11 = arith.subf %get3A_7, %get3A_10 : vector<1250x128xf32>
    %get3A_12 = arith.constant 0 : index
    %get3A_13 = arith.constant 0 : index
    %get3A_14 = vector.load %arg3[%get3A_12, %get3A_13] : memref<1250x128xf32, #tpu.memory_space<vmem>>, vector<1250x128xf32>
    %get3A_15 = arith.constant 0 : index
    %get3A_16 = arith.constant 0 : index
    %get3A_17 = vector.load %arg6[%get3A_15, %get3A_16] : memref<1250x128xf32, #tpu.memory_space<vmem>>, vector<1250x128xf32>
    %sub3A_18 = arith.subf %get3A_14, %get3A_17 : vector<1250x128xf32>
    %get3A_19 = arith.constant 0 : index
    %get3A_20 = arith.constant 0 : index
    %get3A_21 = vector.load %arg7[%get3A_19, %get3A_20] : memref<1250x128xf32, #tpu.memory_space<vmem>>, vector<1250x128xf32>
    %get3A_22 = arith.constant 0 : index
    %get3A_23 = arith.constant 0 : index
    %get3A_24 = vector.load %arg4[%get3A_22, %get3A_23] : memref<1250x128xf32, #tpu.memory_space<vmem>>, vector<1250x128xf32>
    %sub3A_25 = arith.subf %get3A_21, %get3A_24 : vector<1250x128xf32>
    %get3A_26 = arith.constant 0 : index
    %get3A_27 = arith.constant 0 : index
    %get3A_28 = vector.load %arg8[%get3A_26, %get3A_27] : memref<1250x128xf32, #tpu.memory_space<vmem>>, vector<1250x128xf32>
    %get3A_29 = arith.constant 0 : index
    %get3A_30 = arith.constant 0 : index
    %get3A_31 = vector.load %arg5[%get3A_29, %get3A_30] : memref<1250x128xf32, #tpu.memory_space<vmem>>, vector<1250x128xf32>
    %sub3A_32 = arith.subf %get3A_28, %get3A_31 : vector<1250x128xf32>
    %get3A_33 = arith.constant 0 : index
    %get3A_34 = arith.constant 0 : index
    %get3A_35 = vector.load %arg9[%get3A_33, %get3A_34] : memref<1250x128xf32, #tpu.memory_space<vmem>>, vector<1250x128xf32>
    %get3A_36 = arith.constant 0 : index
    %get3A_37 = arith.constant 0 : index
    %get3A_38 = vector.load %arg6[%get3A_36, %get3A_37] : memref<1250x128xf32, #tpu.memory_space<vmem>>, vector<1250x128xf32>
    %sub3A_39 = arith.subf %get3A_35, %get3A_38 : vector<1250x128xf32>
    %mul3A = arith.mulf %sub3A, %sub3A : vector<1250x128xf32>
    %mul3A_40 = arith.mulf %sub3A_11, %sub3A_11 : vector<1250x128xf32>
    %add3A = arith.addf %mul3A, %mul3A_40 : vector<1250x128xf32>
    %mul3A_41 = arith.mulf %sub3A_18, %sub3A_18 : vector<1250x128xf32>
    %add3A_42 = arith.addf %add3A, %mul3A_41 : vector<1250x128xf32>
    %add3A_43 = arith.constant 9.99999996E-13 : f32
    %add3A_44 = vector.broadcast %add3A_43 : f32 to vector<1250x128xf32>
    %add3A_45 = arith.addf %add3A_42, %add3A_44 : vector<1250x128xf32>
    %sqrt3A = math.sqrt %add3A_45 : vector<1250x128xf32>
    %mul3A_46 = arith.constant 2.000000e-01 : f32
    %mul3A_47 = vector.broadcast %mul3A_46 : f32 to vector<1250x128xf32>
    %mul3A_48 = arith.mulf %sqrt3A, %mul3A_47 : vector<1250x128xf32>
    %jit3A = arith.constant 5.000000e-02 : f32
    %jit3A_49 = arith.constant 1.000000e+00 : f32
    %max3A = vector.broadcast %jit3A : f32 to vector<1250x128xf32>
    %max3A_50 = arith.maximumf %max3A, %mul3A_48 : vector<1250x128xf32>
    %min3A = vector.broadcast %jit3A_49 : f32 to vector<1250x128xf32>
    %min3A_51 = arith.minimumf %min3A, %max3A_50 : vector<1250x128xf32>
    %div3A = arith.constant 1.000000e+00 : f32
    %div3A_52 = vector.broadcast %div3A : f32 to vector<1250x128xf32>
    %div3A_53 = arith.divf %div3A_52, %min3A_51 : vector<1250x128xf32>
    %mul3A_54 = arith.mulf %min3A_51, %min3A_51 : vector<1250x128xf32>
    %mul3A_55 = arith.mulf %mul3A_54, %mul3A_54 : vector<1250x128xf32>
    %mul3A_56 = arith.mulf %mul3A_55, %min3A_51 : vector<1250x128xf32>
    %mul3A_57 = arith.mulf %mul3A_56, %min3A_51 : vector<1250x128xf32>
    %mul3A_58 = arith.mulf %mul3A_57, %min3A_51 : vector<1250x128xf32>
    %mul3A_59 = arith.constant 2.800000e+01 : f32
    %mul3A_60 = vector.broadcast %mul3A_59 : f32 to vector<1250x128xf32>
    %mul3A_61 = arith.mulf %mul3A_60, %mul3A_56 : vector<1250x128xf32>
    %sub3A_62 = arith.subf %div3A_53, %mul3A_61 : vector<1250x128xf32>
    %mul3A_63 = arith.constant 4.800000e+01 : f32
    %mul3A_64 = vector.broadcast %mul3A_63 : f32 to vector<1250x128xf32>
    %mul3A_65 = arith.mulf %mul3A_64, %mul3A_57 : vector<1250x128xf32>
    %add3A_66 = arith.addf %sub3A_62, %mul3A_65 : vector<1250x128xf32>
    %mul3A_67 = arith.constant 2.100000e+01 : f32
    %mul3A_68 = vector.broadcast %mul3A_67 : f32 to vector<1250x128xf32>
    %mul3A_69 = arith.mulf %mul3A_68, %mul3A_58 : vector<1250x128xf32>
    %sub3A_70 = arith.subf %add3A_66, %mul3A_69 : vector<1250x128xf32>
    %mul3A_71 = arith.constant 3.14159274 : f32
    %mul3A_72 = vector.broadcast %mul3A_71 : f32 to vector<1250x128xf32>
    %mul3A_73 = arith.mulf %mul3A_72, %min3A_51 : vector<1250x128xf32>
    %sin3A = math.sin %mul3A_73 : vector<1250x128xf32>
    %mul3A_74 = arith.constant 3.14159274 : f32
    %mul3A_75 = vector.broadcast %mul3A_74 : f32 to vector<1250x128xf32>
    %mul3A_76 = arith.mulf %mul3A_75, %min3A_51 : vector<1250x128xf32>
    %cos3A = math.cos %mul3A_76 : vector<1250x128xf32>
    %mul3A_77 = arith.mulf %sub3A_70, %sin3A : vector<1250x128xf32>
    %mul3A_78 = arith.mulf %sin3A, %cos3A : vector<1250x128xf32>
    %mul3A_79 = arith.mulf %cos3A, %sin3A : vector<1250x128xf32>
    %add3A_80 = arith.addf %mul3A_78, %mul3A_79 : vector<1250x128xf32>
    %mul3A_81 = arith.mulf %cos3A, %cos3A : vector<1250x128xf32>
    %mul3A_82 = arith.mulf %sin3A, %sin3A : vector<1250x128xf32>
    %sub3A_83 = arith.subf %mul3A_81, %mul3A_82 : vector<1250x128xf32>
    %mul3A_84 = arith.mulf %sub3A_70, %add3A_80 : vector<1250x128xf32>
    %mul3A_85 = arith.mulf %add3A_80, %cos3A : vector<1250x128xf32>
    %mul3A_86 = arith.mulf %sub3A_83, %sin3A : vector<1250x128xf32>
    %add3A_87 = arith.addf %mul3A_85, %mul3A_86 : vector<1250x128xf32>
    %mul3A_88 = arith.mulf %sub3A_83, %cos3A : vector<1250x128xf32>
    %mul3A_89 = arith.mulf %add3A_80, %sin3A : vector<1250x128xf32>
    %sub3A_90 = arith.subf %mul3A_88, %mul3A_89 : vector<1250x128xf32>
    %mul3A_91 = arith.mulf %sub3A_70, %add3A_87 : vector<1250x128xf32>
    %mul3A_92 = arith.mulf %add3A_87, %cos3A : vector<1250x128xf32>
    %mul3A_93 = arith.mulf %sub3A_90, %sin3A : vector<1250x128xf32>
    %add3A_94 = arith.addf %mul3A_92, %mul3A_93 : vector<1250x128xf32>
    %mul3A_95 = arith.mulf %sub3A_90, %cos3A : vector<1250x128xf32>
    %mul3A_96 = arith.mulf %add3A_87, %sin3A : vector<1250x128xf32>
    %sub3A_97 = arith.subf %mul3A_95, %mul3A_96 : vector<1250x128xf32>
    %mul3A_98 = arith.mulf %sub3A_70, %add3A_94 : vector<1250x128xf32>
    %mul3A_99 = arith.mulf %add3A_94, %cos3A : vector<1250x128xf32>
    %mul3A_100 = arith.mulf %sub3A_97, %sin3A : vector<1250x128xf32>
    %add3A_101 = arith.addf %mul3A_99, %mul3A_100 : vector<1250x128xf32>
    %mul3A_102 = arith.mulf %sub3A_97, %cos3A : vector<1250x128xf32>
    %mul3A_103 = arith.mulf %add3A_94, %sin3A : vector<1250x128xf32>
    %sub3A_104 = arith.subf %mul3A_102, %mul3A_103 : vector<1250x128xf32>
    %mul3A_105 = arith.mulf %sub3A_70, %add3A_101 : vector<1250x128xf32>
    %mul3A_106 = arith.mulf %add3A_101, %cos3A : vector<1250x128xf32>
    %mul3A_107 = arith.mulf %sub3A_104, %sin3A : vector<1250x128xf32>
    %add3A_108 = arith.addf %mul3A_106, %mul3A_107 : vector<1250x128xf32>
    %mul3A_109 = arith.mulf %sub3A_70, %add3A_108 : vector<1250x128xf32>
    %mul3A_110 = arith.mulf %sub3A_25, %sub3A_25 : vector<1250x128xf32>
    %mul3A_111 = arith.mulf %sub3A_32, %sub3A_32 : vector<1250x128xf32>
    %add3A_112 = arith.addf %mul3A_110, %mul3A_111 : vector<1250x128xf32>
    %mul3A_113 = arith.mulf %sub3A_39, %sub3A_39 : vector<1250x128xf32>
    %add3A_114 = arith.addf %add3A_112, %mul3A_113 : vector<1250x128xf32>
    %add3A_115 = arith.constant 9.99999996E-13 : f32
    %add3A_116 = vector.broadcast %add3A_115 : f32 to vector<1250x128xf32>
    %add3A_117 = arith.addf %add3A_114, %add3A_116 : vector<1250x128xf32>
    %sqrt3A_118 = math.sqrt %add3A_117 : vector<1250x128xf32>
    %mul3A_119 = arith.constant 2.000000e-01 : f32
    %mul3A_120 = vector.broadcast %mul3A_119 : f32 to vector<1250x128xf32>
    %mul3A_121 = arith.mulf %sqrt3A_118, %mul3A_120 : vector<1250x128xf32>
    %jit3A_122 = arith.constant 5.000000e-02 : f32
    %jit3A_123 = arith.constant 1.000000e+00 : f32
    %max3A_124 = vector.broadcast %jit3A_122 : f32 to vector<1250x128xf32>
    %max3A_125 = arith.maximumf %max3A_124, %mul3A_121 : vector<1250x128xf32>
    %min3A_126 = vector.broadcast %jit3A_123 : f32 to vector<1250x128xf32>
    %min3A_127 = arith.minimumf %min3A_126, %max3A_125 : vector<1250x128xf32>
    %div3A_128 = arith.constant 1.000000e+00 : f32
    %div3A_129 = vector.broadcast %div3A_128 : f32 to vector<1250x128xf32>
    %div3A_130 = arith.divf %div3A_129, %min3A_127 : vector<1250x128xf32>
    %mul3A_131 = arith.mulf %min3A_127, %min3A_127 : vector<1250x128xf32>
    %mul3A_132 = arith.mulf %mul3A_131, %mul3A_131 : vector<1250x128xf32>
    %mul3A_133 = arith.mulf %mul3A_132, %min3A_127 : vector<1250x128xf32>
    %mul3A_134 = arith.mulf %mul3A_133, %min3A_127 : vector<1250x128xf32>
    %mul3A_135 = arith.mulf %mul3A_134, %min3A_127 : vector<1250x128xf32>
    %mul3A_136 = arith.constant 2.800000e+01 : f32
    %mul3A_137 = vector.broadcast %mul3A_136 : f32 to vector<1250x128xf32>
    %mul3A_138 = arith.mulf %mul3A_137, %mul3A_133 : vector<1250x128xf32>
    %sub3A_139 = arith.subf %div3A_130, %mul3A_138 : vector<1250x128xf32>
    %mul3A_140 = arith.constant 4.800000e+01 : f32
    %mul3A_141 = vector.broadcast %mul3A_140 : f32 to vector<1250x128xf32>
    %mul3A_142 = arith.mulf %mul3A_141, %mul3A_134 : vector<1250x128xf32>
    %add3A_143 = arith.addf %sub3A_139, %mul3A_142 : vector<1250x128xf32>
    %mul3A_144 = arith.constant 2.100000e+01 : f32
    %mul3A_145 = vector.broadcast %mul3A_144 : f32 to vector<1250x128xf32>
    %mul3A_146 = arith.mulf %mul3A_145, %mul3A_135 : vector<1250x128xf32>
    %sub3A_147 = arith.subf %add3A_143, %mul3A_146 : vector<1250x128xf32>
    %mul3A_148 = arith.constant 3.14159274 : f32
    %mul3A_149 = vector.broadcast %mul3A_148 : f32 to vector<1250x128xf32>
    %mul3A_150 = arith.mulf %mul3A_149, %min3A_127 : vector<1250x128xf32>
    %sin3A_151 = math.sin %mul3A_150 : vector<1250x128xf32>
    %mul3A_152 = arith.constant 3.14159274 : f32
    %mul3A_153 = vector.broadcast %mul3A_152 : f32 to vector<1250x128xf32>
    %mul3A_154 = arith.mulf %mul3A_153, %min3A_127 : vector<1250x128xf32>
    %cos3A_155 = math.cos %mul3A_154 : vector<1250x128xf32>
    %mul3A_156 = arith.mulf %sub3A_147, %sin3A_151 : vector<1250x128xf32>
    %mul3A_157 = arith.mulf %sin3A_151, %cos3A_155 : vector<1250x128xf32>
    %mul3A_158 = arith.mulf %cos3A_155, %sin3A_151 : vector<1250x128xf32>
    %add3A_159 = arith.addf %mul3A_157, %mul3A_158 : vector<1250x128xf32>
    %mul3A_160 = arith.mulf %cos3A_155, %cos3A_155 : vector<1250x128xf32>
    %mul3A_161 = arith.mulf %sin3A_151, %sin3A_151 : vector<1250x128xf32>
    %sub3A_162 = arith.subf %mul3A_160, %mul3A_161 : vector<1250x128xf32>
    %mul3A_163 = arith.mulf %sub3A_147, %add3A_159 : vector<1250x128xf32>
    %mul3A_164 = arith.mulf %add3A_159, %cos3A_155 : vector<1250x128xf32>
    %mul3A_165 = arith.mulf %sub3A_162, %sin3A_151 : vector<1250x128xf32>
    %add3A_166 = arith.addf %mul3A_164, %mul3A_165 : vector<1250x128xf32>
    %mul3A_167 = arith.mulf %sub3A_162, %cos3A_155 : vector<1250x128xf32>
    %mul3A_168 = arith.mulf %add3A_159, %sin3A_151 : vector<1250x128xf32>
    %sub3A_169 = arith.subf %mul3A_167, %mul3A_168 : vector<1250x128xf32>
    %mul3A_170 = arith.mulf %sub3A_147, %add3A_166 : vector<1250x128xf32>
    %mul3A_171 = arith.mulf %add3A_166, %cos3A_155 : vector<1250x128xf32>
    %mul3A_172 = arith.mulf %sub3A_169, %sin3A_151 : vector<1250x128xf32>
    %add3A_173 = arith.addf %mul3A_171, %mul3A_172 : vector<1250x128xf32>
    %mul3A_174 = arith.mulf %sub3A_169, %cos3A_155 : vector<1250x128xf32>
    %mul3A_175 = arith.mulf %add3A_166, %sin3A_151 : vector<1250x128xf32>
    %sub3A_176 = arith.subf %mul3A_174, %mul3A_175 : vector<1250x128xf32>
    %mul3A_177 = arith.mulf %sub3A_147, %add3A_173 : vector<1250x128xf32>
    %mul3A_178 = arith.mulf %add3A_173, %cos3A_155 : vector<1250x128xf32>
    %mul3A_179 = arith.mulf %sub3A_176, %sin3A_151 : vector<1250x128xf32>
    %add3A_180 = arith.addf %mul3A_178, %mul3A_179 : vector<1250x128xf32>
    %mul3A_181 = arith.mulf %sub3A_176, %cos3A_155 : vector<1250x128xf32>
    %mul3A_182 = arith.mulf %add3A_173, %sin3A_151 : vector<1250x128xf32>
    %sub3A_183 = arith.subf %mul3A_181, %mul3A_182 : vector<1250x128xf32>
    %mul3A_184 = arith.mulf %sub3A_147, %add3A_180 : vector<1250x128xf32>
    %mul3A_185 = arith.mulf %add3A_180, %cos3A_155 : vector<1250x128xf32>
    %mul3A_186 = arith.mulf %sub3A_183, %sin3A_151 : vector<1250x128xf32>
    %add3A_187 = arith.addf %mul3A_185, %mul3A_186 : vector<1250x128xf32>
    %mul3A_188 = arith.mulf %sub3A_147, %add3A_187 : vector<1250x128xf32>
    %mul3A_189 = arith.mulf %sub3A, %sub3A_25 : vector<1250x128xf32>
    %mul3A_190 = arith.mulf %sub3A_11, %sub3A_32 : vector<1250x128xf32>
    %add3A_191 = arith.addf %mul3A_189, %mul3A_190 : vector<1250x128xf32>
    %mul3A_192 = arith.mulf %sub3A_18, %sub3A_39 : vector<1250x128xf32>
    %add3A_193 = arith.addf %add3A_191, %mul3A_192 : vector<1250x128xf32>
    %mul3A_194 = arith.mulf %sub3A_11, %sub3A_39 : vector<1250x128xf32>
    %mul3A_195 = arith.mulf %sub3A_18, %sub3A_32 : vector<1250x128xf32>
    %sub3A_196 = arith.subf %mul3A_194, %mul3A_195 : vector<1250x128xf32>
    %mul3A_197 = arith.mulf %sub3A_18, %sub3A_25 : vector<1250x128xf32>
    %mul3A_198 = arith.mulf %sub3A, %sub3A_39 : vector<1250x128xf32>
    %sub3A_199 = arith.subf %mul3A_197, %mul3A_198 : vector<1250x128xf32>
    %mul3A_200 = arith.mulf %sub3A, %sub3A_32 : vector<1250x128xf32>
    %mul3A_201 = arith.mulf %sub3A_11, %sub3A_25 : vector<1250x128xf32>
    %sub3A_202 = arith.subf %mul3A_200, %mul3A_201 : vector<1250x128xf32>
    %mul3A_203 = arith.mulf %sub3A_196, %sub3A_196 : vector<1250x128xf32>
    %mul3A_204 = arith.mulf %sub3A_199, %sub3A_199 : vector<1250x128xf32>
    %add3A_205 = arith.addf %mul3A_203, %mul3A_204 : vector<1250x128xf32>
    %mul3A_206 = arith.mulf %sub3A_202, %sub3A_202 : vector<1250x128xf32>
    %add3A_207 = arith.addf %add3A_205, %mul3A_206 : vector<1250x128xf32>
    %add3A_208 = arith.constant 9.99999996E-13 : f32
    %add3A_209 = vector.broadcast %add3A_208 : f32 to vector<1250x128xf32>
    %add3A_210 = arith.addf %add3A_207, %add3A_209 : vector<1250x128xf32>
    %mul3A_211 = arith.mulf %add3A_193, %add3A_193 : vector<1250x128xf32>
    %add3A_212 = arith.addf %mul3A_211, %add3A_210 : vector<1250x128xf32>
    %rsqrt3A = math.rsqrt %add3A_212 : vector<1250x128xf32>
    %mul3A_213 = arith.mulf %add3A_193, %rsqrt3A : vector<1250x128xf32>
    %add3A_214 = arith.constant 9.99999997E-7 : f32
    %add3A_215 = vector.broadcast %add3A_214 : f32 to vector<1250x128xf32>
    %add3A_216 = arith.addf %sub3A_202, %add3A_215 : vector<1250x128xf32>
    %mul3A_217 = arith.mulf %add3A_216, %add3A_216 : vector<1250x128xf32>
    %mul3A_218 = arith.mulf %sub3A_196, %sub3A_196 : vector<1250x128xf32>
    %add3A_219 = arith.addf %mul3A_217, %mul3A_218 : vector<1250x128xf32>
    %rsqrt3A_220 = math.rsqrt %add3A_219 : vector<1250x128xf32>
    %mul3A_221 = arith.mulf %add3A_216, %rsqrt3A_220 : vector<1250x128xf32>
    %get3A_222 = arith.constant 0 : index
    %get3A_223 = arith.constant 0 : index
    %get3A_224 = vector.load %arg10[%get3A_222, %get3A_223] : memref<1250x128xf32, #tpu.memory_space<vmem>>, vector<1250x128xf32>
    %broadcast_in_dim3A = arith.constant 1.000000e+00 : f32
    %broadcast_in_dim3A_225 = vector.broadcast %broadcast_in_dim3A : f32 to vector<1250x128xf32>
    %mul3A_226 = arith.constant 2.000000e+00 : f32
    %mul3A_227 = vector.broadcast %mul3A_226 : f32 to vector<1250x128xf32>
    %mul3A_228 = arith.mulf %mul3A_227, %mul3A_213 : vector<1250x128xf32>
    %mul3A_229 = arith.mulf %mul3A_228, %mul3A_213 : vector<1250x128xf32>
    %sub3A_230 = arith.subf %mul3A_229, %broadcast_in_dim3A_225 : vector<1250x128xf32>
    %mul3A_231 = arith.constant 2.000000e+00 : f32
    %mul3A_232 = vector.broadcast %mul3A_231 : f32 to vector<1250x128xf32>
    %mul3A_233 = arith.mulf %mul3A_232, %mul3A_213 : vector<1250x128xf32>
    %mul3A_234 = arith.mulf %mul3A_233, %sub3A_230 : vector<1250x128xf32>
    %sub3A_235 = arith.subf %mul3A_234, %mul3A_213 : vector<1250x128xf32>
    %mul3A_236 = arith.constant 2.000000e+00 : f32
    %mul3A_237 = vector.broadcast %mul3A_236 : f32 to vector<1250x128xf32>
    %mul3A_238 = arith.mulf %mul3A_237, %mul3A_213 : vector<1250x128xf32>
    %mul3A_239 = arith.mulf %mul3A_238, %sub3A_235 : vector<1250x128xf32>
    %sub3A_240 = arith.subf %mul3A_239, %sub3A_230 : vector<1250x128xf32>
    %mul3A_241 = arith.constant 2.000000e+00 : f32
    %mul3A_242 = vector.broadcast %mul3A_241 : f32 to vector<1250x128xf32>
    %mul3A_243 = arith.mulf %mul3A_242, %mul3A_213 : vector<1250x128xf32>
    %mul3A_244 = arith.mulf %mul3A_243, %sub3A_240 : vector<1250x128xf32>
    %sub3A_245 = arith.subf %mul3A_244, %sub3A_235 : vector<1250x128xf32>
    %mul3A_246 = arith.constant 2.000000e+00 : f32
    %mul3A_247 = vector.broadcast %mul3A_246 : f32 to vector<1250x128xf32>
    %mul3A_248 = arith.mulf %mul3A_247, %mul3A_213 : vector<1250x128xf32>
    %mul3A_249 = arith.mulf %mul3A_248, %sub3A_245 : vector<1250x128xf32>
    %sub3A_250 = arith.subf %mul3A_249, %sub3A_240 : vector<1250x128xf32>
    %mul3A_251 = arith.mulf %broadcast_in_dim3A_225, %get3A_224 : vector<1250x128xf32>
    %mul3A_252 = arith.mulf %mul3A_213, %get3A_224 : vector<1250x128xf32>
    %mul3A_253 = arith.mulf %sub3A_230, %get3A_224 : vector<1250x128xf32>
    %mul3A_254 = arith.mulf %sub3A_235, %get3A_224 : vector<1250x128xf32>
    %mul3A_255 = arith.mulf %sub3A_240, %get3A_224 : vector<1250x128xf32>
    %mul3A_256 = arith.mulf %sub3A_245, %get3A_224 : vector<1250x128xf32>
    %mul3A_257 = arith.mulf %sub3A_250, %get3A_224 : vector<1250x128xf32>
    %broadcast_in_dim3A_258 = arith.constant 1.000000e+00 : f32
    %broadcast_in_dim3A_259 = vector.broadcast %broadcast_in_dim3A_258 : f32 to vector<1250x128xf32>
    %mul3A_260 = arith.constant 2.000000e+00 : f32
    %mul3A_261 = vector.broadcast %mul3A_260 : f32 to vector<1250x128xf32>
    %mul3A_262 = arith.mulf %mul3A_261, %mul3A_221 : vector<1250x128xf32>
    %mul3A_263 = arith.mulf %mul3A_262, %mul3A_221 : vector<1250x128xf32>
    %sub3A_264 = arith.subf %mul3A_263, %broadcast_in_dim3A_259 : vector<1250x128xf32>
    %mul3A_265 = arith.constant 2.000000e+00 : f32
    %mul3A_266 = vector.broadcast %mul3A_265 : f32 to vector<1250x128xf32>
    %mul3A_267 = arith.mulf %mul3A_266, %mul3A_221 : vector<1250x128xf32>
    %mul3A_268 = arith.mulf %mul3A_267, %sub3A_264 : vector<1250x128xf32>
    %sub3A_269 = arith.subf %mul3A_268, %mul3A_221 : vector<1250x128xf32>
    %mul3A_270 = arith.constant 2.000000e+00 : f32
    %mul3A_271 = vector.broadcast %mul3A_270 : f32 to vector<1250x128xf32>
    %mul3A_272 = arith.mulf %mul3A_271, %mul3A_221 : vector<1250x128xf32>
    %mul3A_273 = arith.mulf %mul3A_272, %sub3A_269 : vector<1250x128xf32>
    %sub3A_274 = arith.subf %mul3A_273, %sub3A_264 : vector<1250x128xf32>
    %mul3A_275 = arith.constant 2.000000e+00 : f32
    %mul3A_276 = vector.broadcast %mul3A_275 : f32 to vector<1250x128xf32>
    %mul3A_277 = arith.mulf %mul3A_276, %mul3A_221 : vector<1250x128xf32>
    %mul3A_278 = arith.mulf %mul3A_277, %sub3A_274 : vector<1250x128xf32>
    %sub3A_279 = arith.subf %mul3A_278, %sub3A_269 : vector<1250x128xf32>
    %mul3A_280 = arith.constant 2.000000e+00 : f32
    %mul3A_281 = vector.broadcast %mul3A_280 : f32 to vector<1250x128xf32>
    %mul3A_282 = arith.mulf %mul3A_281, %mul3A_221 : vector<1250x128xf32>
    %mul3A_283 = arith.mulf %mul3A_282, %sub3A_279 : vector<1250x128xf32>
    %sub3A_284 = arith.subf %mul3A_283, %sub3A_274 : vector<1250x128xf32>
    %broadcast_in_dim3A_285 = arith.constant 0.000000e+00 : f32
    %broadcast_in_dim3A_286 = vector.broadcast %broadcast_in_dim3A_285 : f32 to vector<1250x128xf32>
    %swap3A = arith.constant 0 : index
    %swap3A_287 = arith.constant 0 : index
    %swap3A_288 = arith.constant 0 : index
    %swap3A_289 = vector.load %arg11[%swap3A, %swap3A_287, %swap3A_288] : memref<8x1250x128xf32, #tpu.memory_space<vmem>>, vector<1x1250x128xf32>
    %swap3A_290 = vector.shape_cast %swap3A_289 : vector<1x1250x128xf32> to vector<1250x128xf32>
    %swap3A_291 = vector.shape_cast %mul3A_77 : vector<1250x128xf32> to vector<1x1250x128xf32>
    tpu.vector_store %arg11[%swap3A, %swap3A_287, %swap3A_288], %swap3A_291 {strides = array<i32>} : memref<8x1250x128xf32, #tpu.memory_space<vmem>>, vector<1x1250x128xf32>,
    %swap3A_292 = arith.constant 0 : index
    %swap3A_293 = arith.constant 0 : index
    %swap3A_294 = arith.constant 0 : index
    %swap3A_295 = vector.load %arg12[%swap3A_292, %swap3A_293, %swap3A_294] : memref<8x1250x128xf32, #tpu.memory_space<vmem>>, vector<1x1250x128xf32>
    %swap3A_296 = vector.shape_cast %swap3A_295 : vector<1x1250x128xf32> to vector<1250x128xf32>
    %swap3A_297 = vector.shape_cast %mul3A_156 : vector<1250x128xf32> to vector<1x1250x128xf32>
    tpu.vector_store %arg12[%swap3A_292, %swap3A_293, %swap3A_294], %swap3A_297 {strides = array<i32>} : memref<8x1250x128xf32, #tpu.memory_space<vmem>>, vector<1x1250x128xf32>,
    %swap3A_298 = arith.constant 0 : index
    %swap3A_299 = arith.constant 0 : index
    %swap3A_300 = arith.constant 0 : index
    %swap3A_301 = vector.load %arg13[%swap3A_298, %swap3A_299, %swap3A_300] : memref<8x1250x128xf32, #tpu.memory_space<vmem>>, vector<1x1250x128xf32>
    %swap3A_302 = vector.shape_cast %swap3A_301 : vector<1x1250x128xf32> to vector<1250x128xf32>
    %swap3A_303 = vector.shape_cast %mul3A_251 : vector<1250x128xf32> to vector<1x1250x128xf32>
    tpu.vector_store %arg13[%swap3A_298, %swap3A_299, %swap3A_300], %swap3A_303 {strides = array<i32>} : memref<8x1250x128xf32, #tpu.memory_space<vmem>>, vector<1x1250x128xf32>,
    %swap3A_304 = arith.constant 0 : index
    %swap3A_305 = arith.constant 0 : index
    %swap3A_306 = arith.constant 0 : index
    %swap3A_307 = vector.load %arg14[%swap3A_304, %swap3A_305, %swap3A_306] : memref<8x1250x128xf32, #tpu.memory_space<vmem>>, vector<1x1250x128xf32>
    %swap3A_308 = vector.shape_cast %swap3A_307 : vector<1x1250x128xf32> to vector<1250x128xf32>
    %swap3A_309 = vector.shape_cast %broadcast_in_dim3A_259 : vector<1250x128xf32> to vector<1x1250x128xf32>
    tpu.vector_store %arg14[%swap3A_304, %swap3A_305, %swap3A_306], %swap3A_309 {strides = array<i32>} : memref<8x1250x128xf32, #tpu.memory_space<vmem>>, vector<1x1250x128xf32>,
    %swap3A_310 = arith.constant 1 : index
    %swap3A_311 = arith.constant 0 : index
    %swap3A_312 = arith.constant 0 : index
    %swap3A_313 = vector.load %arg11[%swap3A_310, %swap3A_311, %swap3A_312] : memref<8x1250x128xf32, #tpu.memory_space<vmem>>, vector<1x1250x128xf32>
    %swap3A_314 = vector.shape_cast %swap3A_313 : vector<1x1250x128xf32> to vector<1250x128xf32>
    %swap3A_315 = vector.shape_cast %mul3A_84 : vector<1250x128xf32> to vector<1x1250x128xf32>
    tpu.vector_store %arg11[%swap3A_310, %swap3A_311, %swap3A_312], %swap3A_315 {strides = array<i32>} : memref<8x1250x128xf32, #tpu.memory_space<vmem>>, vector<1x1250x128xf32>,
    %swap3A_316 = arith.constant 1 : index
    %swap3A_317 = arith.constant 0 : index
    %swap3A_318 = arith.constant 0 : index
    %swap3A_319 = vector.load %arg12[%swap3A_316, %swap3A_317, %swap3A_318] : memref<8x1250x128xf32, #tpu.memory_space<vmem>>, vector<1x1250x128xf32>
    %swap3A_320 = vector.shape_cast %swap3A_319 : vector<1x1250x128xf32> to vector<1250x128xf32>
    %swap3A_321 = vector.shape_cast %mul3A_163 : vector<1250x128xf32> to vector<1x1250x128xf32>
    tpu.vector_store %arg12[%swap3A_316, %swap3A_317, %swap3A_318], %swap3A_321 {strides = array<i32>} : memref<8x1250x128xf32, #tpu.memory_space<vmem>>, vector<1x1250x128xf32>,
    %swap3A_322 = arith.constant 1 : index
    %swap3A_323 = arith.constant 0 : index
    %swap3A_324 = arith.constant 0 : index
    %swap3A_325 = vector.load %arg13[%swap3A_322, %swap3A_323, %swap3A_324] : memref<8x1250x128xf32, #tpu.memory_space<vmem>>, vector<1x1250x128xf32>
    %swap3A_326 = vector.shape_cast %swap3A_325 : vector<1x1250x128xf32> to vector<1250x128xf32>
    %swap3A_327 = vector.shape_cast %mul3A_252 : vector<1250x128xf32> to vector<1x1250x128xf32>
    tpu.vector_store %arg13[%swap3A_322, %swap3A_323, %swap3A_324], %swap3A_327 {strides = array<i32>} : memref<8x1250x128xf32, #tpu.memory_space<vmem>>, vector<1x1250x128xf32>,
    %swap3A_328 = arith.constant 1 : index
    %swap3A_329 = arith.constant 0 : index
    %swap3A_330 = arith.constant 0 : index
    %swap3A_331 = vector.load %arg14[%swap3A_328, %swap3A_329, %swap3A_330] : memref<8x1250x128xf32, #tpu.memory_space<vmem>>, vector<1x1250x128xf32>
    %swap3A_332 = vector.shape_cast %swap3A_331 : vector<1x1250x128xf32> to vector<1250x128xf32>
    %swap3A_333 = vector.shape_cast %mul3A_221 : vector<1250x128xf32> to vector<1x1250x128xf32>
    tpu.vector_store %arg14[%swap3A_328, %swap3A_329, %swap3A_330], %swap3A_333 {strides = array<i32>} : memref<8x1250x128xf32, #tpu.memory_space<vmem>>, vector<1x1250x128xf32>,
    %swap3A_334 = arith.constant 2 : index
    %swap3A_335 = arith.constant 0 : index
    %swap3A_336 = arith.constant 0 : index
    %swap3A_337 = vector.load %arg11[%swap3A_334, %swap3A_335, %swap3A_336] : memref<8x1250x128xf32, #tpu.memory_space<vmem>>, vector<1x1250x128xf32>
    %swap3A_338 = vector.shape_cast %swap3A_337 : vector<1x1250x128xf32> to vector<1250x128xf32>
    %swap3A_339 = vector.shape_cast %mul3A_91 : vector<1250x128xf32> to vector<1x1250x128xf32>
    tpu.vector_store %arg11[%swap3A_334, %swap3A_335, %swap3A_336], %swap3A_339 {strides = array<i32>} : memref<8x1250x128xf32, #tpu.memory_space<vmem>>, vector<1x1250x128xf32>,
    %swap3A_340 = arith.constant 2 : index
    %swap3A_341 = arith.constant 0 : index
    %swap3A_342 = arith.constant 0 : index
    %swap3A_343 = vector.load %arg12[%swap3A_340, %swap3A_341, %swap3A_342] : memref<8x1250x128xf32, #tpu.memory_space<vmem>>, vector<1x1250x128xf32>
    %swap3A_344 = vector.shape_cast %swap3A_343 : vector<1x1250x128xf32> to vector<1250x128xf32>
    %swap3A_345 = vector.shape_cast %mul3A_170 : vector<1250x128xf32> to vector<1x1250x128xf32>
    tpu.vector_store %arg12[%swap3A_340, %swap3A_341, %swap3A_342], %swap3A_345 {strides = array<i32>} : memref<8x1250x128xf32, #tpu.memory_space<vmem>>, vector<1x1250x128xf32>,
    %swap3A_346 = arith.constant 2 : index
    %swap3A_347 = arith.constant 0 : index
    %swap3A_348 = arith.constant 0 : index
    %swap3A_349 = vector.load %arg13[%swap3A_346, %swap3A_347, %swap3A_348] : memref<8x1250x128xf32, #tpu.memory_space<vmem>>, vector<1x1250x128xf32>
    %swap3A_350 = vector.shape_cast %swap3A_349 : vector<1x1250x128xf32> to vector<1250x128xf32>
    %swap3A_351 = vector.shape_cast %mul3A_253 : vector<1250x128xf32> to vector<1x1250x128xf32>
    tpu.vector_store %arg13[%swap3A_346, %swap3A_347, %swap3A_348], %swap3A_351 {strides = array<i32>} : memref<8x1250x128xf32, #tpu.memory_space<vmem>>, vector<1x1250x128xf32>,
    %swap3A_352 = arith.constant 2 : index
    %swap3A_353 = arith.constant 0 : index
    %swap3A_354 = arith.constant 0 : index
    %swap3A_355 = vector.load %arg14[%swap3A_352, %swap3A_353, %swap3A_354] : memref<8x1250x128xf32, #tpu.memory_space<vmem>>, vector<1x1250x128xf32>
    %swap3A_356 = vector.shape_cast %swap3A_355 : vector<1x1250x128xf32> to vector<1250x128xf32>
    %swap3A_357 = vector.shape_cast %sub3A_264 : vector<1250x128xf32> to vector<1x1250x128xf32>
    tpu.vector_store %arg14[%swap3A_352, %swap3A_353, %swap3A_354], %swap3A_357 {strides = array<i32>} : memref<8x1250x128xf32, #tpu.memory_space<vmem>>, vector<1x1250x128xf32>,
    %swap3A_358 = arith.constant 3 : index
    %swap3A_359 = arith.constant 0 : index
    %swap3A_360 = arith.constant 0 : index
    %swap3A_361 = vector.load %arg11[%swap3A_358, %swap3A_359, %swap3A_360] : memref<8x1250x128xf32, #tpu.memory_space<vmem>>, vector<1x1250x128xf32>
    %swap3A_362 = vector.shape_cast %swap3A_361 : vector<1x1250x128xf32> to vector<1250x128xf32>
    %swap3A_363 = vector.shape_cast %mul3A_98 : vector<1250x128xf32> to vector<1x1250x128xf32>
    tpu.vector_store %arg11[%swap3A_358, %swap3A_359, %swap3A_360], %swap3A_363 {strides = array<i32>} : memref<8x1250x128xf32, #tpu.memory_space<vmem>>, vector<1x1250x128xf32>,
    %swap3A_364 = arith.constant 3 : index
    %swap3A_365 = arith.constant 0 : index
    %swap3A_366 = arith.constant 0 : index
    %swap3A_367 = vector.load %arg12[%swap3A_364, %swap3A_365, %swap3A_366] : memref<8x1250x128xf32, #tpu.memory_space<vmem>>, vector<1x1250x128xf32>
    %swap3A_368 = vector.shape_cast %swap3A_367 : vector<1x1250x128xf32> to vector<1250x128xf32>
    %swap3A_369 = vector.shape_cast %mul3A_177 : vector<1250x128xf32> to vector<1x1250x128xf32>
    tpu.vector_store %arg12[%swap3A_364, %swap3A_365, %swap3A_366], %swap3A_369 {strides = array<i32>} : memref<8x1250x128xf32, #tpu.memory_space<vmem>>, vector<1x1250x128xf32>,
    %swap3A_370 = arith.constant 3 : index
    %swap3A_371 = arith.constant 0 : index
    %swap3A_372 = arith.constant 0 : index
    %swap3A_373 = vector.load %arg13[%swap3A_370, %swap3A_371, %swap3A_372] : memref<8x1250x128xf32, #tpu.memory_space<vmem>>, vector<1x1250x128xf32>
    %swap3A_374 = vector.shape_cast %swap3A_373 : vector<1x1250x128xf32> to vector<1250x128xf32>
    %swap3A_375 = vector.shape_cast %mul3A_254 : vector<1250x128xf32> to vector<1x1250x128xf32>
    tpu.vector_store %arg13[%swap3A_370, %swap3A_371, %swap3A_372], %swap3A_375 {strides = array<i32>} : memref<8x1250x128xf32, #tpu.memory_space<vmem>>, vector<1x1250x128xf32>,
    %swap3A_376 = arith.constant 3 : index
    %swap3A_377 = arith.constant 0 : index
    %swap3A_378 = arith.constant 0 : index
    %swap3A_379 = vector.load %arg14[%swap3A_376, %swap3A_377, %swap3A_378] : memref<8x1250x128xf32, #tpu.memory_space<vmem>>, vector<1x1250x128xf32>
    %swap3A_380 = vector.shape_cast %swap3A_379 : vector<1x1250x128xf32> to vector<1250x128xf32>
    %swap3A_381 = vector.shape_cast %sub3A_269 : vector<1250x128xf32> to vector<1x1250x128xf32>
    tpu.vector_store %arg14[%swap3A_376, %swap3A_377, %swap3A_378], %swap3A_381 {strides = array<i32>} : memref<8x1250x128xf32, #tpu.memory_space<vmem>>, vector<1x1250x128xf32>,
    %swap3A_382 = arith.constant 4 : index
    %swap3A_383 = arith.constant 0 : index
    %swap3A_384 = arith.constant 0 : index
    %swap3A_385 = vector.load %arg11[%swap3A_382, %swap3A_383, %swap3A_384] : memref<8x1250x128xf32, #tpu.memory_space<vmem>>, vector<1x1250x128xf32>
    %swap3A_386 = vector.shape_cast %swap3A_385 : vector<1x1250x128xf32> to vector<1250x128xf32>
    %swap3A_387 = vector.shape_cast %mul3A_105 : vector<1250x128xf32> to vector<1x1250x128xf32>
    tpu.vector_store %arg11[%swap3A_382, %swap3A_383, %swap3A_384], %swap3A_387 {strides = array<i32>} : memref<8x1250x128xf32, #tpu.memory_space<vmem>>, vector<1x1250x128xf32>,
    %swap3A_388 = arith.constant 4 : index
    %swap3A_389 = arith.constant 0 : index
    %swap3A_390 = arith.constant 0 : index
    %swap3A_391 = vector.load %arg12[%swap3A_388, %swap3A_389, %swap3A_390] : memref<8x1250x128xf32, #tpu.memory_space<vmem>>, vector<1x1250x128xf32>
    %swap3A_392 = vector.shape_cast %swap3A_391 : vector<1x1250x128xf32> to vector<1250x128xf32>
    %swap3A_393 = vector.shape_cast %mul3A_184 : vector<1250x128xf32> to vector<1x1250x128xf32>
    tpu.vector_store %arg12[%swap3A_388, %swap3A_389, %swap3A_390], %swap3A_393 {strides = array<i32>} : memref<8x1250x128xf32, #tpu.memory_space<vmem>>, vector<1x1250x128xf32>,
    %swap3A_394 = arith.constant 4 : index
    %swap3A_395 = arith.constant 0 : index
    %swap3A_396 = arith.constant 0 : index
    %swap3A_397 = vector.load %arg13[%swap3A_394, %swap3A_395, %swap3A_396] : memref<8x1250x128xf32, #tpu.memory_space<vmem>>, vector<1x1250x128xf32>
    %swap3A_398 = vector.shape_cast %swap3A_397 : vector<1x1250x128xf32> to vector<1250x128xf32>
    %swap3A_399 = vector.shape_cast %mul3A_255 : vector<1250x128xf32> to vector<1x1250x128xf32>
    tpu.vector_store %arg13[%swap3A_394, %swap3A_395, %swap3A_396], %swap3A_399 {strides = array<i32>} : memref<8x1250x128xf32, #tpu.memory_space<vmem>>, vector<1x1250x128xf32>,
    %swap3A_400 = arith.constant 4 : index
    %swap3A_401 = arith.constant 0 : index
    %swap3A_402 = arith.constant 0 : index
    %swap3A_403 = vector.load %arg14[%swap3A_400, %swap3A_401, %swap3A_402] : memref<8x1250x128xf32, #tpu.memory_space<vmem>>, vector<1x1250x128xf32>
    %swap3A_404 = vector.shape_cast %swap3A_403 : vector<1x1250x128xf32> to vector<1250x128xf32>
    %swap3A_405 = vector.shape_cast %sub3A_274 : vector<1250x128xf32> to vector<1x1250x128xf32>
    tpu.vector_store %arg14[%swap3A_400, %swap3A_401, %swap3A_402], %swap3A_405 {strides = array<i32>} : memref<8x1250x128xf32, #tpu.memory_space<vmem>>, vector<1x1250x128xf32>,
    %swap3A_406 = arith.constant 5 : index
    %swap3A_407 = arith.constant 0 : index
    %swap3A_408 = arith.constant 0 : index
    %swap3A_409 = vector.load %arg11[%swap3A_406, %swap3A_407, %swap3A_408] : memref<8x1250x128xf32, #tpu.memory_space<vmem>>, vector<1x1250x128xf32>
    %swap3A_410 = vector.shape_cast %swap3A_409 : vector<1x1250x128xf32> to vector<1250x128xf32>
    %swap3A_411 = vector.shape_cast %mul3A_109 : vector<1250x128xf32> to vector<1x1250x128xf32>
    tpu.vector_store %arg11[%swap3A_406, %swap3A_407, %swap3A_408], %swap3A_411 {strides = array<i32>} : memref<8x1250x128xf32, #tpu.memory_space<vmem>>, vector<1x1250x128xf32>,
    %swap3A_412 = arith.constant 5 : index
    %swap3A_413 = arith.constant 0 : index
    %swap3A_414 = arith.constant 0 : index
    %swap3A_415 = vector.load %arg12[%swap3A_412, %swap3A_413, %swap3A_414] : memref<8x1250x128xf32, #tpu.memory_space<vmem>>, vector<1x1250x128xf32>
    %swap3A_416 = vector.shape_cast %swap3A_415 : vector<1x1250x128xf32> to vector<1250x128xf32>
    %swap3A_417 = vector.shape_cast %mul3A_188 : vector<1250x128xf32> to vector<1x1250x128xf32>
    tpu.vector_store %arg12[%swap3A_412, %swap3A_413, %swap3A_414], %swap3A_417 {strides = array<i32>} : memref<8x1250x128xf32, #tpu.memory_space<vmem>>, vector<1x1250x128xf32>,
    %swap3A_418 = arith.constant 5 : index
    %swap3A_419 = arith.constant 0 : index
    %swap3A_420 = arith.constant 0 : index
    %swap3A_421 = vector.load %arg13[%swap3A_418, %swap3A_419, %swap3A_420] : memref<8x1250x128xf32, #tpu.memory_space<vmem>>, vector<1x1250x128xf32>
    %swap3A_422 = vector.shape_cast %swap3A_421 : vector<1x1250x128xf32> to vector<1250x128xf32>
    %swap3A_423 = vector.shape_cast %mul3A_256 : vector<1250x128xf32> to vector<1x1250x128xf32>
    tpu.vector_store %arg13[%swap3A_418, %swap3A_419, %swap3A_420], %swap3A_423 {strides = array<i32>} : memref<8x1250x128xf32, #tpu.memory_space<vmem>>, vector<1x1250x128xf32>,
    %swap3A_424 = arith.constant 5 : index
    %swap3A_425 = arith.constant 0 : index
    %swap3A_426 = arith.constant 0 : index
    %swap3A_427 = vector.load %arg14[%swap3A_424, %swap3A_425, %swap3A_426] : memref<8x1250x128xf32, #tpu.memory_space<vmem>>, vector<1x1250x128xf32>
    %swap3A_428 = vector.shape_cast %swap3A_427 : vector<1x1250x128xf32> to vector<1250x128xf32>
    %swap3A_429 = vector.shape_cast %sub3A_279 : vector<1250x128xf32> to vector<1x1250x128xf32>
    tpu.vector_store %arg14[%swap3A_424, %swap3A_425, %swap3A_426], %swap3A_429 {strides = array<i32>} : memref<8x1250x128xf32, #tpu.memory_space<vmem>>, vector<1x1250x128xf32>,
    %swap3A_430 = arith.constant 6 : index
    %swap3A_431 = arith.constant 0 : index
    %swap3A_432 = arith.constant 0 : index
    %swap3A_433 = vector.load %arg11[%swap3A_430, %swap3A_431, %swap3A_432] : memref<8x1250x128xf32, #tpu.memory_space<vmem>>, vector<1x1250x128xf32>
    %swap3A_434 = vector.shape_cast %swap3A_433 : vector<1x1250x128xf32> to vector<1250x128xf32>
    %swap3A_435 = vector.shape_cast %broadcast_in_dim3A_286 : vector<1250x128xf32> to vector<1x1250x128xf32>
    tpu.vector_store %arg11[%swap3A_430, %swap3A_431, %swap3A_432], %swap3A_435 {strides = array<i32>} : memref<8x1250x128xf32, #tpu.memory_space<vmem>>, vector<1x1250x128xf32>,
    %swap3A_436 = arith.constant 6 : index
    %swap3A_437 = arith.constant 0 : index
    %swap3A_438 = arith.constant 0 : index
    %swap3A_439 = vector.load %arg12[%swap3A_436, %swap3A_437, %swap3A_438] : memref<8x1250x128xf32, #tpu.memory_space<vmem>>, vector<1x1250x128xf32>
    %swap3A_440 = vector.shape_cast %swap3A_439 : vector<1x1250x128xf32> to vector<1250x128xf32>
    %swap3A_441 = vector.shape_cast %broadcast_in_dim3A_286 : vector<1250x128xf32> to vector<1x1250x128xf32>
    tpu.vector_store %arg12[%swap3A_436, %swap3A_437, %swap3A_438], %swap3A_441 {strides = array<i32>} : memref<8x1250x128xf32, #tpu.memory_space<vmem>>, vector<1x1250x128xf32>,
    %swap3A_442 = arith.constant 6 : index
    %swap3A_443 = arith.constant 0 : index
    %swap3A_444 = arith.constant 0 : index
    %swap3A_445 = vector.load %arg13[%swap3A_442, %swap3A_443, %swap3A_444] : memref<8x1250x128xf32, #tpu.memory_space<vmem>>, vector<1x1250x128xf32>
    %swap3A_446 = vector.shape_cast %swap3A_445 : vector<1x1250x128xf32> to vector<1250x128xf32>
    %swap3A_447 = vector.shape_cast %mul3A_257 : vector<1250x128xf32> to vector<1x1250x128xf32>
    tpu.vector_store %arg13[%swap3A_442, %swap3A_443, %swap3A_444], %swap3A_447 {strides = array<i32>} : memref<8x1250x128xf32, #tpu.memory_space<vmem>>, vector<1x1250x128xf32>,
    %swap3A_448 = arith.constant 6 : index
    %swap3A_449 = arith.constant 0 : index
    %swap3A_450 = arith.constant 0 : index
    %swap3A_451 = vector.load %arg14[%swap3A_448, %swap3A_449, %swap3A_450] : memref<8x1250x128xf32, #tpu.memory_space<vmem>>, vector<1x1250x128xf32>
    %swap3A_452 = vector.shape_cast %swap3A_451 : vector<1x1250x128xf32> to vector<1250x128xf32>
    %swap3A_453 = vector.shape_cast %sub3A_284 : vector<1250x128xf32> to vector<1x1250x128xf32>
    tpu.vector_store %arg14[%swap3A_448, %swap3A_449, %swap3A_450], %swap3A_453 {strides = array<i32>} : memref<8x1250x128xf32, #tpu.memory_space<vmem>>, vector<1x1250x128xf32>,
    %swap3A_454 = arith.constant 7 : index
    %swap3A_455 = arith.constant 0 : index
    %swap3A_456 = arith.constant 0 : index
    %swap3A_457 = vector.load %arg11[%swap3A_454, %swap3A_455, %swap3A_456] : memref<8x1250x128xf32, #tpu.memory_space<vmem>>, vector<1x1250x128xf32>
    %swap3A_458 = vector.shape_cast %swap3A_457 : vector<1x1250x128xf32> to vector<1250x128xf32>
    %swap3A_459 = vector.shape_cast %broadcast_in_dim3A_286 : vector<1250x128xf32> to vector<1x1250x128xf32>
    tpu.vector_store %arg11[%swap3A_454, %swap3A_455, %swap3A_456], %swap3A_459 {strides = array<i32>} : memref<8x1250x128xf32, #tpu.memory_space<vmem>>, vector<1x1250x128xf32>,
    %swap3A_460 = arith.constant 7 : index
    %swap3A_461 = arith.constant 0 : index
    %swap3A_462 = arith.constant 0 : index
    %swap3A_463 = vector.load %arg12[%swap3A_460, %swap3A_461, %swap3A_462] : memref<8x1250x128xf32, #tpu.memory_space<vmem>>, vector<1x1250x128xf32>
    %swap3A_464 = vector.shape_cast %swap3A_463 : vector<1x1250x128xf32> to vector<1250x128xf32>
    %swap3A_465 = vector.shape_cast %broadcast_in_dim3A_286 : vector<1250x128xf32> to vector<1x1250x128xf32>
    tpu.vector_store %arg12[%swap3A_460, %swap3A_461, %swap3A_462], %swap3A_465 {strides = array<i32>} : memref<8x1250x128xf32, #tpu.memory_space<vmem>>, vector<1x1250x128xf32>,
    %swap3A_466 = arith.constant 7 : index
    %swap3A_467 = arith.constant 0 : index
    %swap3A_468 = arith.constant 0 : index
    %swap3A_469 = vector.load %arg13[%swap3A_466, %swap3A_467, %swap3A_468] : memref<8x1250x128xf32, #tpu.memory_space<vmem>>, vector<1x1250x128xf32>
    %swap3A_470 = vector.shape_cast %swap3A_469 : vector<1x1250x128xf32> to vector<1250x128xf32>
    %swap3A_471 = vector.shape_cast %broadcast_in_dim3A_286 : vector<1250x128xf32> to vector<1x1250x128xf32>
    tpu.vector_store %arg13[%swap3A_466, %swap3A_467, %swap3A_468], %swap3A_471 {strides = array<i32>} : memref<8x1250x128xf32, #tpu.memory_space<vmem>>, vector<1x1250x128xf32>,
    %swap3A_472 = arith.constant 7 : index
    %swap3A_473 = arith.constant 0 : index
    %swap3A_474 = arith.constant 0 : index
    %swap3A_475 = vector.load %arg14[%swap3A_472, %swap3A_473, %swap3A_474] : memref<8x1250x128xf32, #tpu.memory_space<vmem>>, vector<1x1250x128xf32>
    %swap3A_476 = vector.shape_cast %swap3A_475 : vector<1x1250x128xf32> to vector<1250x128xf32>
    %swap3A_477 = vector.shape_cast %broadcast_in_dim3A_286 : vector<1250x128xf32> to vector<1x1250x128xf32>
    tpu.vector_store %arg14[%swap3A_472, %swap3A_473, %swap3A_474], %swap3A_477 {strides = array<i32>} : memref<8x1250x128xf32, #tpu.memory_space<vmem>>, vector<1x1250x128xf32>,
    return
  }
  func.func @transform_0(%arg0: i32) -> (i32, i32) {
    %c0_i32 = arith.constant 0 : i32
    %c0_i32_0 = arith.constant 0 : i32
    return %arg0, %c0_i32 : i32, i32
  }
  func.func @transform_1(%arg0: i32) -> (i32, i32) {
    %c0_i32 = arith.constant 0 : i32
    %c0_i32_0 = arith.constant 0 : i32
    return %arg0, %c0_i32 : i32, i32
  }
  func.func @transform_2(%arg0: i32) -> (i32, i32) {
    %c0_i32 = arith.constant 0 : i32
    %c0_i32_0 = arith.constant 0 : i32
    return %arg0, %c0_i32 : i32, i32
  }
  func.func @transform_3(%arg0: i32) -> (i32, i32) {
    %c0_i32 = arith.constant 0 : i32
    %c0_i32_0 = arith.constant 0 : i32
    return %arg0, %c0_i32 : i32, i32
  }
  func.func @transform_4(%arg0: i32) -> (i32, i32) {
    %c0_i32 = arith.constant 0 : i32
    %c0_i32_0 = arith.constant 0 : i32
    return %arg0, %c0_i32 : i32, i32
  }
  func.func @transform_5(%arg0: i32) -> (i32, i32) {
    %c0_i32 = arith.constant 0 : i32
    %c0_i32_0 = arith.constant 0 : i32
    return %arg0, %c0_i32 : i32, i32
  }
  func.func @transform_6(%arg0: i32) -> (i32, i32) {
    %c0_i32 = arith.constant 0 : i32
    %c0_i32_0 = arith.constant 0 : i32
    return %arg0, %c0_i32 : i32, i32
  }
  func.func @transform_7(%arg0: i32) -> (i32, i32) {
    %c0_i32 = arith.constant 0 : i32
    %c0_i32_0 = arith.constant 0 : i32
    return %arg0, %c0_i32 : i32, i32
  }
  func.func @transform_8(%arg0: i32) -> (i32, i32) {
    %c0_i32 = arith.constant 0 : i32
    %c0_i32_0 = arith.constant 0 : i32
    return %arg0, %c0_i32 : i32, i32
  }
  func.func @transform_9(%arg0: i32) -> (i32, i32) {
    %c0_i32 = arith.constant 0 : i32
    %c0_i32_0 = arith.constant 0 : i32
    return %arg0, %c0_i32 : i32, i32
  }
  func.func @transform_10(%arg0: i32) -> (i32, i32, i32) {
    %c0_i32 = arith.constant 0 : i32
    %c0_i32_0 = arith.constant 0 : i32
    %c0_i32_1 = arith.constant 0 : i32
    return %c0_i32, %arg0, %c0_i32_0 : i32, i32, i32
  }
  func.func @transform_11(%arg0: i32) -> (i32, i32, i32) {
    %c0_i32 = arith.constant 0 : i32
    %c0_i32_0 = arith.constant 0 : i32
    %c0_i32_1 = arith.constant 0 : i32
    return %c0_i32, %arg0, %c0_i32_0 : i32, i32, i32
  }
  func.func @transform_12(%arg0: i32) -> (i32, i32, i32) {
    %c0_i32 = arith.constant 0 : i32
    %c0_i32_0 = arith.constant 0 : i32
    %c0_i32_1 = arith.constant 0 : i32
    return %c0_i32, %arg0, %c0_i32_0 : i32, i32, i32
  }
  func.func @transform_13(%arg0: i32) -> (i32, i32, i32) {
    %c0_i32 = arith.constant 0 : i32
    %c0_i32_0 = arith.constant 0 : i32
    %c0_i32_1 = arith.constant 0 : i32
    return %c0_i32, %arg0, %c0_i32_0 : i32, i32, i32
  }
}

module attributes {stable_mosaic.version = 14 : i64} {
  func.func @_main_body_pre(%arg0: i32, %arg1: memref<1600x128xf32, #tpu.memory_space<vmem>>, %arg2: memref<1600x32xf32, #tpu.memory_space<vmem>>, %arg3: memref<128x128xf32, #tpu.memory_space<vmem>>, %arg4: memref<128x128xf32, #tpu.memory_space<vmem>>, %arg5: memref<1x128xf32, #tpu.memory_space<vmem>>, %arg6: memref<8x128xf32, #tpu.memory_space<vmem>>, %arg7: memref<128x128xf32, #tpu.memory_space<vmem>>, %arg8: memref<1600x128xf32, #tpu.memory_space<vmem>>) attributes {dimension_semantics = [#tpu.dimension_semantics<arbitrary>], iteration_bounds = array<i64: 100>, scalar_prefetch = 0 : i64, scratch_operands = 0 : i64, tpu.core_type = #tpu.core_type<tc>, window_params = [{transform_indices = @transform_0, window_bounds = array<i64: 1600, 128>}, {transform_indices = @transform_1, window_bounds = array<i64: 1600, 32>}, {pipeline_mode = #tpu.pipeline_mode<synchronous>, transform_indices = @transform_2, window_bounds = array<i64: 128, 128>}, {pipeline_mode = #tpu.pipeline_mode<synchronous>, transform_indices = @transform_3, window_bounds = array<i64: 128, 128>}, {pipeline_mode = #tpu.pipeline_mode<synchronous>, transform_indices = @transform_4, window_bounds = array<i64: 1, 128>}, {pipeline_mode = #tpu.pipeline_mode<synchronous>, transform_indices = @transform_5, window_bounds = array<i64: 8, 128>}, {pipeline_mode = #tpu.pipeline_mode<synchronous>, transform_indices = @transform_6, window_bounds = array<i64: 128, 128>}, {transform_indices = @transform_7, window_bounds = array<i64: 1600, 128>}]} {
    %get3A = arith.constant 0 : index
    %get3A_0 = arith.constant 0 : index
    %get3A_1 = vector.load %arg1[%get3A, %get3A_0] : memref<1600x128xf32, #tpu.memory_space<vmem>>, vector<1600x128xf32>
    %get3A_2 = arith.constant 0 : index
    %get3A_3 = arith.constant 0 : index
    %get3A_4 = vector.load %arg3[%get3A_2, %get3A_3] : memref<128x128xf32, #tpu.memory_space<vmem>>, vector<128x128xf32>
    %dot_general3A = arith.constant dense<0.000000e+00> : vector<1600x128xf32>
    %dot_general3A_5 = tpu.matmul %get3A_1, %get3A_4, %dot_general3A {dimension_numbers = #tpu.dot_dimension_numbers<[1], [0], [0], [1], [0, 0, 1, 1], [], []>, transpose_lhs_hint = false} : vector<1600x128xf32>, vector<128x128xf32>, vector<1600x128xf32> -> vector<1600x128xf32>
    %get3A_6 = arith.constant 0 : index
    %get3A_7 = arith.constant 0 : index
    %get3A_8 = vector.load %arg2[%get3A_6, %get3A_7] : memref<1600x32xf32, #tpu.memory_space<vmem>>, vector<1600x8xf32>
    %get3A_9 = arith.constant 0 : index
    %get3A_10 = arith.constant 0 : index
    %get3A_11 = vector.load %arg4[%get3A_9, %get3A_10] : memref<128x128xf32, #tpu.memory_space<vmem>>, vector<128x128xf32>
    %dot_general3A_12 = arith.constant dense<0.000000e+00> : vector<1600x128xf32>
    %dot_general3A_13 = tpu.matmul %dot_general3A_5, %get3A_11, %dot_general3A_12 {dimension_numbers = #tpu.dot_dimension_numbers<[1], [0], [0], [1], [0, 0, 1, 1], [], []>, transpose_lhs_hint = false} : vector<1600x128xf32>, vector<128x128xf32>, vector<1600x128xf32> -> vector<1600x128xf32>
    %get3A_14 = arith.constant 0 : index
    %get3A_15 = arith.constant 0 : index
    %get3A_16 = vector.load %arg5[%get3A_14, %get3A_15] : memref<1x128xf32, #tpu.memory_space<vmem>>, vector<1x128xf32>
    %add3A = vector.broadcast %get3A_16 : vector<1x128xf32> to vector<1600x128xf32>
    %add3A_17 = arith.addf %dot_general3A_13, %add3A : vector<1600x128xf32>
    %neg3A = arith.constant 0.000000e+00 : f32
    %neg3A_18 = vector.broadcast %neg3A : f32 to vector<1600x128xf32>
    %neg3A_19 = arith.subf %neg3A_18, %add3A_17 : vector<1600x128xf32>
    %exp3A = math.exp %neg3A_19 : vector<1600x128xf32>
    %add3A_20 = arith.constant 1.000000e+00 : f32
    %add3A_21 = vector.broadcast %add3A_20 : f32 to vector<1600x128xf32>
    %add3A_22 = arith.addf %add3A_21, %exp3A : vector<1600x128xf32>
    %div3A = arith.constant 1.000000e+00 : f32
    %div3A_23 = vector.broadcast %div3A : f32 to vector<1600x128xf32>
    %div3A_24 = arith.divf %div3A_23, %add3A_22 : vector<1600x128xf32>
    %mul3A = arith.mulf %add3A_17, %div3A_24 : vector<1600x128xf32>
    %get3A_25 = arith.constant 0 : index
    %get3A_26 = arith.constant 0 : index
    %get3A_27 = vector.load %arg6[%get3A_25, %get3A_26] : memref<8x128xf32, #tpu.memory_space<vmem>>, vector<8x128xf32>
    %dot_general3A_28 = arith.constant dense<0.000000e+00> : vector<1600x128xf32>
    %dot_general3A_29 = tpu.matmul %get3A_8, %get3A_27, %dot_general3A_28 {dimension_numbers = #tpu.dot_dimension_numbers<[1], [0], [0], [1], [0, 0, 1, 1], [], []>, transpose_lhs_hint = false} : vector<1600x8xf32>, vector<8x128xf32>, vector<1600x128xf32> -> vector<1600x128xf32>
    %mul3A_30 = arith.mulf %mul3A, %dot_general3A_29 : vector<1600x128xf32>
    %get3A_31 = arith.constant 0 : index
    %get3A_32 = arith.constant 0 : index
    %get3A_33 = vector.load %arg7[%get3A_31, %get3A_32] : memref<128x128xf32, #tpu.memory_space<vmem>>, vector<128x128xf32>
    %dot_general3A_34 = arith.constant dense<0.000000e+00> : vector<1600x128xf32>
    %dot_general3A_35 = tpu.matmul %mul3A_30, %get3A_33, %dot_general3A_34 {dimension_numbers = #tpu.dot_dimension_numbers<[1], [0], [0], [1], [0, 0, 1, 1], [], []>, transpose_lhs_hint = false} : vector<1600x128xf32>, vector<128x128xf32>, vector<1600x128xf32> -> vector<1600x128xf32>
    %neg3A_36 = arith.constant 0.000000e+00 : f32
    %neg3A_37 = vector.broadcast %neg3A_36 : f32 to vector<1600x128xf32>
    %neg3A_38 = arith.subf %neg3A_37, %dot_general3A_35 : vector<1600x128xf32>
    %exp3A_39 = math.exp %neg3A_38 : vector<1600x128xf32>
    %add3A_40 = arith.constant 1.000000e+00 : f32
    %add3A_41 = vector.broadcast %add3A_40 : f32 to vector<1600x128xf32>
    %add3A_42 = arith.addf %add3A_41, %exp3A_39 : vector<1600x128xf32>
    %div3A_43 = arith.constant 1.000000e+00 : f32
    %div3A_44 = vector.broadcast %div3A_43 : f32 to vector<1600x128xf32>
    %div3A_45 = arith.divf %div3A_44, %add3A_42 : vector<1600x128xf32>
    %mul3A_46 = arith.mulf %dot_general3A_35, %div3A_45 : vector<1600x128xf32>
    %swap3A = arith.constant 0 : index
    %swap3A_47 = arith.constant 0 : index
    %swap3A_48 = vector.load %arg8[%swap3A, %swap3A_47] : memref<1600x128xf32, #tpu.memory_space<vmem>>, vector<1600x128xf32>
    tpu.vector_store %arg8[%swap3A, %swap3A_47], %mul3A_46 {strides = array<i32>} : memref<1600x128xf32, #tpu.memory_space<vmem>>, vector<1600x128xf32>,
    return
  }
  func.func @transform_0(%arg0: i32) -> (i32, i32) {
    %c0_i32 = arith.constant 0 : i32
    %c0_i32_0 = arith.constant 0 : i32
    return %arg0, %c0_i32 : i32, i32
  }
  func.func @transform_1(%arg0: i32) -> (i32, i32) {
    %c0_i32 = arith.constant 0 : i32
    %c0_i32_0 = arith.constant 0 : i32
    return %arg0, %c0_i32 : i32, i32
  }
  func.func @transform_2(%arg0: i32) -> (i32, i32) {
    %c0_i32 = arith.constant 0 : i32
    %c0_i32_0 = arith.constant 0 : i32
    %c0_i32_1 = arith.constant 0 : i32
    return %c0_i32, %c0_i32_0 : i32, i32
  }
  func.func @transform_3(%arg0: i32) -> (i32, i32) {
    %c0_i32 = arith.constant 0 : i32
    %c0_i32_0 = arith.constant 0 : i32
    %c0_i32_1 = arith.constant 0 : i32
    return %c0_i32, %c0_i32_0 : i32, i32
  }
  func.func @transform_4(%arg0: i32) -> (i32, i32) {
    %c0_i32 = arith.constant 0 : i32
    %c0_i32_0 = arith.constant 0 : i32
    %c0_i32_1 = arith.constant 0 : i32
    return %c0_i32, %c0_i32_0 : i32, i32
  }
  func.func @transform_5(%arg0: i32) -> (i32, i32) {
    %c0_i32 = arith.constant 0 : i32
    %c0_i32_0 = arith.constant 0 : i32
    %c0_i32_1 = arith.constant 0 : i32
    return %c0_i32, %c0_i32_0 : i32, i32
  }
  func.func @transform_6(%arg0: i32) -> (i32, i32) {
    %c0_i32 = arith.constant 0 : i32
    %c0_i32_0 = arith.constant 0 : i32
    %c0_i32_1 = arith.constant 0 : i32
    return %c0_i32, %c0_i32_0 : i32, i32
  }
  func.func @transform_7(%arg0: i32) -> (i32, i32) {
    %c0_i32 = arith.constant 0 : i32
    %c0_i32_0 = arith.constant 0 : i32
    return %arg0, %c0_i32 : i32, i32
  }
}

module attributes {stable_mosaic.version = 14 : i64} {
  func.func @_post_body_pre(%arg0: i32, %arg1: memref<1600x128xf32, #tpu.memory_space<vmem>>, %arg2: memref<1600x32xf32, #tpu.memory_space<vmem>>, %arg3: memref<1600x128xf32, #tpu.memory_space<vmem>>, %arg4: memref<128x128xf32, #tpu.memory_space<vmem>>, %arg5: memref<128x128xf32, #tpu.memory_space<vmem>>, %arg6: memref<1x128xf32, #tpu.memory_space<vmem>>, %arg7: memref<64x64xf32, #tpu.memory_space<vmem>>, %arg8: memref<512x64xf32, #tpu.memory_space<vmem>>, %arg9: memref<8x512xf32, #tpu.memory_space<vmem>>, %arg10: memref<8x512xf32, #tpu.memory_space<vmem>>, %arg11: memref<8x512xf32, #tpu.memory_space<vmem>>, %arg12: memref<8x64xf32, #tpu.memory_space<vmem>>, %arg13: memref<8x64xf32, #tpu.memory_space<vmem>>, %arg14: memref<64x128xf32, #tpu.memory_space<vmem>>, %arg15: memref<128x128xf32, #tpu.memory_space<vmem>>, %arg16: memref<1x128xf32, #tpu.memory_space<vmem>>, %arg17: memref<128x128xf32, #tpu.memory_space<vmem>>, %arg18: memref<1x128xf32, #tpu.memory_space<vmem>>, %arg19: memref<1600x128xf32, #tpu.memory_space<vmem>>, %arg20: memref<8x128xf32, #tpu.memory_space<vmem>>) attributes {dimension_semantics = [#tpu.dimension_semantics<arbitrary>], iteration_bounds = array<i64: 100>, scalar_prefetch = 0 : i64, scratch_operands = 0 : i64, tpu.core_type = #tpu.core_type<tc>, window_params = [{transform_indices = @transform_0, window_bounds = array<i64: 1600, 128>}, {transform_indices = @transform_1, window_bounds = array<i64: 1600, 32>}, {transform_indices = @transform_2, window_bounds = array<i64: 1600, 128>}, {pipeline_mode = #tpu.pipeline_mode<synchronous>, transform_indices = @transform_3, window_bounds = array<i64: 128, 128>}, {pipeline_mode = #tpu.pipeline_mode<synchronous>, transform_indices = @transform_4, window_bounds = array<i64: 128, 128>}, {pipeline_mode = #tpu.pipeline_mode<synchronous>, transform_indices = @transform_5, window_bounds = array<i64: 1, 128>}, {pipeline_mode = #tpu.pipeline_mode<synchronous>, transform_indices = @transform_6, window_bounds = array<i64: 64, 64>}, {pipeline_mode = #tpu.pipeline_mode<synchronous>, transform_indices = @transform_7, window_bounds = array<i64: 512, 64>}, {pipeline_mode = #tpu.pipeline_mode<synchronous>, transform_indices = @transform_8, window_bounds = array<i64: 8, 512>}, {pipeline_mode = #tpu.pipeline_mode<synchronous>, transform_indices = @transform_9, window_bounds = array<i64: 8, 512>}, {pipeline_mode = #tpu.pipeline_mode<synchronous>, transform_indices = @transform_10, window_bounds = array<i64: 8, 512>}, {pipeline_mode = #tpu.pipeline_mode<synchronous>, transform_indices = @transform_11, window_bounds = array<i64: 8, 64>}, {pipeline_mode = #tpu.pipeline_mode<synchronous>, transform_indices = @transform_12, window_bounds = array<i64: 8, 64>}, {pipeline_mode = #tpu.pipeline_mode<synchronous>, transform_indices = @transform_13, window_bounds = array<i64: 64, 128>}, {pipeline_mode = #tpu.pipeline_mode<synchronous>, transform_indices = @transform_14, window_bounds = array<i64: 128, 128>}, {pipeline_mode = #tpu.pipeline_mode<synchronous>, transform_indices = @transform_15, window_bounds = array<i64: 1, 128>}, {pipeline_mode = #tpu.pipeline_mode<synchronous>, transform_indices = @transform_16, window_bounds = array<i64: 128, 128>}, {pipeline_mode = #tpu.pipeline_mode<synchronous>, transform_indices = @transform_17, window_bounds = array<i64: 1, 128>}, {transform_indices = @transform_18, window_bounds = array<i64: 1600, 128>}, {pipeline_mode = #tpu.pipeline_mode<synchronous>, transform_indices = @transform_19, window_bounds = array<i64: 8, 128>}]} {
    %get3A = arith.constant 0 : index
    %get3A_0 = arith.constant 0 : index
    %get3A_1 = vector.load %arg1[%get3A, %get3A_0] : memref<1600x128xf32, #tpu.memory_space<vmem>>, vector<1600x128xf32>
    %get3A_2 = arith.constant 0 : index
    %get3A_3 = arith.constant 0 : index
    %get3A_4 = vector.load %arg4[%get3A_2, %get3A_3] : memref<128x128xf32, #tpu.memory_space<vmem>>, vector<128x128xf32>
    %dot_general3A = arith.constant dense<0.000000e+00> : vector<1600x128xf32>
    %dot_general3A_5 = tpu.matmul %get3A_1, %get3A_4, %dot_general3A {dimension_numbers = #tpu.dot_dimension_numbers<[1], [0], [0], [1], [0, 0, 1, 1], [], []>, transpose_lhs_hint = false} : vector<1600x128xf32>, vector<128x128xf32>, vector<1600x128xf32> -> vector<1600x128xf32>
    %get3A_6 = arith.constant 0 : index
    %get3A_7 = arith.constant 8 : index
    %get3A_8 = vector.load %arg2[%get3A_6, %get3A_7] : memref<1600x32xf32, #tpu.memory_space<vmem>>, vector<1600x8xf32>
    %get3A_9 = arith.constant 0 : index
    %get3A_10 = arith.constant 16 : index
    %get3A_11 = vector.load %arg2[%get3A_9, %get3A_10] : memref<1600x32xf32, #tpu.memory_space<vmem>>, vector<1600x8xf32>
    %get3A_12 = arith.constant 0 : index
    %get3A_13 = arith.constant 24 : index
    %get3A_14 = vector.load %arg2[%get3A_12, %get3A_13] : memref<1600x32xf32, #tpu.memory_space<vmem>>, vector<1600x8xf32>
    %get3A_15 = arith.constant 0 : index
    %get3A_16 = arith.constant 0 : index
    %get3A_17 = vector.load %arg5[%get3A_15, %get3A_16] : memref<128x128xf32, #tpu.memory_space<vmem>>, vector<128x128xf32>
    %dot_general3A_18 = arith.constant dense<0.000000e+00> : vector<1600x128xf32>
    %dot_general3A_19 = tpu.matmul %dot_general3A_5, %get3A_17, %dot_general3A_18 {dimension_numbers = #tpu.dot_dimension_numbers<[1], [0], [0], [1], [0, 0, 1, 1], [], []>, transpose_lhs_hint = false} : vector<1600x128xf32>, vector<128x128xf32>, vector<1600x128xf32> -> vector<1600x128xf32>
    %get3A_20 = arith.constant 0 : index
    %get3A_21 = arith.constant 0 : index
    %get3A_22 = vector.load %arg6[%get3A_20, %get3A_21] : memref<1x128xf32, #tpu.memory_space<vmem>>, vector<1x128xf32>
    %add3A = vector.broadcast %get3A_22 : vector<1x128xf32> to vector<1600x128xf32>
    %add3A_23 = arith.addf %dot_general3A_19, %add3A : vector<1600x128xf32>
    %neg3A = arith.constant 0.000000e+00 : f32
    %neg3A_24 = vector.broadcast %neg3A : f32 to vector<1600x128xf32>
    %neg3A_25 = arith.subf %neg3A_24, %add3A_23 : vector<1600x128xf32>
    %exp3A = math.exp %neg3A_25 : vector<1600x128xf32>
    %add3A_26 = arith.constant 1.000000e+00 : f32
    %add3A_27 = vector.broadcast %add3A_26 : f32 to vector<1600x128xf32>
    %add3A_28 = arith.addf %add3A_27, %exp3A : vector<1600x128xf32>
    %div3A = arith.constant 1.000000e+00 : f32
    %div3A_29 = vector.broadcast %div3A : f32 to vector<1600x128xf32>
    %div3A_30 = arith.divf %div3A_29, %add3A_28 : vector<1600x128xf32>
    %mul3A = arith.mulf %add3A_23, %div3A_30 : vector<1600x128xf32>
    %get3A_31 = arith.constant 0 : index
    %get3A_32 = arith.constant 0 : index
    %get3A_33 = vector.load %arg12[%get3A_31, %get3A_32] : memref<8x64xf32, #tpu.memory_space<vmem>>, vector<8x64xf32>
    %dot_general3A_34 = arith.constant dense<0.000000e+00> : vector<1600x64xf32>
    %dot_general3A_35 = tpu.matmul %get3A_11, %get3A_33, %dot_general3A_34 {dimension_numbers = #tpu.dot_dimension_numbers<[1], [0], [0], [1], [0, 0, 1, 1], [], []>, transpose_lhs_hint = false} : vector<1600x8xf32>, vector<8x64xf32>, vector<1600x64xf32> -> vector<1600x64xf32>
    %get3A_36 = arith.constant 0 : index
    %get3A_37 = arith.constant 0 : index
    %get3A_38 = vector.load %arg13[%get3A_36, %get3A_37] : memref<8x64xf32, #tpu.memory_space<vmem>>, vector<8x64xf32>
    %dot_general3A_39 = arith.constant dense<0.000000e+00> : vector<1600x64xf32>
    %dot_general3A_40 = tpu.matmul %get3A_8, %get3A_38, %dot_general3A_39 {dimension_numbers = #tpu.dot_dimension_numbers<[1], [0], [0], [1], [0, 0, 1, 1], [], []>, transpose_lhs_hint = false} : vector<1600x8xf32>, vector<8x64xf32>, vector<1600x64xf32> -> vector<1600x64xf32>
    %mul3A_41 = arith.mulf %dot_general3A_35, %dot_general3A_40 : vector<1600x64xf32>
    %get3A_42 = arith.constant 0 : index
    %get3A_43 = arith.constant 0 : index
    %get3A_44 = vector.load %arg7[%get3A_42, %get3A_43] : memref<64x64xf32, #tpu.memory_space<vmem>>, vector<64x64xf32>
    %dot_general3A_45 = arith.constant dense<0.000000e+00> : vector<1600x64xf32>
    %dot_general3A_46 = tpu.matmul %mul3A_41, %get3A_44, %dot_general3A_45 {dimension_numbers = #tpu.dot_dimension_numbers<[1], [0], [0], [1], [0, 0, 1, 1], [], []>, transpose_lhs_hint = false} : vector<1600x64xf32>, vector<64x64xf32>, vector<1600x64xf32> -> vector<1600x64xf32>
    %get3A_47 = arith.constant 0 : index
    %get3A_48 = arith.constant 0 : index
    %get3A_49 = vector.load %arg9[%get3A_47, %get3A_48] : memref<8x512xf32, #tpu.memory_space<vmem>>, vector<8x512xf32>
    %dot_general3A_50 = arith.constant dense<0.000000e+00> : vector<1600x512xf32>
    %dot_general3A_51 = tpu.matmul %get3A_11, %get3A_49, %dot_general3A_50 {dimension_numbers = #tpu.dot_dimension_numbers<[1], [0], [0], [1], [0, 0, 1, 1], [], []>, transpose_lhs_hint = false} : vector<1600x8xf32>, vector<8x512xf32>, vector<1600x512xf32> -> vector<1600x512xf32>
    %get3A_52 = arith.constant 0 : index
    %get3A_53 = arith.constant 0 : index
    %get3A_54 = vector.load %arg10[%get3A_52, %get3A_53] : memref<8x512xf32, #tpu.memory_space<vmem>>, vector<8x512xf32>
    %dot_general3A_55 = arith.constant dense<0.000000e+00> : vector<1600x512xf32>
    %dot_general3A_56 = tpu.matmul %get3A_14, %get3A_54, %dot_general3A_55 {dimension_numbers = #tpu.dot_dimension_numbers<[1], [0], [0], [1], [0, 0, 1, 1], [], []>, transpose_lhs_hint = false} : vector<1600x8xf32>, vector<8x512xf32>, vector<1600x512xf32> -> vector<1600x512xf32>
    %mul3A_57 = arith.mulf %dot_general3A_51, %dot_general3A_56 : vector<1600x512xf32>
    %get3A_58 = arith.constant 0 : index
    %get3A_59 = arith.constant 0 : index
    %get3A_60 = vector.load %arg11[%get3A_58, %get3A_59] : memref<8x512xf32, #tpu.memory_space<vmem>>, vector<8x512xf32>
    %dot_general3A_61 = arith.constant dense<0.000000e+00> : vector<1600x512xf32>
    %dot_general3A_62 = tpu.matmul %get3A_8, %get3A_60, %dot_general3A_61 {dimension_numbers = #tpu.dot_dimension_numbers<[1], [0], [0], [1], [0, 0, 1, 1], [], []>, transpose_lhs_hint = false} : vector<1600x8xf32>, vector<8x512xf32>, vector<1600x512xf32> -> vector<1600x512xf32>
    %mul3A_63 = arith.mulf %mul3A_57, %dot_general3A_62 : vector<1600x512xf32>
    %get3A_64 = arith.constant 0 : index
    %get3A_65 = arith.constant 0 : index
    %get3A_66 = vector.load %arg8[%get3A_64, %get3A_65] : memref<512x64xf32, #tpu.memory_space<vmem>>, vector<512x64xf32>
    %dot_general3A_67 = arith.constant dense<0.000000e+00> : vector<1600x64xf32>
    %dot_general3A_68 = tpu.matmul %mul3A_63, %get3A_66, %dot_general3A_67 {dimension_numbers = #tpu.dot_dimension_numbers<[1], [0], [0], [1], [0, 0, 1, 1], [], []>, transpose_lhs_hint = false} : vector<1600x512xf32>, vector<512x64xf32>, vector<1600x64xf32> -> vector<1600x64xf32>
    %get3A_69 = arith.constant 0 : index
    %get3A_70 = arith.constant 0 : index
    %get3A_71 = vector.load %arg3[%get3A_69, %get3A_70] : memref<1600x128xf32, #tpu.memory_space<vmem>>, vector<1600x64xf32>
    %mul3A_72 = arith.mulf %get3A_71, %dot_general3A_46 : vector<1600x64xf32>
    %mul3A_73 = arith.mulf %mul3A_72, %dot_general3A_68 : vector<1600x64xf32>
    %get3A_74 = arith.constant 0 : index
    %get3A_75 = arith.constant 0 : index
    %get3A_76 = vector.load %arg14[%get3A_74, %get3A_75] : memref<64x128xf32, #tpu.memory_space<vmem>>, vector<64x128xf32>
    %dot_general3A_77 = arith.constant dense<0.000000e+00> : vector<1600x128xf32>
    %dot_general3A_78 = tpu.matmul %mul3A_73, %get3A_76, %dot_general3A_77 {dimension_numbers = #tpu.dot_dimension_numbers<[1], [0], [0], [1], [0, 0, 1, 1], [], []>, transpose_lhs_hint = false} : vector<1600x64xf32>, vector<64x128xf32>, vector<1600x128xf32> -> vector<1600x128xf32>
    %neg3A_79 = arith.constant 0.000000e+00 : f32
    %neg3A_80 = vector.broadcast %neg3A_79 : f32 to vector<1600x128xf32>
    %neg3A_81 = arith.subf %neg3A_80, %dot_general3A_78 : vector<1600x128xf32>
    %exp3A_82 = math.exp %neg3A_81 : vector<1600x128xf32>
    %add3A_83 = arith.constant 1.000000e+00 : f32
    %add3A_84 = vector.broadcast %add3A_83 : f32 to vector<1600x128xf32>
    %add3A_85 = arith.addf %add3A_84, %exp3A_82 : vector<1600x128xf32>
    %div3A_86 = arith.constant 1.000000e+00 : f32
    %div3A_87 = vector.broadcast %div3A_86 : f32 to vector<1600x128xf32>
    %div3A_88 = arith.divf %div3A_87, %add3A_85 : vector<1600x128xf32>
    %mul3A_89 = arith.mulf %dot_general3A_78, %div3A_88 : vector<1600x128xf32>
    %add3A_90 = arith.addf %mul3A, %mul3A_89 : vector<1600x128xf32>
    %get3A_91 = arith.constant 0 : index
    %get3A_92 = arith.constant 0 : index
    %get3A_93 = vector.load %arg15[%get3A_91, %get3A_92] : memref<128x128xf32, #tpu.memory_space<vmem>>, vector<128x128xf32>
    %dot_general3A_94 = arith.constant dense<0.000000e+00> : vector<1600x128xf32>
    %dot_general3A_95 = tpu.matmul %add3A_90, %get3A_93, %dot_general3A_94 {dimension_numbers = #tpu.dot_dimension_numbers<[1], [0], [0], [1], [0, 0, 1, 1], [], []>, transpose_lhs_hint = false} : vector<1600x128xf32>, vector<128x128xf32>, vector<1600x128xf32> -> vector<1600x128xf32>
    %get3A_96 = arith.constant 0 : index
    %get3A_97 = arith.constant 0 : index
    %get3A_98 = vector.load %arg16[%get3A_96, %get3A_97] : memref<1x128xf32, #tpu.memory_space<vmem>>, vector<1x128xf32>
    %add3A_99 = vector.broadcast %get3A_98 : vector<1x128xf32> to vector<1600x128xf32>
    %add3A_100 = arith.addf %dot_general3A_95, %add3A_99 : vector<1600x128xf32>
    %neg3A_101 = arith.constant 0.000000e+00 : f32
    %neg3A_102 = vector.broadcast %neg3A_101 : f32 to vector<1600x128xf32>
    %neg3A_103 = arith.subf %neg3A_102, %add3A_100 : vector<1600x128xf32>
    %exp3A_104 = math.exp %neg3A_103 : vector<1600x128xf32>
    %add3A_105 = arith.constant 1.000000e+00 : f32
    %add3A_106 = vector.broadcast %add3A_105 : f32 to vector<1600x128xf32>
    %add3A_107 = arith.addf %add3A_106, %exp3A_104 : vector<1600x128xf32>
    %div3A_108 = arith.constant 1.000000e+00 : f32
    %div3A_109 = vector.broadcast %div3A_108 : f32 to vector<1600x128xf32>
    %div3A_110 = arith.divf %div3A_109, %add3A_107 : vector<1600x128xf32>
    %mul3A_111 = arith.mulf %add3A_100, %div3A_110 : vector<1600x128xf32>
    %add3A_112 = arith.addf %mul3A_111, %dot_general3A_5 : vector<1600x128xf32>
    %get3A_113 = arith.constant 0 : index
    %get3A_114 = arith.constant 0 : index
    %get3A_115 = vector.load %arg17[%get3A_113, %get3A_114] : memref<128x128xf32, #tpu.memory_space<vmem>>, vector<128x128xf32>
    %dot_general3A_116 = arith.constant dense<0.000000e+00> : vector<1600x128xf32>
    %dot_general3A_117 = tpu.matmul %add3A_112, %get3A_115, %dot_general3A_116 {dimension_numbers = #tpu.dot_dimension_numbers<[1], [0], [0], [1], [0, 0, 1, 1], [], []>, transpose_lhs_hint = false} : vector<1600x128xf32>, vector<128x128xf32>, vector<1600x128xf32> -> vector<1600x128xf32>
    %get3A_118 = arith.constant 0 : index
    %get3A_119 = arith.constant 0 : index
    %get3A_120 = vector.load %arg18[%get3A_118, %get3A_119] : memref<1x128xf32, #tpu.memory_space<vmem>>, vector<1x128xf32>
    %add3A_121 = vector.broadcast %get3A_120 : vector<1x128xf32> to vector<1600x128xf32>
    %add3A_122 = arith.addf %dot_general3A_117, %add3A_121 : vector<1600x128xf32>
    %neg3A_123 = arith.constant 0.000000e+00 : f32
    %neg3A_124 = vector.broadcast %neg3A_123 : f32 to vector<1600x128xf32>
    %neg3A_125 = arith.subf %neg3A_124, %add3A_122 : vector<1600x128xf32>
    %exp3A_126 = math.exp %neg3A_125 : vector<1600x128xf32>
    %add3A_127 = arith.constant 1.000000e+00 : f32
    %add3A_128 = vector.broadcast %add3A_127 : f32 to vector<1600x128xf32>
    %add3A_129 = arith.addf %add3A_128, %exp3A_126 : vector<1600x128xf32>
    %div3A_130 = arith.constant 1.000000e+00 : f32
    %div3A_131 = vector.broadcast %div3A_130 : f32 to vector<1600x128xf32>
    %div3A_132 = arith.divf %div3A_131, %add3A_129 : vector<1600x128xf32>
    %mul3A_133 = arith.mulf %add3A_122, %div3A_132 : vector<1600x128xf32>
    %swap3A = arith.constant 0 : index
    %swap3A_134 = arith.constant 0 : index
    %swap3A_135 = vector.load %arg19[%swap3A, %swap3A_134] : memref<1600x128xf32, #tpu.memory_space<vmem>>, vector<1600x128xf32>
    tpu.vector_store %arg19[%swap3A, %swap3A_134], %mul3A_133 {strides = array<i32>} : memref<1600x128xf32, #tpu.memory_space<vmem>>, vector<1600x128xf32>,
    %eq3A = arith.constant 0 : i32
    %eq3A_136 = arith.cmpi eq, %arg0, %eq3A : i32
    %convert_element_type3A = arith.extui %eq3A_136 : i1 to i32
    %cond3A = arith.constant 0 : i32
    %cond3A_137 = arith.cmpi ne, %convert_element_type3A, %cond3A : i32
    scf.if %cond3A_137 {
      %broadcast_in_dim3A_157 = arith.constant 0.000000e+00 : f32
      %broadcast_in_dim3A_158 = vector.broadcast %broadcast_in_dim3A_157 : f32 to vector<8x128xf32>
      %swap3A_159 = arith.constant 0 : index
      %swap3A_160 = arith.constant 0 : index
      %swap3A_161 = vector.load %arg20[%swap3A_159, %swap3A_160] : memref<8x128xf32, #tpu.memory_space<vmem>>, vector<8x128xf32>
      tpu.vector_store %arg20[%swap3A_159, %swap3A_160], %broadcast_in_dim3A_158 {strides = array<i32>} : memref<8x128xf32, #tpu.memory_space<vmem>>, vector<8x128xf32>,
    } else {
    }
    %get3A_138 = arith.constant 0 : index
    %get3A_139 = arith.constant 0 : index
    %get3A_140 = vector.load %arg20[%get3A_138, %get3A_139] : memref<8x128xf32, #tpu.memory_space<vmem>>, vector<1x128xf32>
    %reduce_sum3A = arith.constant dense<0.000000e+00> : vector<128xf32>
    %reduce_sum3A_141 = vector.multi_reduction <add>, %mul3A_133, %reduce_sum3A [0] : vector<1600x128xf32> to vector<128xf32>
    %broadcast_in_dim3A = vector.shape_cast %reduce_sum3A_141 : vector<128xf32> to vector<1x128xf32>
    %add3A_142 = arith.addf %get3A_140, %broadcast_in_dim3A : vector<1x128xf32>
    %swap3A_143 = arith.constant 0 : index
    %swap3A_144 = arith.constant 0 : index
    %swap3A_145 = vector.load %arg20[%swap3A_143, %swap3A_144] : memref<8x128xf32, #tpu.memory_space<vmem>>, vector<1x128xf32>
    tpu.vector_store %arg20[%swap3A_143, %swap3A_144], %add3A_142 {strides = array<i32>} : memref<8x128xf32, #tpu.memory_space<vmem>>, vector<1x128xf32>,
    %get3A_146 = arith.constant 1 : index
    %get3A_147 = arith.constant 0 : index
    %get3A_148 = vector.load %arg20[%get3A_146, %get3A_147] : memref<8x128xf32, #tpu.memory_space<vmem>>, vector<1x128xf32>
    %mul3A_149 = arith.mulf %mul3A_133, %mul3A_133 : vector<1600x128xf32>
    %reduce_sum3A_150 = arith.constant dense<0.000000e+00> : vector<128xf32>
    %reduce_sum3A_151 = vector.multi_reduction <add>, %mul3A_149, %reduce_sum3A_150 [0] : vector<1600x128xf32> to vector<128xf32>
    %broadcast_in_dim3A_152 = vector.shape_cast %reduce_sum3A_151 : vector<128xf32> to vector<1x128xf32>
    %add3A_153 = arith.addf %get3A_148, %broadcast_in_dim3A_152 : vector<1x128xf32>
    %swap3A_154 = arith.constant 1 : index
    %swap3A_155 = arith.constant 0 : index
    %swap3A_156 = vector.load %arg20[%swap3A_154, %swap3A_155] : memref<8x128xf32, #tpu.memory_space<vmem>>, vector<1x128xf32>
    tpu.vector_store %arg20[%swap3A_154, %swap3A_155], %add3A_153 {strides = array<i32>} : memref<8x128xf32, #tpu.memory_space<vmem>>, vector<1x128xf32>,
    return
  }
  func.func @transform_0(%arg0: i32) -> (i32, i32) {
    %c0_i32 = arith.constant 0 : i32
    %c0_i32_0 = arith.constant 0 : i32
    return %arg0, %c0_i32 : i32, i32
  }
  func.func @transform_1(%arg0: i32) -> (i32, i32) {
    %c0_i32 = arith.constant 0 : i32
    %c0_i32_0 = arith.constant 0 : i32
    return %arg0, %c0_i32 : i32, i32
  }
  func.func @transform_2(%arg0: i32) -> (i32, i32) {
    %c0_i32 = arith.constant 0 : i32
    %c0_i32_0 = arith.constant 0 : i32
    return %arg0, %c0_i32 : i32, i32
  }
  func.func @transform_3(%arg0: i32) -> (i32, i32) {
    %c0_i32 = arith.constant 0 : i32
    %c0_i32_0 = arith.constant 0 : i32
    %c0_i32_1 = arith.constant 0 : i32
    return %c0_i32, %c0_i32_0 : i32, i32
  }
  func.func @transform_4(%arg0: i32) -> (i32, i32) {
    %c0_i32 = arith.constant 0 : i32
    %c0_i32_0 = arith.constant 0 : i32
    %c0_i32_1 = arith.constant 0 : i32
    return %c0_i32, %c0_i32_0 : i32, i32
  }
  func.func @transform_5(%arg0: i32) -> (i32, i32) {
    %c0_i32 = arith.constant 0 : i32
    %c0_i32_0 = arith.constant 0 : i32
    %c0_i32_1 = arith.constant 0 : i32
    return %c0_i32, %c0_i32_0 : i32, i32
  }
  func.func @transform_6(%arg0: i32) -> (i32, i32) {
    %c0_i32 = arith.constant 0 : i32
    %c0_i32_0 = arith.constant 0 : i32
    %c0_i32_1 = arith.constant 0 : i32
    return %c0_i32, %c0_i32_0 : i32, i32
  }
  func.func @transform_7(%arg0: i32) -> (i32, i32) {
    %c0_i32 = arith.constant 0 : i32
    %c0_i32_0 = arith.constant 0 : i32
    %c0_i32_1 = arith.constant 0 : i32
    return %c0_i32, %c0_i32_0 : i32, i32
  }
  func.func @transform_8(%arg0: i32) -> (i32, i32) {
    %c0_i32 = arith.constant 0 : i32
    %c0_i32_0 = arith.constant 0 : i32
    %c0_i32_1 = arith.constant 0 : i32
    return %c0_i32, %c0_i32_0 : i32, i32
  }
  func.func @transform_9(%arg0: i32) -> (i32, i32) {
    %c0_i32 = arith.constant 0 : i32
    %c0_i32_0 = arith.constant 0 : i32
    %c0_i32_1 = arith.constant 0 : i32
    return %c0_i32, %c0_i32_0 : i32, i32
  }
  func.func @transform_10(%arg0: i32) -> (i32, i32) {
    %c0_i32 = arith.constant 0 : i32
    %c0_i32_0 = arith.constant 0 : i32
    %c0_i32_1 = arith.constant 0 : i32
    return %c0_i32, %c0_i32_0 : i32, i32
  }
  func.func @transform_11(%arg0: i32) -> (i32, i32) {
    %c0_i32 = arith.constant 0 : i32
    %c0_i32_0 = arith.constant 0 : i32
    %c0_i32_1 = arith.constant 0 : i32
    return %c0_i32, %c0_i32_0 : i32, i32
  }
  func.func @transform_12(%arg0: i32) -> (i32, i32) {
    %c0_i32 = arith.constant 0 : i32
    %c0_i32_0 = arith.constant 0 : i32
    %c0_i32_1 = arith.constant 0 : i32
    return %c0_i32, %c0_i32_0 : i32, i32
  }
  func.func @transform_13(%arg0: i32) -> (i32, i32) {
    %c0_i32 = arith.constant 0 : i32
    %c0_i32_0 = arith.constant 0 : i32
    %c0_i32_1 = arith.constant 0 : i32
    return %c0_i32, %c0_i32_0 : i32, i32
  }
  func.func @transform_14(%arg0: i32) -> (i32, i32) {
    %c0_i32 = arith.constant 0 : i32
    %c0_i32_0 = arith.constant 0 : i32
    %c0_i32_1 = arith.constant 0 : i32
    return %c0_i32, %c0_i32_0 : i32, i32
  }
  func.func @transform_15(%arg0: i32) -> (i32, i32) {
    %c0_i32 = arith.constant 0 : i32
    %c0_i32_0 = arith.constant 0 : i32
    %c0_i32_1 = arith.constant 0 : i32
    return %c0_i32, %c0_i32_0 : i32, i32
  }
  func.func @transform_16(%arg0: i32) -> (i32, i32) {
    %c0_i32 = arith.constant 0 : i32
    %c0_i32_0 = arith.constant 0 : i32
    %c0_i32_1 = arith.constant 0 : i32
    return %c0_i32, %c0_i32_0 : i32, i32
  }
  func.func @transform_17(%arg0: i32) -> (i32, i32) {
    %c0_i32 = arith.constant 0 : i32
    %c0_i32_0 = arith.constant 0 : i32
    %c0_i32_1 = arith.constant 0 : i32
    return %c0_i32, %c0_i32_0 : i32, i32
  }
  func.func @transform_18(%arg0: i32) -> (i32, i32) {
    %c0_i32 = arith.constant 0 : i32
    %c0_i32_0 = arith.constant 0 : i32
    return %arg0, %c0_i32 : i32, i32
  }
  func.func @transform_19(%arg0: i32) -> (i32, i32) {
    %c0_i32 = arith.constant 0 : i32
    %c0_i32_0 = arith.constant 0 : i32
    %c0_i32_1 = arith.constant 0 : i32
    return %c0_i32, %c0_i32_0 : i32, i32
  }
}

module attributes {stable_mosaic.version = 14 : i64} {
  func.func @_main_body_bn(%arg0: i32, %arg1: memref<1600x128xf32, #tpu.memory_space<vmem>>, %arg2: memref<1600x32xf32, #tpu.memory_space<vmem>>, %arg3: memref<1x128xf32, #tpu.memory_space<vmem>>, %arg4: memref<1x128xf32, #tpu.memory_space<vmem>>, %arg5: memref<128x128xf32, #tpu.memory_space<vmem>>, %arg6: memref<1x128xf32, #tpu.memory_space<vmem>>, %arg7: memref<8x128xf32, #tpu.memory_space<vmem>>, %arg8: memref<128x128xf32, #tpu.memory_space<vmem>>, %arg9: memref<1600x128xf32, #tpu.memory_space<vmem>>) attributes {dimension_semantics = [#tpu.dimension_semantics<arbitrary>], iteration_bounds = array<i64: 100>, scalar_prefetch = 0 : i64, scratch_operands = 0 : i64, tpu.core_type = #tpu.core_type<tc>, window_params = [{transform_indices = @transform_0, window_bounds = array<i64: 1600, 128>}, {transform_indices = @transform_1, window_bounds = array<i64: 1600, 32>}, {pipeline_mode = #tpu.pipeline_mode<synchronous>, transform_indices = @transform_2, window_bounds = array<i64: 1, 128>}, {pipeline_mode = #tpu.pipeline_mode<synchronous>, transform_indices = @transform_3, window_bounds = array<i64: 1, 128>}, {pipeline_mode = #tpu.pipeline_mode<synchronous>, transform_indices = @transform_4, window_bounds = array<i64: 128, 128>}, {pipeline_mode = #tpu.pipeline_mode<synchronous>, transform_indices = @transform_5, window_bounds = array<i64: 1, 128>}, {pipeline_mode = #tpu.pipeline_mode<synchronous>, transform_indices = @transform_6, window_bounds = array<i64: 8, 128>}, {pipeline_mode = #tpu.pipeline_mode<synchronous>, transform_indices = @transform_7, window_bounds = array<i64: 128, 128>}, {transform_indices = @transform_8, window_bounds = array<i64: 1600, 128>}]} {
    %get3A = arith.constant 0 : index
    %get3A_0 = arith.constant 0 : index
    %get3A_1 = vector.load %arg1[%get3A, %get3A_0] : memref<1600x128xf32, #tpu.memory_space<vmem>>, vector<1600x128xf32>
    %get3A_2 = arith.constant 0 : index
    %get3A_3 = arith.constant 0 : index
    %get3A_4 = vector.load %arg3[%get3A_2, %get3A_3] : memref<1x128xf32, #tpu.memory_space<vmem>>, vector<1x128xf32>
    %mul3A = vector.broadcast %get3A_4 : vector<1x128xf32> to vector<1600x128xf32>
    %mul3A_5 = arith.mulf %get3A_1, %mul3A : vector<1600x128xf32>
    %get3A_6 = arith.constant 0 : index
    %get3A_7 = arith.constant 0 : index
    %get3A_8 = vector.load %arg4[%get3A_6, %get3A_7] : memref<1x128xf32, #tpu.memory_space<vmem>>, vector<1x128xf32>
    %add3A = vector.broadcast %get3A_8 : vector<1x128xf32> to vector<1600x128xf32>
    %add3A_9 = arith.addf %mul3A_5, %add3A : vector<1600x128xf32>
    %get3A_10 = arith.constant 0 : index
    %get3A_11 = arith.constant 0 : index
    %get3A_12 = vector.load %arg2[%get3A_10, %get3A_11] : memref<1600x32xf32, #tpu.memory_space<vmem>>, vector<1600x8xf32>
    %get3A_13 = arith.constant 0 : index
    %get3A_14 = arith.constant 0 : index
    %get3A_15 = vector.load %arg5[%get3A_13, %get3A_14] : memref<128x128xf32, #tpu.memory_space<vmem>>, vector<128x128xf32>
    %dot_general3A = arith.constant dense<0.000000e+00> : vector<1600x128xf32>
    %dot_general3A_16 = tpu.matmul %add3A_9, %get3A_15, %dot_general3A {dimension_numbers = #tpu.dot_dimension_numbers<[1], [0], [0], [1], [0, 0, 1, 1], [], []>, transpose_lhs_hint = false} : vector<1600x128xf32>, vector<128x128xf32>, vector<1600x128xf32> -> vector<1600x128xf32>
    %get3A_17 = arith.constant 0 : index
    %get3A_18 = arith.constant 0 : index
    %get3A_19 = vector.load %arg6[%get3A_17, %get3A_18] : memref<1x128xf32, #tpu.memory_space<vmem>>, vector<1x128xf32>
    %add3A_20 = vector.broadcast %get3A_19 : vector<1x128xf32> to vector<1600x128xf32>
    %add3A_21 = arith.addf %dot_general3A_16, %add3A_20 : vector<1600x128xf32>
    %neg3A = arith.constant 0.000000e+00 : f32
    %neg3A_22 = vector.broadcast %neg3A : f32 to vector<1600x128xf32>
    %neg3A_23 = arith.subf %neg3A_22, %add3A_21 : vector<1600x128xf32>
    %exp3A = math.exp %neg3A_23 : vector<1600x128xf32>
    %add3A_24 = arith.constant 1.000000e+00 : f32
    %add3A_25 = vector.broadcast %add3A_24 : f32 to vector<1600x128xf32>
    %add3A_26 = arith.addf %add3A_25, %exp3A : vector<1600x128xf32>
    %div3A = arith.constant 1.000000e+00 : f32
    %div3A_27 = vector.broadcast %div3A : f32 to vector<1600x128xf32>
    %div3A_28 = arith.divf %div3A_27, %add3A_26 : vector<1600x128xf32>
    %mul3A_29 = arith.mulf %add3A_21, %div3A_28 : vector<1600x128xf32>
    %get3A_30 = arith.constant 0 : index
    %get3A_31 = arith.constant 0 : index
    %get3A_32 = vector.load %arg7[%get3A_30, %get3A_31] : memref<8x128xf32, #tpu.memory_space<vmem>>, vector<8x128xf32>
    %dot_general3A_33 = arith.constant dense<0.000000e+00> : vector<1600x128xf32>
    %dot_general3A_34 = tpu.matmul %get3A_12, %get3A_32, %dot_general3A_33 {dimension_numbers = #tpu.dot_dimension_numbers<[1], [0], [0], [1], [0, 0, 1, 1], [], []>, transpose_lhs_hint = false} : vector<1600x8xf32>, vector<8x128xf32>, vector<1600x128xf32> -> vector<1600x128xf32>
    %mul3A_35 = arith.mulf %mul3A_29, %dot_general3A_34 : vector<1600x128xf32>
    %get3A_36 = arith.constant 0 : index
    %get3A_37 = arith.constant 0 : index
    %get3A_38 = vector.load %arg8[%get3A_36, %get3A_37] : memref<128x128xf32, #tpu.memory_space<vmem>>, vector<128x128xf32>
    %dot_general3A_39 = arith.constant dense<0.000000e+00> : vector<1600x128xf32>
    %dot_general3A_40 = tpu.matmul %mul3A_35, %get3A_38, %dot_general3A_39 {dimension_numbers = #tpu.dot_dimension_numbers<[1], [0], [0], [1], [0, 0, 1, 1], [], []>, transpose_lhs_hint = false} : vector<1600x128xf32>, vector<128x128xf32>, vector<1600x128xf32> -> vector<1600x128xf32>
    %neg3A_41 = arith.constant 0.000000e+00 : f32
    %neg3A_42 = vector.broadcast %neg3A_41 : f32 to vector<1600x128xf32>
    %neg3A_43 = arith.subf %neg3A_42, %dot_general3A_40 : vector<1600x128xf32>
    %exp3A_44 = math.exp %neg3A_43 : vector<1600x128xf32>
    %add3A_45 = arith.constant 1.000000e+00 : f32
    %add3A_46 = vector.broadcast %add3A_45 : f32 to vector<1600x128xf32>
    %add3A_47 = arith.addf %add3A_46, %exp3A_44 : vector<1600x128xf32>
    %div3A_48 = arith.constant 1.000000e+00 : f32
    %div3A_49 = vector.broadcast %div3A_48 : f32 to vector<1600x128xf32>
    %div3A_50 = arith.divf %div3A_49, %add3A_47 : vector<1600x128xf32>
    %mul3A_51 = arith.mulf %dot_general3A_40, %div3A_50 : vector<1600x128xf32>
    %swap3A = arith.constant 0 : index
    %swap3A_52 = arith.constant 0 : index
    %swap3A_53 = vector.load %arg9[%swap3A, %swap3A_52] : memref<1600x128xf32, #tpu.memory_space<vmem>>, vector<1600x128xf32>
    tpu.vector_store %arg9[%swap3A, %swap3A_52], %mul3A_51 {strides = array<i32>} : memref<1600x128xf32, #tpu.memory_space<vmem>>, vector<1600x128xf32>,
    return
  }
  func.func @transform_0(%arg0: i32) -> (i32, i32) {
    %c0_i32 = arith.constant 0 : i32
    %c0_i32_0 = arith.constant 0 : i32
    return %arg0, %c0_i32 : i32, i32
  }
  func.func @transform_1(%arg0: i32) -> (i32, i32) {
    %c0_i32 = arith.constant 0 : i32
    %c0_i32_0 = arith.constant 0 : i32
    return %arg0, %c0_i32 : i32, i32
  }
  func.func @transform_2(%arg0: i32) -> (i32, i32) {
    %c0_i32 = arith.constant 0 : i32
    %c0_i32_0 = arith.constant 0 : i32
    %c0_i32_1 = arith.constant 0 : i32
    return %c0_i32, %c0_i32_0 : i32, i32
  }
  func.func @transform_3(%arg0: i32) -> (i32, i32) {
    %c0_i32 = arith.constant 0 : i32
    %c0_i32_0 = arith.constant 0 : i32
    %c0_i32_1 = arith.constant 0 : i32
    return %c0_i32, %c0_i32_0 : i32, i32
  }
  func.func @transform_4(%arg0: i32) -> (i32, i32) {
    %c0_i32 = arith.constant 0 : i32
    %c0_i32_0 = arith.constant 0 : i32
    %c0_i32_1 = arith.constant 0 : i32
    return %c0_i32, %c0_i32_0 : i32, i32
  }
  func.func @transform_5(%arg0: i32) -> (i32, i32) {
    %c0_i32 = arith.constant 0 : i32
    %c0_i32_0 = arith.constant 0 : i32
    %c0_i32_1 = arith.constant 0 : i32
    return %c0_i32, %c0_i32_0 : i32, i32
  }
  func.func @transform_6(%arg0: i32) -> (i32, i32) {
    %c0_i32 = arith.constant 0 : i32
    %c0_i32_0 = arith.constant 0 : i32
    %c0_i32_1 = arith.constant 0 : i32
    return %c0_i32, %c0_i32_0 : i32, i32
  }
  func.func @transform_7(%arg0: i32) -> (i32, i32) {
    %c0_i32 = arith.constant 0 : i32
    %c0_i32_0 = arith.constant 0 : i32
    %c0_i32_1 = arith.constant 0 : i32
    return %c0_i32, %c0_i32_0 : i32, i32
  }
  func.func @transform_8(%arg0: i32) -> (i32, i32) {
    %c0_i32 = arith.constant 0 : i32
    %c0_i32_0 = arith.constant 0 : i32
    return %arg0, %c0_i32 : i32, i32
  }
}

module attributes {stable_mosaic.version = 14 : i64} {
  func.func @_post_body_bn(%arg0: i32, %arg1: memref<1600x128xf32, #tpu.memory_space<vmem>>, %arg2: memref<1600x32xf32, #tpu.memory_space<vmem>>, %arg3: memref<1600x128xf32, #tpu.memory_space<vmem>>, %arg4: memref<1x128xf32, #tpu.memory_space<vmem>>, %arg5: memref<1x128xf32, #tpu.memory_space<vmem>>, %arg6: memref<128x128xf32, #tpu.memory_space<vmem>>, %arg7: memref<1x128xf32, #tpu.memory_space<vmem>>, %arg8: memref<64x64xf32, #tpu.memory_space<vmem>>, %arg9: memref<512x64xf32, #tpu.memory_space<vmem>>, %arg10: memref<8x512xf32, #tpu.memory_space<vmem>>, %arg11: memref<8x512xf32, #tpu.memory_space<vmem>>, %arg12: memref<8x512xf32, #tpu.memory_space<vmem>>, %arg13: memref<8x64xf32, #tpu.memory_space<vmem>>, %arg14: memref<8x64xf32, #tpu.memory_space<vmem>>, %arg15: memref<64x128xf32, #tpu.memory_space<vmem>>, %arg16: memref<128x128xf32, #tpu.memory_space<vmem>>, %arg17: memref<1x128xf32, #tpu.memory_space<vmem>>, %arg18: memref<128x128xf32, #tpu.memory_space<vmem>>, %arg19: memref<1x128xf32, #tpu.memory_space<vmem>>, %arg20: memref<1600x128xf32, #tpu.memory_space<vmem>>, %arg21: memref<8x128xf32, #tpu.memory_space<vmem>>) attributes {dimension_semantics = [#tpu.dimension_semantics<arbitrary>], iteration_bounds = array<i64: 100>, scalar_prefetch = 0 : i64, scratch_operands = 0 : i64, tpu.core_type = #tpu.core_type<tc>, window_params = [{transform_indices = @transform_0, window_bounds = array<i64: 1600, 128>}, {transform_indices = @transform_1, window_bounds = array<i64: 1600, 32>}, {transform_indices = @transform_2, window_bounds = array<i64: 1600, 128>}, {pipeline_mode = #tpu.pipeline_mode<synchronous>, transform_indices = @transform_3, window_bounds = array<i64: 1, 128>}, {pipeline_mode = #tpu.pipeline_mode<synchronous>, transform_indices = @transform_4, window_bounds = array<i64: 1, 128>}, {pipeline_mode = #tpu.pipeline_mode<synchronous>, transform_indices = @transform_5, window_bounds = array<i64: 128, 128>}, {pipeline_mode = #tpu.pipeline_mode<synchronous>, transform_indices = @transform_6, window_bounds = array<i64: 1, 128>}, {pipeline_mode = #tpu.pipeline_mode<synchronous>, transform_indices = @transform_7, window_bounds = array<i64: 64, 64>}, {pipeline_mode = #tpu.pipeline_mode<synchronous>, transform_indices = @transform_8, window_bounds = array<i64: 512, 64>}, {pipeline_mode = #tpu.pipeline_mode<synchronous>, transform_indices = @transform_9, window_bounds = array<i64: 8, 512>}, {pipeline_mode = #tpu.pipeline_mode<synchronous>, transform_indices = @transform_10, window_bounds = array<i64: 8, 512>}, {pipeline_mode = #tpu.pipeline_mode<synchronous>, transform_indices = @transform_11, window_bounds = array<i64: 8, 512>}, {pipeline_mode = #tpu.pipeline_mode<synchronous>, transform_indices = @transform_12, window_bounds = array<i64: 8, 64>}, {pipeline_mode = #tpu.pipeline_mode<synchronous>, transform_indices = @transform_13, window_bounds = array<i64: 8, 64>}, {pipeline_mode = #tpu.pipeline_mode<synchronous>, transform_indices = @transform_14, window_bounds = array<i64: 64, 128>}, {pipeline_mode = #tpu.pipeline_mode<synchronous>, transform_indices = @transform_15, window_bounds = array<i64: 128, 128>}, {pipeline_mode = #tpu.pipeline_mode<synchronous>, transform_indices = @transform_16, window_bounds = array<i64: 1, 128>}, {pipeline_mode = #tpu.pipeline_mode<synchronous>, transform_indices = @transform_17, window_bounds = array<i64: 128, 128>}, {pipeline_mode = #tpu.pipeline_mode<synchronous>, transform_indices = @transform_18, window_bounds = array<i64: 1, 128>}, {transform_indices = @transform_19, window_bounds = array<i64: 1600, 128>}, {pipeline_mode = #tpu.pipeline_mode<synchronous>, transform_indices = @transform_20, window_bounds = array<i64: 8, 128>}]} {
    %get3A = arith.constant 0 : index
    %get3A_0 = arith.constant 0 : index
    %get3A_1 = vector.load %arg1[%get3A, %get3A_0] : memref<1600x128xf32, #tpu.memory_space<vmem>>, vector<1600x128xf32>
    %get3A_2 = arith.constant 0 : index
    %get3A_3 = arith.constant 0 : index
    %get3A_4 = vector.load %arg4[%get3A_2, %get3A_3] : memref<1x128xf32, #tpu.memory_space<vmem>>, vector<1x128xf32>
    %mul3A = vector.broadcast %get3A_4 : vector<1x128xf32> to vector<1600x128xf32>
    %mul3A_5 = arith.mulf %get3A_1, %mul3A : vector<1600x128xf32>
    %get3A_6 = arith.constant 0 : index
    %get3A_7 = arith.constant 0 : index
    %get3A_8 = vector.load %arg5[%get3A_6, %get3A_7] : memref<1x128xf32, #tpu.memory_space<vmem>>, vector<1x128xf32>
    %add3A = vector.broadcast %get3A_8 : vector<1x128xf32> to vector<1600x128xf32>
    %add3A_9 = arith.addf %mul3A_5, %add3A : vector<1600x128xf32>
    %get3A_10 = arith.constant 0 : index
    %get3A_11 = arith.constant 8 : index
    %get3A_12 = vector.load %arg2[%get3A_10, %get3A_11] : memref<1600x32xf32, #tpu.memory_space<vmem>>, vector<1600x8xf32>
    %get3A_13 = arith.constant 0 : index
    %get3A_14 = arith.constant 16 : index
    %get3A_15 = vector.load %arg2[%get3A_13, %get3A_14] : memref<1600x32xf32, #tpu.memory_space<vmem>>, vector<1600x8xf32>
    %get3A_16 = arith.constant 0 : index
    %get3A_17 = arith.constant 24 : index
    %get3A_18 = vector.load %arg2[%get3A_16, %get3A_17] : memref<1600x32xf32, #tpu.memory_space<vmem>>, vector<1600x8xf32>
    %get3A_19 = arith.constant 0 : index
    %get3A_20 = arith.constant 0 : index
    %get3A_21 = vector.load %arg6[%get3A_19, %get3A_20] : memref<128x128xf32, #tpu.memory_space<vmem>>, vector<128x128xf32>
    %dot_general3A = arith.constant dense<0.000000e+00> : vector<1600x128xf32>
    %dot_general3A_22 = tpu.matmul %add3A_9, %get3A_21, %dot_general3A {dimension_numbers = #tpu.dot_dimension_numbers<[1], [0], [0], [1], [0, 0, 1, 1], [], []>, transpose_lhs_hint = false} : vector<1600x128xf32>, vector<128x128xf32>, vector<1600x128xf32> -> vector<1600x128xf32>
    %get3A_23 = arith.constant 0 : index
    %get3A_24 = arith.constant 0 : index
    %get3A_25 = vector.load %arg7[%get3A_23, %get3A_24] : memref<1x128xf32, #tpu.memory_space<vmem>>, vector<1x128xf32>
    %add3A_26 = vector.broadcast %get3A_25 : vector<1x128xf32> to vector<1600x128xf32>
    %add3A_27 = arith.addf %dot_general3A_22, %add3A_26 : vector<1600x128xf32>
    %neg3A = arith.constant 0.000000e+00 : f32
    %neg3A_28 = vector.broadcast %neg3A : f32 to vector<1600x128xf32>
    %neg3A_29 = arith.subf %neg3A_28, %add3A_27 : vector<1600x128xf32>
    %exp3A = math.exp %neg3A_29 : vector<1600x128xf32>
    %add3A_30 = arith.constant 1.000000e+00 : f32
    %add3A_31 = vector.broadcast %add3A_30 : f32 to vector<1600x128xf32>
    %add3A_32 = arith.addf %add3A_31, %exp3A : vector<1600x128xf32>
    %div3A = arith.constant 1.000000e+00 : f32
    %div3A_33 = vector.broadcast %div3A : f32 to vector<1600x128xf32>
    %div3A_34 = arith.divf %div3A_33, %add3A_32 : vector<1600x128xf32>
    %mul3A_35 = arith.mulf %add3A_27, %div3A_34 : vector<1600x128xf32>
    %get3A_36 = arith.constant 0 : index
    %get3A_37 = arith.constant 0 : index
    %get3A_38 = vector.load %arg13[%get3A_36, %get3A_37] : memref<8x64xf32, #tpu.memory_space<vmem>>, vector<8x64xf32>
    %dot_general3A_39 = arith.constant dense<0.000000e+00> : vector<1600x64xf32>
    %dot_general3A_40 = tpu.matmul %get3A_15, %get3A_38, %dot_general3A_39 {dimension_numbers = #tpu.dot_dimension_numbers<[1], [0], [0], [1], [0, 0, 1, 1], [], []>, transpose_lhs_hint = false} : vector<1600x8xf32>, vector<8x64xf32>, vector<1600x64xf32> -> vector<1600x64xf32>
    %get3A_41 = arith.constant 0 : index
    %get3A_42 = arith.constant 0 : index
    %get3A_43 = vector.load %arg14[%get3A_41, %get3A_42] : memref<8x64xf32, #tpu.memory_space<vmem>>, vector<8x64xf32>
    %dot_general3A_44 = arith.constant dense<0.000000e+00> : vector<1600x64xf32>
    %dot_general3A_45 = tpu.matmul %get3A_12, %get3A_43, %dot_general3A_44 {dimension_numbers = #tpu.dot_dimension_numbers<[1], [0], [0], [1], [0, 0, 1, 1], [], []>, transpose_lhs_hint = false} : vector<1600x8xf32>, vector<8x64xf32>, vector<1600x64xf32> -> vector<1600x64xf32>
    %mul3A_46 = arith.mulf %dot_general3A_40, %dot_general3A_45 : vector<1600x64xf32>
    %get3A_47 = arith.constant 0 : index
    %get3A_48 = arith.constant 0 : index
    %get3A_49 = vector.load %arg8[%get3A_47, %get3A_48] : memref<64x64xf32, #tpu.memory_space<vmem>>, vector<64x64xf32>
    %dot_general3A_50 = arith.constant dense<0.000000e+00> : vector<1600x64xf32>
    %dot_general3A_51 = tpu.matmul %mul3A_46, %get3A_49, %dot_general3A_50 {dimension_numbers = #tpu.dot_dimension_numbers<[1], [0], [0], [1], [0, 0, 1, 1], [], []>, transpose_lhs_hint = false} : vector<1600x64xf32>, vector<64x64xf32>, vector<1600x64xf32> -> vector<1600x64xf32>
    %get3A_52 = arith.constant 0 : index
    %get3A_53 = arith.constant 0 : index
    %get3A_54 = vector.load %arg10[%get3A_52, %get3A_53] : memref<8x512xf32, #tpu.memory_space<vmem>>, vector<8x512xf32>
    %dot_general3A_55 = arith.constant dense<0.000000e+00> : vector<1600x512xf32>
    %dot_general3A_56 = tpu.matmul %get3A_15, %get3A_54, %dot_general3A_55 {dimension_numbers = #tpu.dot_dimension_numbers<[1], [0], [0], [1], [0, 0, 1, 1], [], []>, transpose_lhs_hint = false} : vector<1600x8xf32>, vector<8x512xf32>, vector<1600x512xf32> -> vector<1600x512xf32>
    %get3A_57 = arith.constant 0 : index
    %get3A_58 = arith.constant 0 : index
    %get3A_59 = vector.load %arg11[%get3A_57, %get3A_58] : memref<8x512xf32, #tpu.memory_space<vmem>>, vector<8x512xf32>
    %dot_general3A_60 = arith.constant dense<0.000000e+00> : vector<1600x512xf32>
    %dot_general3A_61 = tpu.matmul %get3A_18, %get3A_59, %dot_general3A_60 {dimension_numbers = #tpu.dot_dimension_numbers<[1], [0], [0], [1], [0, 0, 1, 1], [], []>, transpose_lhs_hint = false} : vector<1600x8xf32>, vector<8x512xf32>, vector<1600x512xf32> -> vector<1600x512xf32>
    %mul3A_62 = arith.mulf %dot_general3A_56, %dot_general3A_61 : vector<1600x512xf32>
    %get3A_63 = arith.constant 0 : index
    %get3A_64 = arith.constant 0 : index
    %get3A_65 = vector.load %arg12[%get3A_63, %get3A_64] : memref<8x512xf32, #tpu.memory_space<vmem>>, vector<8x512xf32>
    %dot_general3A_66 = arith.constant dense<0.000000e+00> : vector<1600x512xf32>
    %dot_general3A_67 = tpu.matmul %get3A_12, %get3A_65, %dot_general3A_66 {dimension_numbers = #tpu.dot_dimension_numbers<[1], [0], [0], [1], [0, 0, 1, 1], [], []>, transpose_lhs_hint = false} : vector<1600x8xf32>, vector<8x512xf32>, vector<1600x512xf32> -> vector<1600x512xf32>
    %mul3A_68 = arith.mulf %mul3A_62, %dot_general3A_67 : vector<1600x512xf32>
    %get3A_69 = arith.constant 0 : index
    %get3A_70 = arith.constant 0 : index
    %get3A_71 = vector.load %arg9[%get3A_69, %get3A_70] : memref<512x64xf32, #tpu.memory_space<vmem>>, vector<512x64xf32>
    %dot_general3A_72 = arith.constant dense<0.000000e+00> : vector<1600x64xf32>
    %dot_general3A_73 = tpu.matmul %mul3A_68, %get3A_71, %dot_general3A_72 {dimension_numbers = #tpu.dot_dimension_numbers<[1], [0], [0], [1], [0, 0, 1, 1], [], []>, transpose_lhs_hint = false} : vector<1600x512xf32>, vector<512x64xf32>, vector<1600x64xf32> -> vector<1600x64xf32>
    %get3A_74 = arith.constant 0 : index
    %get3A_75 = arith.constant 0 : index
    %get3A_76 = vector.load %arg3[%get3A_74, %get3A_75] : memref<1600x128xf32, #tpu.memory_space<vmem>>, vector<1600x64xf32>
    %mul3A_77 = arith.mulf %get3A_76, %dot_general3A_51 : vector<1600x64xf32>
    %mul3A_78 = arith.mulf %mul3A_77, %dot_general3A_73 : vector<1600x64xf32>
    %get3A_79 = arith.constant 0 : index
    %get3A_80 = arith.constant 0 : index
    %get3A_81 = vector.load %arg15[%get3A_79, %get3A_80] : memref<64x128xf32, #tpu.memory_space<vmem>>, vector<64x128xf32>
    %dot_general3A_82 = arith.constant dense<0.000000e+00> : vector<1600x128xf32>
    %dot_general3A_83 = tpu.matmul %mul3A_78, %get3A_81, %dot_general3A_82 {dimension_numbers = #tpu.dot_dimension_numbers<[1], [0], [0], [1], [0, 0, 1, 1], [], []>, transpose_lhs_hint = false} : vector<1600x64xf32>, vector<64x128xf32>, vector<1600x128xf32> -> vector<1600x128xf32>
    %neg3A_84 = arith.constant 0.000000e+00 : f32
    %neg3A_85 = vector.broadcast %neg3A_84 : f32 to vector<1600x128xf32>
    %neg3A_86 = arith.subf %neg3A_85, %dot_general3A_83 : vector<1600x128xf32>
    %exp3A_87 = math.exp %neg3A_86 : vector<1600x128xf32>
    %add3A_88 = arith.constant 1.000000e+00 : f32
    %add3A_89 = vector.broadcast %add3A_88 : f32 to vector<1600x128xf32>
    %add3A_90 = arith.addf %add3A_89, %exp3A_87 : vector<1600x128xf32>
    %div3A_91 = arith.constant 1.000000e+00 : f32
    %div3A_92 = vector.broadcast %div3A_91 : f32 to vector<1600x128xf32>
    %div3A_93 = arith.divf %div3A_92, %add3A_90 : vector<1600x128xf32>
    %mul3A_94 = arith.mulf %dot_general3A_83, %div3A_93 : vector<1600x128xf32>
    %add3A_95 = arith.addf %mul3A_35, %mul3A_94 : vector<1600x128xf32>
    %get3A_96 = arith.constant 0 : index
    %get3A_97 = arith.constant 0 : index
    %get3A_98 = vector.load %arg16[%get3A_96, %get3A_97] : memref<128x128xf32, #tpu.memory_space<vmem>>, vector<128x128xf32>
    %dot_general3A_99 = arith.constant dense<0.000000e+00> : vector<1600x128xf32>
    %dot_general3A_100 = tpu.matmul %add3A_95, %get3A_98, %dot_general3A_99 {dimension_numbers = #tpu.dot_dimension_numbers<[1], [0], [0], [1], [0, 0, 1, 1], [], []>, transpose_lhs_hint = false} : vector<1600x128xf32>, vector<128x128xf32>, vector<1600x128xf32> -> vector<1600x128xf32>
    %get3A_101 = arith.constant 0 : index
    %get3A_102 = arith.constant 0 : index
    %get3A_103 = vector.load %arg17[%get3A_101, %get3A_102] : memref<1x128xf32, #tpu.memory_space<vmem>>, vector<1x128xf32>
    %add3A_104 = vector.broadcast %get3A_103 : vector<1x128xf32> to vector<1600x128xf32>
    %add3A_105 = arith.addf %dot_general3A_100, %add3A_104 : vector<1600x128xf32>
    %neg3A_106 = arith.constant 0.000000e+00 : f32
    %neg3A_107 = vector.broadcast %neg3A_106 : f32 to vector<1600x128xf32>
    %neg3A_108 = arith.subf %neg3A_107, %add3A_105 : vector<1600x128xf32>
    %exp3A_109 = math.exp %neg3A_108 : vector<1600x128xf32>
    %add3A_110 = arith.constant 1.000000e+00 : f32
    %add3A_111 = vector.broadcast %add3A_110 : f32 to vector<1600x128xf32>
    %add3A_112 = arith.addf %add3A_111, %exp3A_109 : vector<1600x128xf32>
    %div3A_113 = arith.constant 1.000000e+00 : f32
    %div3A_114 = vector.broadcast %div3A_113 : f32 to vector<1600x128xf32>
    %div3A_115 = arith.divf %div3A_114, %add3A_112 : vector<1600x128xf32>
    %mul3A_116 = arith.mulf %add3A_105, %div3A_115 : vector<1600x128xf32>
    %add3A_117 = arith.addf %mul3A_116, %add3A_9 : vector<1600x128xf32>
    %get3A_118 = arith.constant 0 : index
    %get3A_119 = arith.constant 0 : index
    %get3A_120 = vector.load %arg18[%get3A_118, %get3A_119] : memref<128x128xf32, #tpu.memory_space<vmem>>, vector<128x128xf32>
    %dot_general3A_121 = arith.constant dense<0.000000e+00> : vector<1600x128xf32>
    %dot_general3A_122 = tpu.matmul %add3A_117, %get3A_120, %dot_general3A_121 {dimension_numbers = #tpu.dot_dimension_numbers<[1], [0], [0], [1], [0, 0, 1, 1], [], []>, transpose_lhs_hint = false} : vector<1600x128xf32>, vector<128x128xf32>, vector<1600x128xf32> -> vector<1600x128xf32>
    %get3A_123 = arith.constant 0 : index
    %get3A_124 = arith.constant 0 : index
    %get3A_125 = vector.load %arg19[%get3A_123, %get3A_124] : memref<1x128xf32, #tpu.memory_space<vmem>>, vector<1x128xf32>
    %add3A_126 = vector.broadcast %get3A_125 : vector<1x128xf32> to vector<1600x128xf32>
    %add3A_127 = arith.addf %dot_general3A_122, %add3A_126 : vector<1600x128xf32>
    %neg3A_128 = arith.constant 0.000000e+00 : f32
    %neg3A_129 = vector.broadcast %neg3A_128 : f32 to vector<1600x128xf32>
    %neg3A_130 = arith.subf %neg3A_129, %add3A_127 : vector<1600x128xf32>
    %exp3A_131 = math.exp %neg3A_130 : vector<1600x128xf32>
    %add3A_132 = arith.constant 1.000000e+00 : f32
    %add3A_133 = vector.broadcast %add3A_132 : f32 to vector<1600x128xf32>
    %add3A_134 = arith.addf %add3A_133, %exp3A_131 : vector<1600x128xf32>
    %div3A_135 = arith.constant 1.000000e+00 : f32
    %div3A_136 = vector.broadcast %div3A_135 : f32 to vector<1600x128xf32>
    %div3A_137 = arith.divf %div3A_136, %add3A_134 : vector<1600x128xf32>
    %mul3A_138 = arith.mulf %add3A_127, %div3A_137 : vector<1600x128xf32>
    %swap3A = arith.constant 0 : index
    %swap3A_139 = arith.constant 0 : index
    %swap3A_140 = vector.load %arg20[%swap3A, %swap3A_139] : memref<1600x128xf32, #tpu.memory_space<vmem>>, vector<1600x128xf32>
    tpu.vector_store %arg20[%swap3A, %swap3A_139], %mul3A_138 {strides = array<i32>} : memref<1600x128xf32, #tpu.memory_space<vmem>>, vector<1600x128xf32>,
    %eq3A = arith.constant 0 : i32
    %eq3A_141 = arith.cmpi eq, %arg0, %eq3A : i32
    %convert_element_type3A = arith.extui %eq3A_141 : i1 to i32
    %cond3A = arith.constant 0 : i32
    %cond3A_142 = arith.cmpi ne, %convert_element_type3A, %cond3A : i32
    scf.if %cond3A_142 {
      %broadcast_in_dim3A_162 = arith.constant 0.000000e+00 : f32
      %broadcast_in_dim3A_163 = vector.broadcast %broadcast_in_dim3A_162 : f32 to vector<8x128xf32>
      %swap3A_164 = arith.constant 0 : index
      %swap3A_165 = arith.constant 0 : index
      %swap3A_166 = vector.load %arg21[%swap3A_164, %swap3A_165] : memref<8x128xf32, #tpu.memory_space<vmem>>, vector<8x128xf32>
      tpu.vector_store %arg21[%swap3A_164, %swap3A_165], %broadcast_in_dim3A_163 {strides = array<i32>} : memref<8x128xf32, #tpu.memory_space<vmem>>, vector<8x128xf32>,
    } else {
    }
    %get3A_143 = arith.constant 0 : index
    %get3A_144 = arith.constant 0 : index
    %get3A_145 = vector.load %arg21[%get3A_143, %get3A_144] : memref<8x128xf32, #tpu.memory_space<vmem>>, vector<1x128xf32>
    %reduce_sum3A = arith.constant dense<0.000000e+00> : vector<128xf32>
    %reduce_sum3A_146 = vector.multi_reduction <add>, %mul3A_138, %reduce_sum3A [0] : vector<1600x128xf32> to vector<128xf32>
    %broadcast_in_dim3A = vector.shape_cast %reduce_sum3A_146 : vector<128xf32> to vector<1x128xf32>
    %add3A_147 = arith.addf %get3A_145, %broadcast_in_dim3A : vector<1x128xf32>
    %swap3A_148 = arith.constant 0 : index
    %swap3A_149 = arith.constant 0 : index
    %swap3A_150 = vector.load %arg21[%swap3A_148, %swap3A_149] : memref<8x128xf32, #tpu.memory_space<vmem>>, vector<1x128xf32>
    tpu.vector_store %arg21[%swap3A_148, %swap3A_149], %add3A_147 {strides = array<i32>} : memref<8x128xf32, #tpu.memory_space<vmem>>, vector<1x128xf32>,
    %get3A_151 = arith.constant 1 : index
    %get3A_152 = arith.constant 0 : index
    %get3A_153 = vector.load %arg21[%get3A_151, %get3A_152] : memref<8x128xf32, #tpu.memory_space<vmem>>, vector<1x128xf32>
    %mul3A_154 = arith.mulf %mul3A_138, %mul3A_138 : vector<1600x128xf32>
    %reduce_sum3A_155 = arith.constant dense<0.000000e+00> : vector<128xf32>
    %reduce_sum3A_156 = vector.multi_reduction <add>, %mul3A_154, %reduce_sum3A_155 [0] : vector<1600x128xf32> to vector<128xf32>
    %broadcast_in_dim3A_157 = vector.shape_cast %reduce_sum3A_156 : vector<128xf32> to vector<1x128xf32>
    %add3A_158 = arith.addf %get3A_153, %broadcast_in_dim3A_157 : vector<1x128xf32>
    %swap3A_159 = arith.constant 1 : index
    %swap3A_160 = arith.constant 0 : index
    %swap3A_161 = vector.load %arg21[%swap3A_159, %swap3A_160] : memref<8x128xf32, #tpu.memory_space<vmem>>, vector<1x128xf32>
    tpu.vector_store %arg21[%swap3A_159, %swap3A_160], %add3A_158 {strides = array<i32>} : memref<8x128xf32, #tpu.memory_space<vmem>>, vector<1x128xf32>,
    return
  }
  func.func @transform_0(%arg0: i32) -> (i32, i32) {
    %c0_i32 = arith.constant 0 : i32
    %c0_i32_0 = arith.constant 0 : i32
    return %arg0, %c0_i32 : i32, i32
  }
  func.func @transform_1(%arg0: i32) -> (i32, i32) {
    %c0_i32 = arith.constant 0 : i32
    %c0_i32_0 = arith.constant 0 : i32
    return %arg0, %c0_i32 : i32, i32
  }
  func.func @transform_2(%arg0: i32) -> (i32, i32) {
    %c0_i32 = arith.constant 0 : i32
    %c0_i32_0 = arith.constant 0 : i32
    return %arg0, %c0_i32 : i32, i32
  }
  func.func @transform_3(%arg0: i32) -> (i32, i32) {
    %c0_i32 = arith.constant 0 : i32
    %c0_i32_0 = arith.constant 0 : i32
    %c0_i32_1 = arith.constant 0 : i32
    return %c0_i32, %c0_i32_0 : i32, i32
  }
  func.func @transform_4(%arg0: i32) -> (i32, i32) {
    %c0_i32 = arith.constant 0 : i32
    %c0_i32_0 = arith.constant 0 : i32
    %c0_i32_1 = arith.constant 0 : i32
    return %c0_i32, %c0_i32_0 : i32, i32
  }
  func.func @transform_5(%arg0: i32) -> (i32, i32) {
    %c0_i32 = arith.constant 0 : i32
    %c0_i32_0 = arith.constant 0 : i32
    %c0_i32_1 = arith.constant 0 : i32
    return %c0_i32, %c0_i32_0 : i32, i32
  }
  func.func @transform_6(%arg0: i32) -> (i32, i32) {
    %c0_i32 = arith.constant 0 : i32
    %c0_i32_0 = arith.constant 0 : i32
    %c0_i32_1 = arith.constant 0 : i32
    return %c0_i32, %c0_i32_0 : i32, i32
  }
  func.func @transform_7(%arg0: i32) -> (i32, i32) {
    %c0_i32 = arith.constant 0 : i32
    %c0_i32_0 = arith.constant 0 : i32
    %c0_i32_1 = arith.constant 0 : i32
    return %c0_i32, %c0_i32_0 : i32, i32
  }
  func.func @transform_8(%arg0: i32) -> (i32, i32) {
    %c0_i32 = arith.constant 0 : i32
    %c0_i32_0 = arith.constant 0 : i32
    %c0_i32_1 = arith.constant 0 : i32
    return %c0_i32, %c0_i32_0 : i32, i32
  }
  func.func @transform_9(%arg0: i32) -> (i32, i32) {
    %c0_i32 = arith.constant 0 : i32
    %c0_i32_0 = arith.constant 0 : i32
    %c0_i32_1 = arith.constant 0 : i32
    return %c0_i32, %c0_i32_0 : i32, i32
  }
  func.func @transform_10(%arg0: i32) -> (i32, i32) {
    %c0_i32 = arith.constant 0 : i32
    %c0_i32_0 = arith.constant 0 : i32
    %c0_i32_1 = arith.constant 0 : i32
    return %c0_i32, %c0_i32_0 : i32, i32
  }
  func.func @transform_11(%arg0: i32) -> (i32, i32) {
    %c0_i32 = arith.constant 0 : i32
    %c0_i32_0 = arith.constant 0 : i32
    %c0_i32_1 = arith.constant 0 : i32
    return %c0_i32, %c0_i32_0 : i32, i32
  }
  func.func @transform_12(%arg0: i32) -> (i32, i32) {
    %c0_i32 = arith.constant 0 : i32
    %c0_i32_0 = arith.constant 0 : i32
    %c0_i32_1 = arith.constant 0 : i32
    return %c0_i32, %c0_i32_0 : i32, i32
  }
  func.func @transform_13(%arg0: i32) -> (i32, i32) {
    %c0_i32 = arith.constant 0 : i32
    %c0_i32_0 = arith.constant 0 : i32
    %c0_i32_1 = arith.constant 0 : i32
    return %c0_i32, %c0_i32_0 : i32, i32
  }
  func.func @transform_14(%arg0: i32) -> (i32, i32) {
    %c0_i32 = arith.constant 0 : i32
    %c0_i32_0 = arith.constant 0 : i32
    %c0_i32_1 = arith.constant 0 : i32
    return %c0_i32, %c0_i32_0 : i32, i32
  }
  func.func @transform_15(%arg0: i32) -> (i32, i32) {
    %c0_i32 = arith.constant 0 : i32
    %c0_i32_0 = arith.constant 0 : i32
    %c0_i32_1 = arith.constant 0 : i32
    return %c0_i32, %c0_i32_0 : i32, i32
  }
  func.func @transform_16(%arg0: i32) -> (i32, i32) {
    %c0_i32 = arith.constant 0 : i32
    %c0_i32_0 = arith.constant 0 : i32
    %c0_i32_1 = arith.constant 0 : i32
    return %c0_i32, %c0_i32_0 : i32, i32
  }
  func.func @transform_17(%arg0: i32) -> (i32, i32) {
    %c0_i32 = arith.constant 0 : i32
    %c0_i32_0 = arith.constant 0 : i32
    %c0_i32_1 = arith.constant 0 : i32
    return %c0_i32, %c0_i32_0 : i32, i32
  }
  func.func @transform_18(%arg0: i32) -> (i32, i32) {
    %c0_i32 = arith.constant 0 : i32
    %c0_i32_0 = arith.constant 0 : i32
    %c0_i32_1 = arith.constant 0 : i32
    return %c0_i32, %c0_i32_0 : i32, i32
  }
  func.func @transform_19(%arg0: i32) -> (i32, i32) {
    %c0_i32 = arith.constant 0 : i32
    %c0_i32_0 = arith.constant 0 : i32
    return %arg0, %c0_i32 : i32, i32
  }
  func.func @transform_20(%arg0: i32) -> (i32, i32) {
    %c0_i32 = arith.constant 0 : i32
    %c0_i32_0 = arith.constant 0 : i32
    %c0_i32_1 = arith.constant 0 : i32
    return %c0_i32, %c0_i32_0 : i32, i32
  }
}

module attributes {stable_mosaic.version = 14 : i64} {
  func.func @_final_body(%arg0: i32, %arg1: memref<1600x128xf32, #tpu.memory_space<vmem>>, %arg2: memref<1x128xf32, #tpu.memory_space<vmem>>, %arg3: memref<1x128xf32, #tpu.memory_space<vmem>>, %arg4: memref<1600x1xi32, #tpu.memory_space<vmem>>, %arg5: memref<16x128xf32, #tpu.memory_space<vmem>>) attributes {dimension_semantics = [#tpu.dimension_semantics<arbitrary>], iteration_bounds = array<i64: 100>, scalar_prefetch = 0 : i64, scratch_operands = 0 : i64, tpu.core_type = #tpu.core_type<tc>, window_params = [{transform_indices = @transform_0, window_bounds = array<i64: 1600, 128>}, {pipeline_mode = #tpu.pipeline_mode<synchronous>, transform_indices = @transform_1, window_bounds = array<i64: 1, 128>}, {pipeline_mode = #tpu.pipeline_mode<synchronous>, transform_indices = @transform_2, window_bounds = array<i64: 1, 128>}, {transform_indices = @transform_3, window_bounds = array<i64: 1600, 1>}, {pipeline_mode = #tpu.pipeline_mode<synchronous>, transform_indices = @transform_4, window_bounds = array<i64: 16, 128>}]} {
    %get3A = arith.constant 0 : index
    %get3A_0 = arith.constant 0 : index
    %get3A_1 = vector.load %arg1[%get3A, %get3A_0] : memref<1600x128xf32, #tpu.memory_space<vmem>>, vector<1600x128xf32>
    %get3A_2 = arith.constant 0 : index
    %get3A_3 = arith.constant 0 : index
    %get3A_4 = vector.load %arg2[%get3A_2, %get3A_3] : memref<1x128xf32, #tpu.memory_space<vmem>>, vector<1x128xf32>
    %mul3A = vector.broadcast %get3A_4 : vector<1x128xf32> to vector<1600x128xf32>
    %mul3A_5 = arith.mulf %get3A_1, %mul3A : vector<1600x128xf32>
    %get3A_6 = arith.constant 0 : index
    %get3A_7 = arith.constant 0 : index
    %get3A_8 = vector.load %arg3[%get3A_6, %get3A_7] : memref<1x128xf32, #tpu.memory_space<vmem>>, vector<1x128xf32>
    %add3A = vector.broadcast %get3A_8 : vector<1x128xf32> to vector<1600x128xf32>
    %add3A_9 = arith.addf %mul3A_5, %add3A : vector<1600x128xf32>
    %get3A_10 = arith.constant 0 : index
    %get3A_11 = arith.constant 0 : index
    %get3A_12 = vector.load %arg4[%get3A_10, %get3A_11] : memref<1600x1xi32, #tpu.memory_space<vmem>>, vector<1600x1xi32>
    %iota3A = tpu.iota {dimensions = array<i32: 1>} : vector<1600x16xi32>
    %eq3A = vector.broadcast %get3A_12 : vector<1600x1xi32> to vector<1600x16xi32>
    %eq3A_13 = arith.cmpi eq, %eq3A, %iota3A : vector<1600x16xi32>
    %convert_element_type3A = arith.extui %eq3A_13 : vector<1600x16xi1> to vector<1600x16xi32>
    %convert_element_type3A_14 = arith.sitofp %convert_element_type3A : vector<1600x16xi32> to vector<1600x16xf32>
    %eq3A_15 = arith.constant 0 : i32
    %eq3A_16 = arith.cmpi eq, %arg0, %eq3A_15 : i32
    %convert_element_type3A_17 = arith.extui %eq3A_16 : i1 to i32
    %cond3A = arith.constant 0 : i32
    %cond3A_18 = arith.cmpi ne, %convert_element_type3A_17, %cond3A : i32
    scf.if %cond3A_18 {
      %broadcast_in_dim3A = arith.constant 0.000000e+00 : f32
      %broadcast_in_dim3A_26 = vector.broadcast %broadcast_in_dim3A : f32 to vector<16x128xf32>
      %swap3A_27 = arith.constant 0 : index
      %swap3A_28 = arith.constant 0 : index
      %swap3A_29 = vector.load %arg5[%swap3A_27, %swap3A_28] : memref<16x128xf32, #tpu.memory_space<vmem>>, vector<16x128xf32>
      tpu.vector_store %arg5[%swap3A_27, %swap3A_28], %broadcast_in_dim3A_26 {strides = array<i32>} : memref<16x128xf32, #tpu.memory_space<vmem>>, vector<16x128xf32>,
    } else {
    }
    %get3A_19 = arith.constant 0 : index
    %get3A_20 = arith.constant 0 : index
    %get3A_21 = vector.load %arg5[%get3A_19, %get3A_20] : memref<16x128xf32, #tpu.memory_space<vmem>>, vector<16x128xf32>
    %dot_general3A = arith.constant dense<0.000000e+00> : vector<16x128xf32>
    %dot_general3A_22 = tpu.matmul %convert_element_type3A_14, %add3A_9, %dot_general3A {dimension_numbers = #tpu.dot_dimension_numbers<[0], [0], [1], [1], [0, 1, 1, 1], [], []>, transpose_lhs_hint = false} : vector<1600x16xf32>, vector<1600x128xf32>, vector<16x128xf32> -> vector<16x128xf32>
    %add3A_23 = arith.addf %get3A_21, %dot_general3A_22 : vector<16x128xf32>
    %swap3A = arith.constant 0 : index
    %swap3A_24 = arith.constant 0 : index
    %swap3A_25 = vector.load %arg5[%swap3A, %swap3A_24] : memref<16x128xf32, #tpu.memory_space<vmem>>, vector<16x128xf32>
    tpu.vector_store %arg5[%swap3A, %swap3A_24], %add3A_23 {strides = array<i32>} : memref<16x128xf32, #tpu.memory_space<vmem>>, vector<16x128xf32>,
    return
  }
  func.func @transform_0(%arg0: i32) -> (i32, i32) {
    %c0_i32 = arith.constant 0 : i32
    %c0_i32_0 = arith.constant 0 : i32
    return %arg0, %c0_i32 : i32, i32
  }
  func.func @transform_1(%arg0: i32) -> (i32, i32) {
    %c0_i32 = arith.constant 0 : i32
    %c0_i32_0 = arith.constant 0 : i32
    %c0_i32_1 = arith.constant 0 : i32
    return %c0_i32, %c0_i32_0 : i32, i32
  }
  func.func @transform_2(%arg0: i32) -> (i32, i32) {
    %c0_i32 = arith.constant 0 : i32
    %c0_i32_0 = arith.constant 0 : i32
    %c0_i32_1 = arith.constant 0 : i32
    return %c0_i32, %c0_i32_0 : i32, i32
  }
  func.func @transform_3(%arg0: i32) -> (i32, i32) {
    %c0_i32 = arith.constant 0 : i32
    %c0_i32_0 = arith.constant 0 : i32
    return %arg0, %c0_i32 : i32, i32
  }
  func.func @transform_4(%arg0: i32) -> (i32, i32) {
    %c0_i32 = arith.constant 0 : i32
    %c0_i32_0 = arith.constant 0 : i32
    %c0_i32_1 = arith.constant 0 : i32
    return %c0_i32, %c0_i32_0 : i32, i32
  }
}

</mosaic_0001>

<sc_bundles>
// kernel: gather_offload_async_start
scs
__scs_entry_jumppad:
0x0: {  	(pc) =	sbr.rel $0x88, $3  }
0x1: {  	(tag) =	ssettag $0x0;
	lr =	simm.s32 $0x1  }
0x2: {  	[smem:$0x3F64] =	sst lr;
	_ =	strace $0xD0000000  }
0x3: {  	_ = 	snop  }
0x4: {  	_ = 	snop  }
0x5: {  	_ = 	snop  }
0x6: {  	_ = 	snop  }
0x7: {  	_ = 	snop  }
__scs_overlays_trampoline_lowered:
0x8: {  	[smem:$0x3F73] =	sst s0  }
0x9: {  	[smem:$0x3F74] =	sst s1  }
0xa: {  	[smem:$0x3F75] =	sst s2  }
0xb: {  	[smem:$0x3F76] =	sst s3  }
0xc: {  	[smem:$0x3F77] =	sst s4  }
0xd: {  	[smem:$0x3F78] =	sst s5  }
0xe: {  	[smem:$0x3F79] =	sst s6  }
0xf: {  	[smem:$0x3F7A] =	sst s7  }
0x10: {  	[smem:$0x3F7B] =	sst s8  }
0x11: {  	[smem:$0x3F7C] =	sst s9;
	s0 =	simm.s32 @!p0 $0x0  }
0x12: {  	s1 =	sld [smem:$0x3F62];
	s0 =	simm.s32 @p0 $0x1  }
0x13: {  	[smem:$0x3F7D] =	sst s0;
	s0 =	simm.s32 @!p1 $0x0  }
0x14: {  	s2 =	sld [smem:$0x3F61];
	s0 =	simm.s32 @p1 $0x1  }
0x15: {  	[smem:$0x3F7E] =	sst s0;
	s0 =	simm.s32 @!p2 $0x0  }
0x16: {  	s3 =	sld [smem:$0x3FDB];
	s0 =	simm.s32 @p2 $0x1  }
0x17: {  	s4 =	simm.s32 $0x1BF5;
	[smem:$0x3F80] =	sst s0  }
0x18: {  	s0 =	sld [smem:$0x3F63];
	_ =	swait.ge [sflag:s4], $0x0  }
0x19: {  	s7 =	sld [smem:$0x3F64]  }
0x1a: {  	s8 =	sadd.s32 $0xFFFFE003, lr  }
0x1b: {  	s9 =	sadd.s32 $0xFFFFFEF7, lr;
	s5 =	simm.s32 $0xFFFFFFFF;
	p2 =	slt.u32 s8, $0xFFFFF086  }
0x1c: {  	p1 =	slt.u32 s9, $0xF7A;
	s5 =	simm.s32 @!p2 $0x0  }
0x1d: {  	s5 =	simm.s32 @p1 $0x1;
	p0 =	seq.s32 s7, s2  }
0x1e: {  	s7 =	smul.u32 @!p0 $0xF7A, s2;
	p2 =	seq.s32 @!p0 s5, $0x0  }
0x1f: {  	s9 =	smul.u32 $0xF7A, s1;
	s8 =	simm.s32 @!p0 $0x1BF5;
	p2 =	por !p2, p0  }
0x20: {  	[sflag:s8] =	ssyncset.s32 @!p0 $0xFFFFF086;
	s6 =	sadd.s32 @!p0 s3, s7;
	s7 =	simm.s32 @!p0 $0x108  }
0x21: {  	s3 =	sadd.s32 s3, s9;
	s6 =	sadd.s32 @!p0 $0x88, s6;
	s7 =	simm.s32 @p2 $0x1082  }
0x22: {  	[simem:s7], [sflag:s8] =	dma.local @!p0 [hbm:s6], $0xF7A  }
0x23: {  	s9 =	sor.u32 $0xD0000000, s2;
	s6 =	simm.s32 $0x108;
	_ =	swait.ge @!p0 [sflag:s8], $0x0  }
0x24: {  	s3 =	sadd.s32 $0x88, s3;
	s6 =	simm.s32 @!p1 $0x1082;
	[sflag:s4] =	ssyncset.s32 $0xFFFFF086  }
0x25: {  	[simem:s6], [sflag:s4] =	dma.local [hbm:s3], $0xF7A  }
0x26: {  	[smem:$0x3F64] =	sst s1;
	(tag) =	ssettag s2;
	_ =	strace s9  }
0x27: {  	s1 =	sld [smem:$0x3F74]  }
0x28: {  	s2 =	sld [smem:$0x3F75]  }
0x29: {  	s4 =	sld [smem:$0x3F77]  }
0x2a: {  	p0 =	seq.s32 s5, $0x0;
	s5 =	sld [smem:$0x3F78]  }
0x2b: {  	s6 =	sld [smem:$0x3F79]  }
0x2c: {  	s7 =	sld [smem:$0x3F7A]  }
0x2d: {  	s3 =	simm.s32 $0x108;
	s8 =	sld [smem:$0x3F7B]  }
0x2e: {  	s3 =	simm.s32 @!p0 $0x1082;
	s9 =	sld [smem:$0x3F7C]  }
0x2f: {  	lr =	sadd.s32 s0, s3;
	s0 =	sld [smem:$0x3F73]  }
0x30: {  	s3 =	sld [smem:$0x3F76]  }
0x31: {  	[smem:$0x3F7F] =	sst s10  }
0x32: {  	s10 =	sld [smem:$0x3F7D];
	_ =	sdelay $0x3  }
0x33: {  	p0 =	seq.s32 s10, $0x1;
	s10 =	sld [smem:$0x3F7F];
	_ =	sdelay $0x3  }
0x34: {  	[smem:$0x3F7F] =	sst s10  }
0x35: {  	s10 =	sld [smem:$0x3F7E];
	_ =	sdelay $0x3  }
0x36: {  	p1 =	seq.s32 s10, $0x1;
	s10 =	sld [smem:$0x3F7F];
	_ =	sdelay $0x3  }
0x37: {  	[smem:$0x3F7F] =	sst s10  }
0x38: {  	s10 =	sld [smem:$0x3F80]  }
0x39: {  	_ = 	snop;
	(pc) =	sbr.ind lr, $3  }
0x3a: {  	_ = 	snop  }
0x3b: {  	_ = 	snop  }
0x3c: {  	p2 =	seq.s32 s10, $0x1;
	s10 =	sld [smem:$0x3F7F]  }
0x3d: {  	_ =	shalt  }
0x3e: {  	_ =	shalt  }
0x3f: {  	_ =	shalt  }
0x40: {  	_ =	shalt  }
0x41: {  	_ =	shalt  }
0x42: {  	_ =	shalt  }
0x43: {  	_ =	shalt  }
0x44: {  	_ =	shalt  }
0x45: {  	_ =	shalt  }
0x46: {  	_ =	shalt  }
0x47: {  	_ =	shalt  }
0x48: {  	_ =	shalt  }
0x49: {  	_ =	shalt  }
0x4a: {  	_ =	shalt  }
0x4b: {  	_ =	shalt  }
0x4c: {  	_ =	shalt  }
0x4d: {  	_ =	shalt  }
0x4e: {  	_ =	shalt  }
0x4f: {  	_ =	shalt  }
0x50: {  	_ =	shalt  }
0x51: {  	_ =	shalt  }
0x52: {  	_ =	shalt  }
0x53: {  	_ =	shalt  }
0x54: {  	_ =	shalt  }
0x55: {  	_ =	shalt  }
0x56: {  	_ =	shalt  }
0x57: {  	_ =	shalt  }
0x58: {  	_ =	shalt  }
0x59: {  	_ =	shalt  }
0x5a: {  	_ =	shalt  }
0x5b: {  	_ =	shalt  }
0x5c: {  	_ =	shalt  }
0x5d: {  	_ =	shalt  }
0x5e: {  	_ =	shalt  }
0x5f: {  	_ =	shalt  }
0x60: {  	_ =	shalt  }
0x61: {  	_ =	shalt  }
0x62: {  	_ =	shalt  }
0x63: {  	_ =	shalt  }
0x64: {  	_ =	shalt  }
0x65: {  	_ =	shalt  }
0x66: {  	_ =	shalt  }
0x67: {  	_ =	shalt  }
0x68: {  	_ =	shalt  }
0x69: {  	_ =	shalt  }
0x6a: {  	_ =	shalt  }
0x6b: {  	_ =	shalt  }
0x6c: {  	_ =	shalt  }
0x6d: {  	_ =	shalt  }
0x6e: {  	_ =	shalt  }
0x6f: {  	_ =	shalt  }
0x70: {  	_ =	shalt  }
0x71: {  	_ =	shalt  }
0x72: {  	_ =	shalt  }
0x73: {  	_ =	shalt  }
0x74: {  	_ =	shalt  }
0x75: {  	_ =	shalt  }
0x76: {  	_ =	shalt  }
0x77: {  	_ =	shalt  }
0x78: {  	_ =	shalt  }
0x79: {  	_ =	shalt  }
0x7a: {  	_ =	shalt  }
0x7b: {  	_ =	shalt  }
0x7c: {  	_ =	shalt  }
0x7d: {  	_ =	shalt  }
0x7e: {  	_ =	shalt  }
0x7f: {  	_ =	shalt  }
0x80: {  	_ =	shalt  }
0x81: {  	_ =	shalt  }
0x82: {  	_ =	shalt  }
0x83: {  	_ =	shalt  }
0x84: {  	_ =	shalt  }
0x85: {  	_ =	shalt  }
0x86: {  	_ =	shalt  }
0x87: {  	_ =	shalt  }
.Lfunc_end0:
.L_simem_size_0:
called_computation_lowered:
.L_overlay_start_0:
0x88: {  	s2 =	sld [smem:$0x3FD9]  }
0x89: {  	s3 =	sld [smem:$0x3FFE];
	_ =	sdelay $0x1  }
0x8a: {  	s1 =	srdreg.scid  }
0x8b: {  	s0 =	sand.u32 $0x1, s1  }
0x8c: {  	s16 =	sshll.u32 s0, $0xA;
	s2 =	sadd.s32 s3, s2  }
0x8d: {  	s2 =	sadd.s32 s2, s16  }
0x8e: {  	[smem:$0x3F8B] =	sst s2  }
0x8f: {  	_ = 	snop  }
0x90: {  	(tm) =	ssettm $0x1  }
0x91: {  	s17 =	sld [smem:$0x3FFB];
	_ =	sdelay $0x3  }
0x92: {  	_ =	strace s17  }
0x93: {  	s2 =	sld [smem:$0x3FFC];
	_ =	sdelay $0x3  }
0x94: {  	_ =	strace s2  }
0x95: {  	s2 =	sld [smem:$0x3FFD];
	_ =	sdelay $0x3  }
0x96: {  	_ =	strace s2  }
0x97: {  	_ =	strace $0x8FFFFFFF  }
0x98: {  	s18 =	sld [smem:$0x3FDB];
	_ =	sdelay $0x1  }
0x99: {  	s19 =	simm.s32 $_scs_section_size  }
0x9a: {  	s4 =	simm.s32 $_size__tile_overlayer_lowered;
	s5 =	simm.s32 $_tile_overlayer_lowered  }
0x9b: {  	s22 =	simm.s32 $0x1BFF;
	s21 =	sshll.u32 s5, $0x1;
	s2 =	sadd.s32 s19, s18  }
0x9c: {  	s6 =	simm.s32 $0x0;
	s20 =	sshll.u32 s4, $0x1;
	s4 =	sadd.s32 s21, s2  }
0x9d: {  	[timem:s6], [sflag:s22] =	dma.local [hbm:s4], s20  }
0x9e: {  	_ =	swait.ge [sflag:s22], s20  }
0x9f: {  	s3 =	ssub.s32 $0x0, s20;
	[sflag:s22] =	ssyncset.done $0x0  }
0xa0: {  	[sflag:s22] =	ssyncadd.s32 s3;
	_ =	sdelay $0x1  }
0xa1: {  	s23 =	simm.s32 $0x1B8B  }
0xa2: {  	_ =	swait.ge [sflag:s23], $0x1  }
0xa3: {  	[sflag:s23] =	ssyncset.done $0x0  }
0xa4: {  	s25 =	simm.s32 $0x1B8E;
	s24 =	sld [smem:$0x3FFE];
	[sflag:s23] =	ssyncadd.s32 $0xFFFFFFFF  }
0xa5: {  	s26 =	simm.s32 $execute0_lowered;
	[smem:$0x3FD2] =	sst s25  }
0xa6: {  	s4 =	sshll.u32 s26, $0x1;
	_ =	strace $0x80000046;
	[dreg:$0x1] =	wrdreg $0xFFFFFFFF  }
0xa7: {  	s28 =	simm.s32 $_size_execute0_lowered;
	s2 =	sadd.s32 s2, s4;
	[dreg:$0x0] =	wrdreg $0x0  }
0xa8: {  	s4 =	sshll.u32 s28, $0x1;
	[dreg:$0x2] =	wrdreg s2  }
0xa9: {  	[dreg:$0x3] =	wrdreg s4  }
0xaa: {  	[dreg:$0x4] =	wrdreg $0xC0  }
0xab: {  	_ =	task [dreg:s6], $0x5FFFF  }
0xac: {  	[dreg:$0x1] =	wrdreg $0xFFFFFFFF  }
0xad: {  	[dreg:$0x0] =	wrdreg $0x60  }
0xae: {  	[dreg:$0x2] =	wrdreg s24  }
0xaf: {  	[dreg:$0x3] =	wrdreg $0x9  }
0xb0: {  	_ =	task.clear_ibuf [dreg:s6], $0x4FFFF;
	_ =	strace $0x90000046  }
0xb1: {  	s29 =	simm.s32 $0x9;
	_ =	strace $0x80000048  }
0xb2: {  	_ =	swait.ge [sflag:s29], $0x1  }
0xb3: {  	[sflag:s29] =	ssyncadd.s32 $0xFFFFFFFF  }
0xb4: {  	_ =	strace $0x90000048  }
0xb5: {  	_ =	sfence  }
0xb6: {  	s30 =	sld [smem:$0x0];
	_ =	sdelay $0x2  }
0xb7: {  	s31 =	sshll.u32 s1, $0xD;
	s1 =	sshrl.u32 s1, $0x2  }
0xb8: {  	s3 =	sand.u32 $0x4000, s31;
	s1 =	sadd.s32 s1, s30  }
0xb9: {  	s0 =	sor.u32 s3, s0;
	s1 =	sshll.u32 s1, $0x11  }
0xba: {  	s0 =	sor.u32 s1, s0  }
0xbb: {  	s0 =	sadd.s32 $0x8F2B, s0  }
0xbc: {  	[sflag:s0] =	ssyncadd.remote.s32 $0x1  }
0xbd: {  	_ =	sfence.sel $0xFFFF  }
0xbe: {  	[dreg:$0x0] =	wrdreg $0xFFFFFFFF;
	(pc) =	sbr.abs _section_cstart, $3  }
0xbf: {  	[dreg:$0x1] =	wrdreg $0xFFFFFFFF  }
0xc0: {  	_ =	task.clear_ibuf [dreg:s6], $0x2FFFF;
	_ =	strace $0x9FFFFFFF  }
0xc1: {  	(tm) =	ssettm $0x7FFFFFFF  }
tec
execute0_lowered:
.L_overlay_start_1:
0x0: {  	(tag) =	ssettag $0x1  }
0x1: {  	s8 =	rddreg [dreg:$0x0]  }
0x2: {  	s0 =	rddreg [dreg:$0x1];
	_ =	strace $0x80000047;
	s1 =	stileid.u32  }
0x3: {  	s3 =	srdreg.scid;
	s4 =	simm.s32 $0x1;
	s7 =	simm.s32 $0x1  }
0x4: {  	s9 =	simm.s32 $0x1;
	s10 =	simm.s32 $0x3;
	s13 =	simm.s32 $0x0  }
0x5: {  	s12 =	simm.s32 $0x0;
	s5 =	sand.u32 $0x1, s3;
	s6 =	sshll.u32 s1, $0x1  }
0x6: {  	s2 =	sadd.s32 $0x18400, s8;
	s3 =	sadd.s32 $0x13400, s8;
	s5 =	sor.u32 s6, s5  }
.Ltmp0:
0x7: {  	[sflag:s4] =	ssyncpa.u1 $0x0;
	p0 =	slt.u32 s5, $0x9;
	(pc) =	sbr.rel .LBB2_1-.Ltmp0, $4  }
0x8: {  	s6 =	simm.s32 $0x2;
	s7 =	simm.s32 @!p0 $0x0;
	p0 =	sne.s32 s5, $0x8  }
0x9: {  	[sflag:s6] =	ssyncpa.u1 $0x0;
	s5 =	smul.u32 $0xFA0, s5;
	s9 =	simm.s32 @!p0 $0x0  }
0xa: {  	s8 =	sadd.s32 $0x70800, s8;
	[sflag:s10] =	ssyncpa.u1 $0x0;
	s7 =	sadd.s32 s9, s7  }
0xb: {  	vm0 =	vmmov $0xffff;
	s10 =	simm.s32 $0x0;
	s11 =	smov.u32 s5;
	s9 =	sadd.s32 $0x1, s7  }
.LBB2_4:
0xc: {  	v2 =	vnsel vm1, $0x0, v2  }
0xd: {  	vm1 =	vgt.s32 v0, $0x0;
	v2 =	vmin.u32 v2, $0x270FF  }
0xe: {  	v0 =	vnsel vm1, $0x0, v0  }
0xf: {  	v0 =	vmin.u32 v0, $0x270FF  }
0x10: {  	[tilespmem:s18], [sflag:$0x1] =	stream.indirect_vreg.gather [hbm4b:s2+s10], $0x1, v1, vm0, $0x4038;
	[tilespmem:$0x3E80] =	vst v63  }
0x11: {  	(ifvalue) =	ssetifvalue $0x7FFFFFFF  }
0x12: {  	[tilespmem:s15], [sflag:$0x1] =	stream.indirect_vreg.gather [hbm4b:s2+s10], $0x1, v2, vm0, $0x4038;
	[tilespmem:$0x3E80] =	vst v63  }
0x13: {  	s29 =	sadd.s32 $0x10, s15;
	(ifvalue) =	ssetifvalue $0x7FFFFFFF  }
0x14: {  	[tilespmem:s29], [sflag:$0x1] =	stream.indirect_vreg.gather [hbm4b:s2+s10], $0x1, v0, vm0, $0x4038;
	[tilespmem:$0x3E80] =	vst v63  }
0x15: {  	_ =	swait.ge [sflag:s4], $0xFA0  }
0x16: {  	s30 =	sshrl.u32 s13, $0x3;
	[sflag:s4] =	ssyncset.done $0x0  }
0x17: {  	s31 =	sand.u32 $0x7, s13;
	s15 =	sadd.s32 s8, s30;
	[sflag:s4] =	ssyncadd.s32 $0xFFFFF060  }
0x18: {  	[hbm4b:s15+s31] =	stream.linear.scatter [tilespmem:s14], [sflag:$0x3], $0xFA0, $0x38;
	[tilespmem:$0x3E80] =	vst v63  }
.LBB2_5:
0x19: {  	s15 =	sadd.s32 $0x1F400, s11  }
0x1a: {  	p1 =	sgt.s32 s15, $0x270FF  }
0x1b: {  	s15 =	smov.u32 @p1 s5;
	p1 =	sne.s32 s12, s9  }
.Ltmp1:
0x1c: {  	p0 =	slt.u32 s12, $0x2;
	(pc) =	sbr.rel @!p1 .LBB2_6-.Ltmp1, $4  }
0x1d: {  	s14 =	simm.s32 @!p0 $0x3  }
0x1e: {  	_ =	swait.ge @!p0 [sflag:s14], $0xFA0  }
0x1f: {  	s16 =	sadd.s32 $0x1, s12;
	s13 =	smov.u32 s11;
	[sflag:s14] =	ssyncset.done @!p0 $0x0  }
0x20: {  	s12 =	smov.u32 s16;
	s11 =	smov.u32 s15;
	[sflag:s14] =	ssyncadd.s32 @!p0 $0xFFFFF060  }
.LBB2_1:
0x21: {  	p0 =	sge.u32 s12, s7  }
0x22: {  	s14 =	sxor.u32 @!p0 $0x1, s12  }
0x23: {  	s14 =	smul.u32 @!p0 $0x3E80, s14  }
0x24: {  	s31 =	sadd.s32 $0xFFFFFFFF, s12;
	s15 =	sshrl.u32 @!p0 s11, $0x3  }
0x25: {  	s16 =	sand.u32 @!p0 $0x7, s11;
	s15 =	sadd.s32 @!p0 s3, s15;
	s14 =	sshra.s32 @!p0 s14, $0x2  }
0x26: {  	[tilespmem:s14], [sflag:$0x2] =	stream.linear.gather @!p0 [hbm4b:s15+s16], $0xFA0, $0x38;
	[tilespmem:$0x3E80] =	vst v63  }
0x27: {  	p0 =	sge.u32 s31, s7  }
.Ltmp2:
0x28: {  	_ = 	snop;
	(pc) =	sbr.rel @p0 .LBB2_5-.Ltmp2, $1  }
0x29: {  	_ =	sdelay $0x3  }
0x2a: {  	s14 =	sand.u32 $0x1, s12  }
0x2b: {  	_ =	swait.ge [sflag:s6], $0xFA0;
	p0 =	seq.s32 s14, $0x1;
	s14 =	simm.s32 $0xFA0  }
0x2c: {  	[sflag:s6] =	ssyncset.done $0x0;
	s14 =	simm.s32 @!p0 $0x0  }
0x2d: {  	[sflag:s6] =	ssyncadd.s32 $0xFFFFF060;
	(ifvalue) =	ssetifvalue $0x7FFFFFFF;
	v0 =	vld.msk [tilespmem:s14+$0x0 ss:$0x1], $0xffff;
	_ =	sdelay $0x4  }
0x2e: {  	s15 =	sadd.s32 $0x10, s14;
	vm1 =	vgt.s32 v0, $0x0  }
0x2f: {  	v2 =	vld.msk [tilespmem:s15+$0x0 ss:$0x1], $0xffff;
	v1 =	vnsel vm1, $0x0, v0  }
0x30: {  	v1 =	vmin.u32 v1, $0x270FF;
	_ =	sdelay $0x2  }
0x31: {  	s17 =	simm.s32 $0x20;
	s14 =	sadd.s32 $0x1F40, s14;
	s16 =	sadd.s32 $0x10, s15  }
0x32: {  	s15 =	sadd.s32 $0x10, s14;
	s18 =	smov.u32 s14;
	v0 =	vld.msk [tilespmem:s16+$0x0 ss:$0x1], $0xffff;
	vm1 =	vgt.s32 v2, $0x0;
	(ifvalue) =	ssetifvalue $0x7FFFFFFF  }
.LBB2_3:
0x33: {  	[tilespmem:s18], [sflag:$0x1] =	stream.indirect_vreg.gather [hbm4b:s2+s10], $0x1, v1, vm0, $0x4038;
	[tilespmem:$0x3E80] =	vst v63  }
0x34: {  	s17 =	sadd.s32 $0x10, s17  }
0x35: {  	v2 =	vnsel vm1, $0x0, v2;
	p0 =	slt.u32 s17, $0xF90  }
.Ltmp3:
0x36: {  	s18 =	smov.u32 s15;
	v1 =	vmin.u32 v2, $0x270FF;
	(pc) =	sbr.rel @p0 .LBB2_3-.Ltmp3, $3  }
0x37: {  	_ =	sdelay $0x1  }
0x38: {  	s16 =	sadd.s32 $0x10, s16  }
0x39: {  	vm1 =	vgt.s32 v0, $0x0;
	s15 =	sadd.s32 $0x10, s15;
	v2 =	vmov v0;
	(ifvalue) =	ssetifvalue $0x7FFFFFFF;
	v0 =	vld.msk [tilespmem:s16+$0x0 ss:$0x1], $0xffff  }
.Ltmp4:
0x3a: {  	_ = 	snop;
	(pc) =	sbr.rel .LBB2_4-.Ltmp4, $1  }
0x3b: {  	_ =	sdelay $0x3  }
.LBB2_6:
0x3c: {  	_ =	sfence.sel $0x180000  }
0x3d: {  	s2 =	simm.s32 $0x2;
	[bflag:$0x0] =	sbarrier.arrive $0xFFFF  }
0x3e: {  	s30 =	simm.s32 $0x3;
	[sflag:s2] =	ssyncpa.u1 $0x1  }
0x3f: {  	s31 =	simm.s32 $0x1;
	[sflag:s30] =	ssyncpa.u1 $0x1  }
0x40: {  	[sflag:s31] =	ssyncpa.u1 $0x1  }
0x41: {  	p0 =	sne.s32 s1, $0x0;
	_ =	strace $0x90000047  }
0x42: {  	s0 =	sadd.s32 @!p0 $0x100000, s0;
	[bflag:$0x2] =	sbarrier.arrive $0xFFFF  }
0x43: {  	[sflag:s0] =	ssyncadd.tile.s32 @!p0 $0x1;
	_ =	shalt  }
.Lfunc_end2:
_tile_overlayer_lowered:
.L_overlay_start_2:
0x44: {  	(tag) =	ssettag $0x2  }
0x45: {  	s0 =	rddreg [dreg:$0x0];
	s2 =	stileid.u32  }
0x46: {  	s1 =	rddreg [dreg:$0x1];
	p0 =	sne.s32 s2, $0x0  }
0x47: {  	s3 =	rddreg [dreg:$0x2];
	[bflag:$0x3] =	sbarrier.arrive $0xFFFF;
	s2 =	simm.s32 @!p0 $0x1C01  }
0x48: {  	[timem:s3], [sflag:s2] =	dma.local @!p0 [hbm:s0], s1  }
0x49: {  	s0 =	simm.s32 @!p0 $0x1  }
0x4a: {  	_ =	swait.ge @!p0 [sflag:s0], s1  }
0x4b: {  	s1 =	ssub.s32 @!p0 $0x0, s1;
	[sflag:s0] =	ssyncset.done @!p0 $0x0  }
0x4c: {  	[sflag:s0] =	ssyncadd.s32 @!p0 s1  }
0x4d: {  	[bflag:$0x3] =	sbarrier.arrive $0xFFFF  }
0x4e: {  	_ =	shalt  }

// kernel: kernel.14.cloned.1.call-start
scs
__scs_entry_jumppad:
0x0: {  	(pc) =	sbr.rel $0x88, $3  }
0x1: {  	(tag) =	ssettag $0x0;
	lr =	simm.s32 $0x1  }
0x2: {  	[smem:$0x3F64] =	sst lr;
	_ =	strace $0xD0000000  }
0x3: {  	_ = 	snop  }
0x4: {  	_ = 	snop  }
0x5: {  	_ = 	snop  }
0x6: {  	_ = 	snop  }
0x7: {  	_ = 	snop  }
__scs_overlays_trampoline_lowered:
0x8: {  	[smem:$0x3F73] =	sst s0  }
0x9: {  	[smem:$0x3F74] =	sst s1  }
0xa: {  	[smem:$0x3F75] =	sst s2  }
0xb: {  	[smem:$0x3F76] =	sst s3  }
0xc: {  	[smem:$0x3F77] =	sst s4  }
0xd: {  	[smem:$0x3F78] =	sst s5  }
0xe: {  	[smem:$0x3F79] =	sst s6  }
0xf: {  	[smem:$0x3F7A] =	sst s7  }
0x10: {  	[smem:$0x3F7B] =	sst s8  }
0x11: {  	[smem:$0x3F7C] =	sst s9;
	s0 =	simm.s32 @!p0 $0x0  }
0x12: {  	s1 =	sld [smem:$0x3F62];
	s0 =	simm.s32 @p0 $0x1  }
0x13: {  	[smem:$0x3F7D] =	sst s0;
	s0 =	simm.s32 @!p1 $0x0  }
0x14: {  	s2 =	sld [smem:$0x3F61];
	s0 =	simm.s32 @p1 $0x1  }
0x15: {  	[smem:$0x3F7E] =	sst s0;
	s0 =	simm.s32 @!p2 $0x0  }
0x16: {  	s3 =	sld [smem:$0x3FDB];
	s0 =	simm.s32 @p2 $0x1  }
0x17: {  	s4 =	simm.s32 $0x1BF5;
	[smem:$0x3F80] =	sst s0  }
0x18: {  	s0 =	sld [smem:$0x3F63];
	_ =	swait.ge [sflag:s4], $0x0  }
0x19: {  	s7 =	sld [smem:$0x3F64]  }
0x1a: {  	s8 =	sadd.s32 $0xFFFFE003, lr  }
0x1b: {  	s9 =	sadd.s32 $0xFFFFFEF7, lr;
	s5 =	simm.s32 $0xFFFFFFFF;
	p2 =	slt.u32 s8, $0xFFFFF086  }
0x1c: {  	p1 =	slt.u32 s9, $0xF7A;
	s5 =	simm.s32 @!p2 $0x0  }
0x1d: {  	s5 =	simm.s32 @p1 $0x1;
	p0 =	seq.s32 s7, s2  }
0x1e: {  	s7 =	smul.u32 @!p0 $0xF7A, s2;
	p2 =	seq.s32 @!p0 s5, $0x0  }
0x1f: {  	s9 =	smul.u32 $0xF7A, s1;
	s8 =	simm.s32 @!p0 $0x1BF5;
	p2 =	por !p2, p0  }
0x20: {  	[sflag:s8] =	ssyncset.s32 @!p0 $0xFFFFF086;
	s6 =	sadd.s32 @!p0 s3, s7;
	s7 =	simm.s32 @!p0 $0x108  }
0x21: {  	s3 =	sadd.s32 s3, s9;
	s6 =	sadd.s32 @!p0 $0x88, s6;
	s7 =	simm.s32 @p2 $0x1082  }
0x22: {  	[simem:s7], [sflag:s8] =	dma.local @!p0 [hbm:s6], $0xF7A  }
0x23: {  	s9 =	sor.u32 $0xD0000000, s2;
	s6 =	simm.s32 $0x108;
	_ =	swait.ge @!p0 [sflag:s8], $0x0  }
0x24: {  	s3 =	sadd.s32 $0x88, s3;
	s6 =	simm.s32 @!p1 $0x1082;
	[sflag:s4] =	ssyncset.s32 $0xFFFFF086  }
0x25: {  	[simem:s6], [sflag:s4] =	dma.local [hbm:s3], $0xF7A  }
0x26: {  	[smem:$0x3F64] =	sst s1;
	(tag) =	ssettag s2;
	_ =	strace s9  }
0x27: {  	s1 =	sld [smem:$0x3F74]  }
0x28: {  	s2 =	sld [smem:$0x3F75]  }
0x29: {  	s4 =	sld [smem:$0x3F77]  }
0x2a: {  	p0 =	seq.s32 s5, $0x0;
	s5 =	sld [smem:$0x3F78]  }
0x2b: {  	s6 =	sld [smem:$0x3F79]  }
0x2c: {  	s7 =	sld [smem:$0x3F7A]  }
0x2d: {  	s3 =	simm.s32 $0x108;
	s8 =	sld [smem:$0x3F7B]  }
0x2e: {  	s3 =	simm.s32 @!p0 $0x1082;
	s9 =	sld [smem:$0x3F7C]  }
0x2f: {  	lr =	sadd.s32 s0, s3;
	s0 =	sld [smem:$0x3F73]  }
0x30: {  	s3 =	sld [smem:$0x3F76]  }
0x31: {  	[smem:$0x3F7F] =	sst s10  }
0x32: {  	s10 =	sld [smem:$0x3F7D];
	_ =	sdelay $0x3  }
0x33: {  	p0 =	seq.s32 s10, $0x1;
	s10 =	sld [smem:$0x3F7F];
	_ =	sdelay $0x3  }
0x34: {  	[smem:$0x3F7F] =	sst s10  }
0x35: {  	s10 =	sld [smem:$0x3F7E];
	_ =	sdelay $0x3  }
0x36: {  	p1 =	seq.s32 s10, $0x1;
	s10 =	sld [smem:$0x3F7F];
	_ =	sdelay $0x3  }
0x37: {  	[smem:$0x3F7F] =	sst s10  }
0x38: {  	s10 =	sld [smem:$0x3F80]  }
0x39: {  	_ = 	snop;
	(pc) =	sbr.ind lr, $3  }
0x3a: {  	_ = 	snop  }
0x3b: {  	_ = 	snop  }
0x3c: {  	p2 =	seq.s32 s10, $0x1;
	s10 =	sld [smem:$0x3F7F]  }
0x3d: {  	_ =	shalt  }
0x3e: {  	_ =	shalt  }
0x3f: {  	_ =	shalt  }
0x40: {  	_ =	shalt  }
0x41: {  	_ =	shalt  }
0x42: {  	_ =	shalt  }
0x43: {  	_ =	shalt  }
0x44: {  	_ =	shalt  }
0x45: {  	_ =	shalt  }
0x46: {  	_ =	shalt  }
0x47: {  	_ =	shalt  }
0x48: {  	_ =	shalt  }
0x49: {  	_ =	shalt  }
0x4a: {  	_ =	shalt  }
0x4b: {  	_ =	shalt  }
0x4c: {  	_ =	shalt  }
0x4d: {  	_ =	shalt  }
0x4e: {  	_ =	shalt  }
0x4f: {  	_ =	shalt  }
0x50: {  	_ =	shalt  }
0x51: {  	_ =	shalt  }
0x52: {  	_ =	shalt  }
0x53: {  	_ =	shalt  }
0x54: {  	_ =	shalt  }
0x55: {  	_ =	shalt  }
0x56: {  	_ =	shalt  }
0x57: {  	_ =	shalt  }
0x58: {  	_ =	shalt  }
0x59: {  	_ =	shalt  }
0x5a: {  	_ =	shalt  }
0x5b: {  	_ =	shalt  }
0x5c: {  	_ =	shalt  }
0x5d: {  	_ =	shalt  }
0x5e: {  	_ =	shalt  }
0x5f: {  	_ =	shalt  }
0x60: {  	_ =	shalt  }
0x61: {  	_ =	shalt  }
0x62: {  	_ =	shalt  }
0x63: {  	_ =	shalt  }
0x64: {  	_ =	shalt  }
0x65: {  	_ =	shalt  }
0x66: {  	_ =	shalt  }
0x67: {  	_ =	shalt  }
0x68: {  	_ =	shalt  }
0x69: {  	_ =	shalt  }
0x6a: {  	_ =	shalt  }
0x6b: {  	_ =	shalt  }
0x6c: {  	_ =	shalt  }
0x6d: {  	_ =	shalt  }
0x6e: {  	_ =	shalt  }
0x6f: {  	_ =	shalt  }
0x70: {  	_ =	shalt  }
0x71: {  	_ =	shalt  }
0x72: {  	_ =	shalt  }
0x73: {  	_ =	shalt  }
0x74: {  	_ =	shalt  }
0x75: {  	_ =	shalt  }
0x76: {  	_ =	shalt  }
0x77: {  	_ =	shalt  }
0x78: {  	_ =	shalt  }
0x79: {  	_ =	shalt  }
0x7a: {  	_ =	shalt  }
0x7b: {  	_ =	shalt  }
0x7c: {  	_ =	shalt  }
0x7d: {  	_ =	shalt  }
0x7e: {  	_ =	shalt  }
0x7f: {  	_ =	shalt  }
0x80: {  	_ =	shalt  }
0x81: {  	_ =	shalt  }
0x82: {  	_ =	shalt  }
0x83: {  	_ =	shalt  }
0x84: {  	_ =	shalt  }
0x85: {  	_ =	shalt  }
0x86: {  	_ =	shalt  }
0x87: {  	_ =	shalt  }
.Lfunc_end0:
.L_simem_size_0:
called_computation.1_lowered:
.L_overlay_start_0:
0x88: {  	s2 =	sld [smem:$0x3FD9]  }
0x89: {  	s3 =	sld [smem:$0x3FFE];
	_ =	sdelay $0x1  }
0x8a: {  	s1 =	srdreg.scid  }
0x8b: {  	s0 =	sand.u32 $0x1, s1  }
0x8c: {  	s16 =	sshll.u32 s0, $0xA;
	s2 =	sadd.s32 s3, s2  }
0x8d: {  	s2 =	sadd.s32 s2, s16  }
0x8e: {  	[smem:$0x3F8B] =	sst s2  }
0x8f: {  	_ = 	snop  }
0x90: {  	(tm) =	ssettm $0x1  }
0x91: {  	s17 =	sld [smem:$0x3FFB];
	_ =	sdelay $0x3  }
0x92: {  	_ =	strace s17  }
0x93: {  	s2 =	sld [smem:$0x3FFC];
	_ =	sdelay $0x3  }
0x94: {  	_ =	strace s2  }
0x95: {  	s2 =	sld [smem:$0x3FFD];
	_ =	sdelay $0x3  }
0x96: {  	_ =	strace s2  }
0x97: {  	_ =	strace $0x8FFFFFFF  }
0x98: {  	s18 =	sld [smem:$0x3FDB];
	_ =	sdelay $0x1  }
0x99: {  	s19 =	simm.s32 $_scs_section_size  }
0x9a: {  	s4 =	simm.s32 $_size__tile_overlayer_lowered;
	s5 =	simm.s32 $_tile_overlayer_lowered  }
0x9b: {  	s22 =	simm.s32 $0x1BFF;
	s21 =	sshll.u32 s5, $0x1;
	s2 =	sadd.s32 s19, s18  }
0x9c: {  	s6 =	simm.s32 $0x0;
	s20 =	sshll.u32 s4, $0x1;
	s4 =	sadd.s32 s21, s2  }
0x9d: {  	[timem:s6], [sflag:s22] =	dma.local [hbm:s4], s20  }
0x9e: {  	_ =	swait.ge [sflag:s22], s20  }
0x9f: {  	s3 =	ssub.s32 $0x0, s20;
	[sflag:s22] =	ssyncset.done $0x0  }
0xa0: {  	[sflag:s22] =	ssyncadd.s32 s3;
	_ =	sdelay $0x1  }
0xa1: {  	s23 =	simm.s32 $0x1B8B  }
0xa2: {  	_ =	swait.ge [sflag:s23], $0x1  }
0xa3: {  	[sflag:s23] =	ssyncset.done $0x0  }
0xa4: {  	s25 =	simm.s32 $0x1B8E;
	s24 =	sld [smem:$0x3FFE];
	[sflag:s23] =	ssyncadd.s32 $0xFFFFFFFF  }
0xa5: {  	s26 =	simm.s32 $execute0_lowered;
	[smem:$0x3FD2] =	sst s25  }
0xa6: {  	s4 =	sshll.u32 s26, $0x1;
	_ =	strace $0x80000049;
	[dreg:$0x1] =	wrdreg $0xFFFFFFFF  }
0xa7: {  	s28 =	simm.s32 $_size_execute0_lowered;
	s2 =	sadd.s32 s2, s4;
	[dreg:$0x0] =	wrdreg $0x0  }
0xa8: {  	s4 =	sshll.u32 s28, $0x1;
	[dreg:$0x2] =	wrdreg s2  }
0xa9: {  	[dreg:$0x3] =	wrdreg s4  }
0xaa: {  	[dreg:$0x4] =	wrdreg $0xC0  }
0xab: {  	_ =	task [dreg:s6], $0x5FFFF  }
0xac: {  	[dreg:$0x1] =	wrdreg $0xFFFFFFFF  }
0xad: {  	[dreg:$0x0] =	wrdreg $0x60  }
0xae: {  	[dreg:$0x2] =	wrdreg s24  }
0xaf: {  	[dreg:$0x3] =	wrdreg $0x9  }
0xb0: {  	_ =	task.clear_ibuf [dreg:s6], $0x4FFFF;
	_ =	strace $0x90000049  }
0xb1: {  	s29 =	simm.s32 $0x9;
	_ =	strace $0x8000004B  }
0xb2: {  	_ =	swait.ge [sflag:s29], $0x1  }
0xb3: {  	[sflag:s29] =	ssyncadd.s32 $0xFFFFFFFF  }
0xb4: {  	_ =	strace $0x9000004B  }
0xb5: {  	_ =	sfence  }
0xb6: {  	s30 =	sld [smem:$0x0];
	_ =	sdelay $0x2  }
0xb7: {  	s31 =	sshll.u32 s1, $0xD;
	s1 =	sshrl.u32 s1, $0x2  }
0xb8: {  	s3 =	sand.u32 $0x4000, s31;
	s1 =	sadd.s32 s1, s30  }
0xb9: {  	s0 =	sor.u32 s3, s0;
	s1 =	sshll.u32 s1, $0x11  }
0xba: {  	s0 =	sor.u32 s1, s0  }
0xbb: {  	s0 =	sadd.s32 $0x8F2B, s0  }
0xbc: {  	[sflag:s0] =	ssyncadd.remote.s32 $0x1  }
0xbd: {  	_ =	sfence.sel $0xFFFF  }
0xbe: {  	[dreg:$0x0] =	wrdreg $0xFFFFFFFF;
	(pc) =	sbr.abs _section_cstart, $3  }
0xbf: {  	[dreg:$0x1] =	wrdreg $0xFFFFFFFF  }
0xc0: {  	_ =	task.clear_ibuf [dreg:s6], $0x2FFFF;
	_ =	strace $0x9FFFFFFF  }
0xc1: {  	(tm) =	ssettm $0x7FFFFFFF  }
tec
execute0_lowered:
.L_overlay_start_1:
0x0: {  	(tag) =	ssettag $0x1  }
0x1: {  	s4 =	rddreg [dreg:$0x0]  }
0x2: {  	s0 =	rddreg [dreg:$0x1]  }
0x3: {  	s3 =	srdreg.scid;
	s1 =	stileid.u32;
	s2 =	simm.s32 $0x0  }
0x4: {  	s10 =	simm.s32 $0x1;
	s11 =	simm.s32 $0x0;
	s6 =	smul.u32 $0x7530, s1  }
0x5: {  	s5 =	sand.u32 $0x1, s3;
	[smem:$0x7FF] =	sst s2;
	s8 =	smul.u32 $0x75300, s1  }
0x6: {  	s3 =	sadd.s32 $0x22400, s4;
	s7 =	smul.u32 $0x3A98, s5;
	s9 =	ssub.s32 $0x2, s5  }
0x7: {  	_ =	strace $0x8000004A;
	s5 =	smul.u32 $0x3A980, s5;
	s31 =	sshrl.u32 s9, $0x1  }
0x8: {  	s30 =	sadd.s32 s8, s4;
	s6 =	sadd.s32 s7, s6;
	s8 =	ssub.s32 s9, s31  }
0x9: {  	s5 =	sadd.s32 s5, s30;
	s7 =	simm.s32 $0x2;
	s6 =	sshrl.u32 s6, $0x3  }
0xa: {  	s9 =	simm.s32 $0x400;
	s5 =	sadd.s32 $0x49600, s5;
	s6 =	sadd.s32 s6, s4  }
0xb: {  	s4 =	smax.u32 s8, $0x1;
	s8 =	simm.s32 $0x3E8;
	s6 =	sadd.s32 $0x13400, s6  }
.LBB2_1:
0xc: {  	s12 =	sadd.s32 $0x0, s6  }
0xd: {  	[tilespmem:s2], [sflag:$0x2] =	stream.linear.gather [hbm4b:s12+s2], $0x3E8, $0x38;
	[tilespmem:$0x1F800] =	vst v63  }
0xe: {  	_ =	swait.ge [sflag:s7], $0x3E8  }
0xf: {  	[sflag:s7] =	ssyncset.done $0x0  }
0x10: {  	[sflag:s7] =	ssyncadd.s32 $0xFFFFFC18  }
0x11: {  	[tilespmem:s9], [sflag:$0x1] =	stream.indirect.gather [hbm4b:s3+s8], $0x80, s2, s8, $0xb8;
	[tilespmem:$0x1F800] =	vst v63  }
0x12: {  	_ =	swait.ge [sflag:s10], $0x1F400  }
0x13: {  	[sflag:s10] =	ssyncset.done $0x0  }
0x14: {  	[sflag:s10] =	ssyncadd.s32 $0xFFFE0C00  }
0x15: {  	[hbm4b:s5+s2] =	stream.linear.scatter [tilespmem:s9], [sflag:$0x2], $0x1F400, $0x38;
	[tilespmem:$0x1F800] =	vst v63  }
0x16: {  	s13 =	simm.s32 $0x7D;
	_ =	swait.ge [sflag:s7], $0x1F400  }
0x17: {  	s14 =	simm.s32 $0xFA;
	s12 =	sadd.s32 $0x3E80, s5;
	[sflag:s7] =	ssyncset.done $0x0  }
.LBB2_2:
0x18: {  	s15 =	sadd.s32 s13, s6  }
0x19: {  	[sflag:s7] =	ssyncadd.s32 $0xFFFE0C00;
	s13 =	smov.u32 s14;
	s16 =	sadd.s32 $0x7D, s14  }
0x1a: {  	[tilespmem:s2], [sflag:$0x2] =	stream.linear.gather [hbm4b:s15+s2], $0x3E8, $0x38;
	[tilespmem:$0x1F800] =	vst v63  }
0x1b: {  	p0 =	sne.s32 s14, $0x6D6;
	_ =	swait.ge [sflag:s7], $0x3E8  }
0x1c: {  	[sflag:s7] =	ssyncset.done $0x0  }
0x1d: {  	[sflag:s7] =	ssyncadd.s32 $0xFFFFFC18  }
0x1e: {  	[tilespmem:s9], [sflag:$0x1] =	stream.indirect.gather [hbm4b:s3+s8], $0x80, s2, s8, $0xb8;
	[tilespmem:$0x1F800] =	vst v63  }
0x1f: {  	_ =	swait.ge [sflag:s10], $0x1F400  }
.Ltmp0:
0x20: {  	[sflag:s10] =	ssyncset.done $0x0;
	(pc) =	sbr.rel @p0 .LBB2_2-.Ltmp0, $4  }
0x21: {  	[sflag:s10] =	ssyncadd.s32 $0xFFFE0C00  }
0x22: {  	[hbm4b:s12+s2] =	stream.linear.scatter [tilespmem:s9], [sflag:$0x2], $0x1F400, $0x38;
	[tilespmem:$0x1F800] =	vst v63  }
0x23: {  	_ =	swait.ge [sflag:s7], $0x1F400  }
0x24: {  	s14 =	smov.u32 s16;
	s12 =	sadd.s32 $0x3E80, s12;
	[sflag:s7] =	ssyncset.done $0x0  }
0x25: {  	s13 =	sadd.s32 s13, s6;
	[sflag:s7] =	ssyncadd.s32 $0xFFFE0C00  }
0x26: {  	[tilespmem:s2], [sflag:$0x2] =	stream.linear.gather [hbm4b:s13+s2], $0x3E8, $0x38;
	[tilespmem:$0x1F800] =	vst v63  }
0x27: {  	_ =	swait.ge [sflag:s7], $0x3E8  }
0x28: {  	[sflag:s7] =	ssyncset.done $0x0  }
0x29: {  	[sflag:s7] =	ssyncadd.s32 $0xFFFFFC18  }
0x2a: {  	[tilespmem:s9], [sflag:$0x1] =	stream.indirect.gather [hbm4b:s3+s8], $0x80, s2, s8, $0xb8;
	[tilespmem:$0x1F800] =	vst v63  }
0x2b: {  	s11 =	sadd.s32 $0x1, s11;
	_ =	swait.ge [sflag:s10], $0x1F400  }
0x2c: {  	p0 =	sne.s32 s11, s4;
	[sflag:s10] =	ssyncset.done $0x0  }
.Ltmp1:
0x2d: {  	[sflag:s10] =	ssyncadd.s32 $0xFFFE0C00;
	(pc) =	sbr.rel @p0 .LBB2_1-.Ltmp1, $4  }
0x2e: {  	[hbm4b:s12+s2] =	stream.linear.scatter [tilespmem:s9], [sflag:$0x2], $0x1F400, $0x38;
	[tilespmem:$0x1F800] =	vst v63  }
0x2f: {  	_ =	swait.ge [sflag:s7], $0x1F400  }
0x30: {  	[sflag:s7] =	ssyncset.done $0x0  }
0x31: {  	[sflag:s7] =	ssyncadd.s32 $0xFFFE0C00  }
0x32: {  	_ =	sfence.sel $0x180000  }
0x33: {  	[bflag:$0x0] =	sbarrier.arrive $0xFFFF  }
0x34: {  	p0 =	sne.s32 s1, $0x0;
	_ =	strace $0x9000004A  }
0x35: {  	s0 =	sadd.s32 @!p0 $0x100000, s0;
	[bflag:$0x2] =	sbarrier.arrive $0xFFFF  }
0x36: {  	[sflag:s0] =	ssyncadd.tile.s32 @!p0 $0x1;
	_ =	shalt  }
.Lfunc_end2:
_tile_overlayer_lowered:
.L_overlay_start_2:
0x37: {  	(tag) =	ssettag $0x2  }
0x38: {  	s0 =	rddreg [dreg:$0x0];
	s2 =	stileid.u32  }
0x39: {  	s1 =	rddreg [dreg:$0x1];
	p0 =	sne.s32 s2, $0x0  }
0x3a: {  	s3 =	rddreg [dreg:$0x2];
	[bflag:$0x3] =	sbarrier.arrive $0xFFFF;
	s2 =	simm.s32 @!p0 $0x1C02  }
0x3b: {  	[timem:s3], [sflag:s2] =	dma.local @!p0 [hbm:s0], s1  }
0x3c: {  	s0 =	simm.s32 @!p0 $0x2  }
0x3d: {  	_ =	swait.ge @!p0 [sflag:s0], s1  }
0x3e: {  	s1 =	ssub.s32 @!p0 $0x0, s1;
	[sflag:s0] =	ssyncset.done @!p0 $0x0  }
0x3f: {  	[sflag:s0] =	ssyncadd.s32 @!p0 s1  }
0x40: {  	[bflag:$0x3] =	sbarrier.arrive $0xFFFF  }
0x41: {  	_ =	shalt  }

// kernel: kernel.17.cloned.1.call-start
scs
__scs_entry_jumppad:
0x0: {  	(pc) =	sbr.rel $0x88, $3  }
0x1: {  	(tag) =	ssettag $0x0;
	lr =	simm.s32 $0x1  }
0x2: {  	[smem:$0x3F64] =	sst lr;
	_ =	strace $0xD0000000  }
0x3: {  	_ = 	snop  }
0x4: {  	_ = 	snop  }
0x5: {  	_ = 	snop  }
0x6: {  	_ = 	snop  }
0x7: {  	_ = 	snop  }
__scs_overlays_trampoline_lowered:
0x8: {  	[smem:$0x3F73] =	sst s0  }
0x9: {  	[smem:$0x3F74] =	sst s1  }
0xa: {  	[smem:$0x3F75] =	sst s2  }
0xb: {  	[smem:$0x3F76] =	sst s3  }
0xc: {  	[smem:$0x3F77] =	sst s4  }
0xd: {  	[smem:$0x3F78] =	sst s5  }
0xe: {  	[smem:$0x3F79] =	sst s6  }
0xf: {  	[smem:$0x3F7A] =	sst s7  }
0x10: {  	[smem:$0x3F7B] =	sst s8  }
0x11: {  	[smem:$0x3F7C] =	sst s9;
	s0 =	simm.s32 @!p0 $0x0  }
0x12: {  	s1 =	sld [smem:$0x3F62];
	s0 =	simm.s32 @p0 $0x1  }
0x13: {  	[smem:$0x3F7D] =	sst s0;
	s0 =	simm.s32 @!p1 $0x0  }
0x14: {  	s2 =	sld [smem:$0x3F61];
	s0 =	simm.s32 @p1 $0x1  }
0x15: {  	[smem:$0x3F7E] =	sst s0;
	s0 =	simm.s32 @!p2 $0x0  }
0x16: {  	s3 =	sld [smem:$0x3FDB];
	s0 =	simm.s32 @p2 $0x1  }
0x17: {  	s4 =	simm.s32 $0x1BF5;
	[smem:$0x3F80] =	sst s0  }
0x18: {  	s0 =	sld [smem:$0x3F63];
	_ =	swait.ge [sflag:s4], $0x0  }
0x19: {  	s7 =	sld [smem:$0x3F64]  }
0x1a: {  	s8 =	sadd.s32 $0xFFFFE003, lr  }
0x1b: {  	s9 =	sadd.s32 $0xFFFFFEF7, lr;
	s5 =	simm.s32 $0xFFFFFFFF;
	p2 =	slt.u32 s8, $0xFFFFF086  }
0x1c: {  	p1 =	slt.u32 s9, $0xF7A;
	s5 =	simm.s32 @!p2 $0x0  }
0x1d: {  	s5 =	simm.s32 @p1 $0x1;
	p0 =	seq.s32 s7, s2  }
0x1e: {  	s7 =	smul.u32 @!p0 $0xF7A, s2;
	p2 =	seq.s32 @!p0 s5, $0x0  }
0x1f: {  	s9 =	smul.u32 $0xF7A, s1;
	s8 =	simm.s32 @!p0 $0x1BF5;
	p2 =	por !p2, p0  }
0x20: {  	[sflag:s8] =	ssyncset.s32 @!p0 $0xFFFFF086;
	s6 =	sadd.s32 @!p0 s3, s7;
	s7 =	simm.s32 @!p0 $0x108  }
0x21: {  	s3 =	sadd.s32 s3, s9;
	s6 =	sadd.s32 @!p0 $0x88, s6;
	s7 =	simm.s32 @p2 $0x1082  }
0x22: {  	[simem:s7], [sflag:s8] =	dma.local @!p0 [hbm:s6], $0xF7A  }
0x23: {  	s9 =	sor.u32 $0xD0000000, s2;
	s6 =	simm.s32 $0x108;
	_ =	swait.ge @!p0 [sflag:s8], $0x0  }
0x24: {  	s3 =	sadd.s32 $0x88, s3;
	s6 =	simm.s32 @!p1 $0x1082;
	[sflag:s4] =	ssyncset.s32 $0xFFFFF086  }
0x25: {  	[simem:s6], [sflag:s4] =	dma.local [hbm:s3], $0xF7A  }
0x26: {  	[smem:$0x3F64] =	sst s1;
	(tag) =	ssettag s2;
	_ =	strace s9  }
0x27: {  	s1 =	sld [smem:$0x3F74]  }
0x28: {  	s2 =	sld [smem:$0x3F75]  }
0x29: {  	s4 =	sld [smem:$0x3F77]  }
0x2a: {  	p0 =	seq.s32 s5, $0x0;
	s5 =	sld [smem:$0x3F78]  }
0x2b: {  	s6 =	sld [smem:$0x3F79]  }
0x2c: {  	s7 =	sld [smem:$0x3F7A]  }
0x2d: {  	s3 =	simm.s32 $0x108;
	s8 =	sld [smem:$0x3F7B]  }
0x2e: {  	s3 =	simm.s32 @!p0 $0x1082;
	s9 =	sld [smem:$0x3F7C]  }
0x2f: {  	lr =	sadd.s32 s0, s3;
	s0 =	sld [smem:$0x3F73]  }
0x30: {  	s3 =	sld [smem:$0x3F76]  }
0x31: {  	[smem:$0x3F7F] =	sst s10  }
0x32: {  	s10 =	sld [smem:$0x3F7D];
	_ =	sdelay $0x3  }
0x33: {  	p0 =	seq.s32 s10, $0x1;
	s10 =	sld [smem:$0x3F7F];
	_ =	sdelay $0x3  }
0x34: {  	[smem:$0x3F7F] =	sst s10  }
0x35: {  	s10 =	sld [smem:$0x3F7E];
	_ =	sdelay $0x3  }
0x36: {  	p1 =	seq.s32 s10, $0x1;
	s10 =	sld [smem:$0x3F7F];
	_ =	sdelay $0x3  }
0x37: {  	[smem:$0x3F7F] =	sst s10  }
0x38: {  	s10 =	sld [smem:$0x3F80]  }
0x39: {  	_ = 	snop;
	(pc) =	sbr.ind lr, $3  }
0x3a: {  	_ = 	snop  }
0x3b: {  	_ = 	snop  }
0x3c: {  	p2 =	seq.s32 s10, $0x1;
	s10 =	sld [smem:$0x3F7F]  }
0x3d: {  	_ =	shalt  }
0x3e: {  	_ =	shalt  }
0x3f: {  	_ =	shalt  }
0x40: {  	_ =	shalt  }
0x41: {  	_ =	shalt  }
0x42: {  	_ =	shalt  }
0x43: {  	_ =	shalt  }
0x44: {  	_ =	shalt  }
0x45: {  	_ =	shalt  }
0x46: {  	_ =	shalt  }
0x47: {  	_ =	shalt  }
0x48: {  	_ =	shalt  }
0x49: {  	_ =	shalt  }
0x4a: {  	_ =	shalt  }
0x4b: {  	_ =	shalt  }
0x4c: {  	_ =	shalt  }
0x4d: {  	_ =	shalt  }
0x4e: {  	_ =	shalt  }
0x4f: {  	_ =	shalt  }
0x50: {  	_ =	shalt  }
0x51: {  	_ =	shalt  }
0x52: {  	_ =	shalt  }
0x53: {  	_ =	shalt  }
0x54: {  	_ =	shalt  }
0x55: {  	_ =	shalt  }
0x56: {  	_ =	shalt  }
0x57: {  	_ =	shalt  }
0x58: {  	_ =	shalt  }
0x59: {  	_ =	shalt  }
0x5a: {  	_ =	shalt  }
0x5b: {  	_ =	shalt  }
0x5c: {  	_ =	shalt  }
0x5d: {  	_ =	shalt  }
0x5e: {  	_ =	shalt  }
0x5f: {  	_ =	shalt  }
0x60: {  	_ =	shalt  }
0x61: {  	_ =	shalt  }
0x62: {  	_ =	shalt  }
0x63: {  	_ =	shalt  }
0x64: {  	_ =	shalt  }
0x65: {  	_ =	shalt  }
0x66: {  	_ =	shalt  }
0x67: {  	_ =	shalt  }
0x68: {  	_ =	shalt  }
0x69: {  	_ =	shalt  }
0x6a: {  	_ =	shalt  }
0x6b: {  	_ =	shalt  }
0x6c: {  	_ =	shalt  }
0x6d: {  	_ =	shalt  }
0x6e: {  	_ =	shalt  }
0x6f: {  	_ =	shalt  }
0x70: {  	_ =	shalt  }
0x71: {  	_ =	shalt  }
0x72: {  	_ =	shalt  }
0x73: {  	_ =	shalt  }
0x74: {  	_ =	shalt  }
0x75: {  	_ =	shalt  }
0x76: {  	_ =	shalt  }
0x77: {  	_ =	shalt  }
0x78: {  	_ =	shalt  }
0x79: {  	_ =	shalt  }
0x7a: {  	_ =	shalt  }
0x7b: {  	_ =	shalt  }
0x7c: {  	_ =	shalt  }
0x7d: {  	_ =	shalt  }
0x7e: {  	_ =	shalt  }
0x7f: {  	_ =	shalt  }
0x80: {  	_ =	shalt  }
0x81: {  	_ =	shalt  }
0x82: {  	_ =	shalt  }
0x83: {  	_ =	shalt  }
0x84: {  	_ =	shalt  }
0x85: {  	_ =	shalt  }
0x86: {  	_ =	shalt  }
0x87: {  	_ =	shalt  }
.Lfunc_end0:
.L_simem_size_0:
called_computation.2_lowered:
.L_overlay_start_0:
0x88: {  	s2 =	sld [smem:$0x3FD9]  }
0x89: {  	s3 =	sld [smem:$0x3FFE];
	_ =	sdelay $0x1  }
0x8a: {  	s1 =	srdreg.scid  }
0x8b: {  	s0 =	sand.u32 $0x1, s1  }
0x8c: {  	s16 =	sshll.u32 s0, $0xA;
	s2 =	sadd.s32 s3, s2  }
0x8d: {  	s2 =	sadd.s32 s2, s16  }
0x8e: {  	[smem:$0x3F8B] =	sst s2  }
0x8f: {  	_ = 	snop  }
0x90: {  	(tm) =	ssettm $0x1  }
0x91: {  	s17 =	sld [smem:$0x3FFB];
	_ =	sdelay $0x3  }
0x92: {  	_ =	strace s17  }
0x93: {  	s2 =	sld [smem:$0x3FFC];
	_ =	sdelay $0x3  }
0x94: {  	_ =	strace s2  }
0x95: {  	s2 =	sld [smem:$0x3FFD];
	_ =	sdelay $0x3  }
0x96: {  	_ =	strace s2  }
0x97: {  	_ =	strace $0x8FFFFFFF  }
0x98: {  	s18 =	sld [smem:$0x3FDB];
	_ =	sdelay $0x1  }
0x99: {  	s19 =	simm.s32 $_scs_section_size  }
0x9a: {  	s4 =	simm.s32 $_size__tile_overlayer_lowered;
	s5 =	simm.s32 $_tile_overlayer_lowered  }
0x9b: {  	s22 =	simm.s32 $0x1BFF;
	s21 =	sshll.u32 s5, $0x1;
	s2 =	sadd.s32 s19, s18  }
0x9c: {  	s6 =	simm.s32 $0x0;
	s20 =	sshll.u32 s4, $0x1;
	s4 =	sadd.s32 s21, s2  }
0x9d: {  	[timem:s6], [sflag:s22] =	dma.local [hbm:s4], s20  }
0x9e: {  	_ =	swait.ge [sflag:s22], s20  }
0x9f: {  	s3 =	ssub.s32 $0x0, s20;
	[sflag:s22] =	ssyncset.done $0x0  }
0xa0: {  	[sflag:s22] =	ssyncadd.s32 s3;
	_ =	sdelay $0x1  }
0xa1: {  	s23 =	simm.s32 $0x1B8B  }
0xa2: {  	_ =	swait.ge [sflag:s23], $0x1  }
0xa3: {  	[sflag:s23] =	ssyncset.done $0x0  }
0xa4: {  	s25 =	simm.s32 $0x1B8E;
	s24 =	sld [smem:$0x3FFE];
	[sflag:s23] =	ssyncadd.s32 $0xFFFFFFFF  }
0xa5: {  	s26 =	simm.s32 $execute0_lowered;
	[smem:$0x3FD2] =	sst s25  }
0xa6: {  	s4 =	sshll.u32 s26, $0x1;
	_ =	strace $0x8000004C;
	[dreg:$0x1] =	wrdreg $0xFFFFFFFF  }
0xa7: {  	s28 =	simm.s32 $_size_execute0_lowered;
	s2 =	sadd.s32 s2, s4;
	[dreg:$0x0] =	wrdreg $0x0  }
0xa8: {  	s4 =	sshll.u32 s28, $0x1;
	[dreg:$0x2] =	wrdreg s2  }
0xa9: {  	[dreg:$0x3] =	wrdreg s4  }
0xaa: {  	[dreg:$0x4] =	wrdreg $0xC0  }
0xab: {  	_ =	task [dreg:s6], $0x5FFFF  }
0xac: {  	[dreg:$0x1] =	wrdreg $0xFFFFFFFF  }
0xad: {  	[dreg:$0x0] =	wrdreg $0x60  }
0xae: {  	[dreg:$0x2] =	wrdreg s24  }
0xaf: {  	[dreg:$0x3] =	wrdreg $0x9  }
0xb0: {  	_ =	task.clear_ibuf [dreg:s6], $0x4FFFF;
	_ =	strace $0x9000004C  }
0xb1: {  	s29 =	simm.s32 $0x9;
	_ =	strace $0x8000004E  }
0xb2: {  	_ =	swait.ge [sflag:s29], $0x1  }
0xb3: {  	[sflag:s29] =	ssyncadd.s32 $0xFFFFFFFF  }
0xb4: {  	_ =	strace $0x9000004E  }
0xb5: {  	_ =	sfence  }
0xb6: {  	s30 =	sld [smem:$0x0];
	_ =	sdelay $0x2  }
0xb7: {  	s31 =	sshll.u32 s1, $0xD;
	s1 =	sshrl.u32 s1, $0x2  }
0xb8: {  	s3 =	sand.u32 $0x4000, s31;
	s1 =	sadd.s32 s1, s30  }
0xb9: {  	s0 =	sor.u32 s3, s0;
	s1 =	sshll.u32 s1, $0x11  }
0xba: {  	s0 =	sor.u32 s1, s0  }
0xbb: {  	s0 =	sadd.s32 $0x8F2B, s0  }
0xbc: {  	[sflag:s0] =	ssyncadd.remote.s32 $0x1  }
0xbd: {  	_ =	sfence.sel $0xFFFF  }
0xbe: {  	[dreg:$0x0] =	wrdreg $0xFFFFFFFF;
	(pc) =	sbr.abs _section_cstart, $3  }
0xbf: {  	[dreg:$0x1] =	wrdreg $0xFFFFFFFF  }
0xc0: {  	_ =	task.clear_ibuf [dreg:s6], $0x2FFFF;
	_ =	strace $0x9FFFFFFF  }
0xc1: {  	(tm) =	ssettm $0x7FFFFFFF  }
tec
execute0_lowered:
.L_overlay_start_1:
0x0: {  	(tag) =	ssettag $0x1  }
0x1: {  	s1 =	srdreg.scid;
	s0 =	stileid.u32  }
0x2: {  	s17 =	sand.u32 $0x1, s1;
	s26 =	sshll.u32 s0, $0x1  }
0x3: {  	s9 =	sor.u32 s17, s26  }
0x4: {  	s10 =	rddreg [dreg:$0x0];
	s18 =	smul.u32 $0x1388, s9  }
0x5: {  	s2 =	simm.s32 $0x0;
	s1 =	rddreg [dreg:$0x1]  }
0x6: {  	[smem:$0x7FF] =	sst s2;
	s16 =	sadd.s32 $0xE400, s10;
	s3 =	sshrl.u32 s18, $0x3  }
0x7: {  	_ =	strace $0x8000004D;
	s4 =	sadd.s32 s16, s3;
	s3 =	simm.s32 $0x2  }
0x8: {  	[tilespmem:s2], [sflag:$0x2] =	stream.linear.gather [hbm4b:s4+s2], $0x3E8, $0x38;
	[tilespmem:$0x1F800] =	vst v63  }
0x9: {  	_ =	swait.ge [sflag:s3], $0x3E8  }
0xa: {  	s6 =	simm.s32 $0x3E8;
	s7 =	simm.s32 $0x400;
	[sflag:s3] =	ssyncset.done $0x0  }
0xb: {  	s8 =	simm.s32 $0x1;
	s5 =	sadd.s32 $0xAAB600, s10;
	[sflag:s3] =	ssyncadd.s32 $0xFFFFFC18  }
0xc: {  	[tilespmem:s7], [sflag:$0x1] =	stream.indirect.gather [hbm4b:s5+s6], $0x80, s2, s6, $0xb8;
	[tilespmem:$0x1F800] =	vst v63  }
0xd: {  	s9 =	smul.u32 $0x13880, s9;
	_ =	swait.ge [sflag:s8], $0x1F400  }
0xe: {  	s19 =	sadd.s32 $0xD1C600, s10;
	[sflag:s8] =	ssyncset.done $0x0  }
0xf: {  	s9 =	sadd.s32 s19, s9;
	[sflag:s8] =	ssyncadd.s32 $0xFFFE0C00  }
0x10: {  	[hbm4b:s9+s2] =	stream.linear.scatter [tilespmem:s7], [sflag:$0x2], $0x1F400, $0x38;
	[tilespmem:$0x1F800] =	vst v63  }
0x11: {  	s11 =	sadd.s32 $0x3E8, s18;
	_ =	swait.ge [sflag:s3], $0x1F400  }
0x12: {  	s28 =	sshrl.u32 s11, $0x3;
	[sflag:s3] =	ssyncset.done $0x0  }
0x13: {  	s10 =	sadd.s32 s16, s28;
	[sflag:s3] =	ssyncadd.s32 $0xFFFE0C00  }
0x14: {  	[tilespmem:s2], [sflag:$0x2] =	stream.linear.gather [hbm4b:s10+s2], $0x3E8, $0x38;
	[tilespmem:$0x1F800] =	vst v63  }
0x15: {  	_ =	swait.ge [sflag:s3], $0x3E8  }
0x16: {  	[sflag:s3] =	ssyncset.done $0x0  }
0x17: {  	[sflag:s3] =	ssyncadd.s32 $0xFFFFFC18  }
0x18: {  	[tilespmem:s7], [sflag:$0x1] =	stream.indirect.gather [hbm4b:s5+s6], $0x80, s2, s6, $0xb8;
	[tilespmem:$0x1F800] =	vst v63  }
0x19: {  	_ =	swait.ge [sflag:s8], $0x1F400  }
0x1a: {  	s11 =	sshll.u32 s11, $0x4;
	[sflag:s8] =	ssyncset.done $0x0  }
0x1b: {  	s11 =	sadd.s32 s19, s11;
	[sflag:s8] =	ssyncadd.s32 $0xFFFE0C00  }
0x1c: {  	[hbm4b:s11+s2] =	stream.linear.scatter [tilespmem:s7], [sflag:$0x2], $0x1F400, $0x38;
	[tilespmem:$0x1F800] =	vst v63  }
0x1d: {  	s13 =	sadd.s32 $0x7D0, s18;
	_ =	swait.ge [sflag:s3], $0x1F400  }
0x1e: {  	s12 =	sshrl.u32 s13, $0x3;
	[sflag:s3] =	ssyncset.done $0x0  }
0x1f: {  	s12 =	sadd.s32 s16, s12;
	[sflag:s3] =	ssyncadd.s32 $0xFFFE0C00  }
0x20: {  	[tilespmem:s2], [sflag:$0x2] =	stream.linear.gather [hbm4b:s12+s2], $0x3E8, $0x38;
	[tilespmem:$0x1F800] =	vst v63  }
0x21: {  	_ =	swait.ge [sflag:s3], $0x3E8  }
0x22: {  	[sflag:s3] =	ssyncset.done $0x0  }
0x23: {  	[sflag:s3] =	ssyncadd.s32 $0xFFFFFC18  }
0x24: {  	[tilespmem:s7], [sflag:$0x1] =	stream.indirect.gather [hbm4b:s5+s6], $0x80, s2, s6, $0xb8;
	[tilespmem:$0x1F800] =	vst v63  }
0x25: {  	_ =	swait.ge [sflag:s8], $0x1F400  }
0x26: {  	s13 =	sshll.u32 s13, $0x4;
	[sflag:s8] =	ssyncset.done $0x0  }
0x27: {  	s13 =	sadd.s32 s19, s13;
	[sflag:s8] =	ssyncadd.s32 $0xFFFE0C00  }
0x28: {  	[hbm4b:s13+s2] =	stream.linear.scatter [tilespmem:s7], [sflag:$0x2], $0x1F400, $0x38;
	[tilespmem:$0x1F800] =	vst v63  }
0x29: {  	s15 =	sadd.s32 $0xBB8, s18;
	_ =	swait.ge [sflag:s3], $0x1F400  }
0x2a: {  	s14 =	sshrl.u32 s15, $0x3;
	[sflag:s3] =	ssyncset.done $0x0  }
0x2b: {  	s14 =	sadd.s32 s16, s14;
	[sflag:s3] =	ssyncadd.s32 $0xFFFE0C00  }
0x2c: {  	[tilespmem:s2], [sflag:$0x2] =	stream.linear.gather [hbm4b:s14+s2], $0x3E8, $0x38;
	[tilespmem:$0x1F800] =	vst v63  }
0x2d: {  	_ =	swait.ge [sflag:s3], $0x3E8  }
0x2e: {  	[sflag:s3] =	ssyncset.done $0x0  }
0x2f: {  	[sflag:s3] =	ssyncadd.s32 $0xFFFFFC18  }
0x30: {  	[tilespmem:s7], [sflag:$0x1] =	stream.indirect.gather [hbm4b:s5+s6], $0x80, s2, s6, $0xb8;
	[tilespmem:$0x1F800] =	vst v63  }
0x31: {  	_ =	swait.ge [sflag:s8], $0x1F400  }
0x32: {  	s15 =	sshll.u32 s15, $0x4;
	[sflag:s8] =	ssyncset.done $0x0  }
0x33: {  	s15 =	sadd.s32 s19, s15;
	[sflag:s8] =	ssyncadd.s32 $0xFFFE0C00  }
0x34: {  	[hbm4b:s15+s2] =	stream.linear.scatter [tilespmem:s7], [sflag:$0x2], $0x1F400, $0x38;
	[tilespmem:$0x1F800] =	vst v63  }
0x35: {  	s18 =	sadd.s32 $0xFA0, s18;
	_ =	swait.ge [sflag:s3], $0x1F400  }
0x36: {  	s20 =	sshrl.u32 s18, $0x3;
	[sflag:s3] =	ssyncset.done $0x0  }
0x37: {  	s17 =	ssub.s32 $0x2, s17;
	s16 =	sadd.s32 s16, s20;
	[sflag:s3] =	ssyncadd.s32 $0xFFFE0C00  }
0x38: {  	[tilespmem:s2], [sflag:$0x2] =	stream.linear.gather [hbm4b:s16+s2], $0x3E8, $0x38;
	[tilespmem:$0x1F800] =	vst v63  }
0x39: {  	s29 =	sshrl.u32 s17, $0x1;
	_ =	swait.ge [sflag:s3], $0x3E8  }
0x3a: {  	s20 =	ssub.s32 s17, s29;
	[sflag:s3] =	ssyncset.done $0x0  }
0x3b: {  	s31 =	smax.u32 s20, $0x1;
	[sflag:s3] =	ssyncadd.s32 $0xFFFFFC18  }
0x3c: {  	[tilespmem:s7], [sflag:$0x1] =	stream.indirect.gather [hbm4b:s5+s6], $0x80, s2, s6, $0xb8;
	[tilespmem:$0x1F800] =	vst v63  }
0x3d: {  	p0 =	sne.s32 s31, $0x1;
	_ =	swait.ge [sflag:s8], $0x1F400  }
.Ltmp0:
0x3e: {  	s30 =	sshll.u32 s18, $0x4;
	[sflag:s8] =	ssyncset.done $0x0;
	(pc) =	sbr.rel @!p0 .LBB2_2-.Ltmp0, $4  }
0x3f: {  	s17 =	sadd.s32 s19, s30;
	[sflag:s8] =	ssyncadd.s32 $0xFFFE0C00  }
0x40: {  	[hbm4b:s17+s2] =	stream.linear.scatter [tilespmem:s7], [sflag:$0x2], $0x1F400, $0x38;
	[tilespmem:$0x1F800] =	vst v63  }
0x41: {  	_ =	swait.ge [sflag:s3], $0x1F400  }
0x42: {  	s18 =	sadd.s32 $0xFFFFFFFF, s31;
	[sflag:s3] =	ssyncset.done $0x0  }
.LBB2_1:
0x43: {  	p0 =	sne.s32 s18, $0x1;
	s18 =	sadd.s32 $0xFFFFFFFF, s18;
	[sflag:s3] =	ssyncadd.s32 $0xFFFE0C00  }
0x44: {  	[tilespmem:s2], [sflag:$0x2] =	stream.linear.gather [hbm4b:s4+s2], $0x3E8, $0x38;
	[tilespmem:$0x1F800] =	vst v63  }
0x45: {  	_ =	swait.ge [sflag:s3], $0x3E8  }
0x46: {  	[sflag:s3] =	ssyncset.done $0x0  }
0x47: {  	[sflag:s3] =	ssyncadd.s32 $0xFFFFFC18  }
0x48: {  	[tilespmem:s7], [sflag:$0x1] =	stream.indirect.gather [hbm4b:s5+s6], $0x80, s2, s6, $0xb8;
	[tilespmem:$0x1F800] =	vst v63  }
0x49: {  	_ =	swait.ge [sflag:s8], $0x1F400  }
0x4a: {  	[sflag:s8] =	ssyncset.done $0x0  }
0x4b: {  	[sflag:s8] =	ssyncadd.s32 $0xFFFE0C00  }
0x4c: {  	[hbm4b:s9+s2] =	stream.linear.scatter [tilespmem:s7], [sflag:$0x2], $0x1F400, $0x38;
	[tilespmem:$0x1F800] =	vst v63  }
0x4d: {  	_ =	swait.ge [sflag:s3], $0x1F400  }
0x4e: {  	[sflag:s3] =	ssyncset.done $0x0  }
0x4f: {  	[sflag:s3] =	ssyncadd.s32 $0xFFFE0C00  }
0x50: {  	[tilespmem:s2], [sflag:$0x2] =	stream.linear.gather [hbm4b:s10+s2], $0x3E8, $0x38;
	[tilespmem:$0x1F800] =	vst v63  }
0x51: {  	_ =	swait.ge [sflag:s3], $0x3E8  }
0x52: {  	[sflag:s3] =	ssyncset.done $0x0  }
0x53: {  	[sflag:s3] =	ssyncadd.s32 $0xFFFFFC18  }
0x54: {  	[tilespmem:s7], [sflag:$0x1] =	stream.indirect.gather [hbm4b:s5+s6], $0x80, s2, s6, $0xb8;
	[tilespmem:$0x1F800] =	vst v63  }
0x55: {  	_ =	swait.ge [sflag:s8], $0x1F400  }
0x56: {  	[sflag:s8] =	ssyncset.done $0x0  }
0x57: {  	[sflag:s8] =	ssyncadd.s32 $0xFFFE0C00  }
0x58: {  	[hbm4b:s11+s2] =	stream.linear.scatter [tilespmem:s7], [sflag:$0x2], $0x1F400, $0x38;
	[tilespmem:$0x1F800] =	vst v63  }
0x59: {  	_ =	swait.ge [sflag:s3], $0x1F400  }
0x5a: {  	[sflag:s3] =	ssyncset.done $0x0  }
0x5b: {  	[sflag:s3] =	ssyncadd.s32 $0xFFFE0C00  }
0x5c: {  	[tilespmem:s2], [sflag:$0x2] =	stream.linear.gather [hbm4b:s12+s2], $0x3E8, $0x38;
	[tilespmem:$0x1F800] =	vst v63  }
0x5d: {  	_ =	swait.ge [sflag:s3], $0x3E8  }
0x5e: {  	[sflag:s3] =	ssyncset.done $0x0  }
0x5f: {  	[sflag:s3] =	ssyncadd.s32 $0xFFFFFC18  }
0x60: {  	[tilespmem:s7], [sflag:$0x1] =	stream.indirect.gather [hbm4b:s5+s6], $0x80, s2, s6, $0xb8;
	[tilespmem:$0x1F800] =	vst v63  }
0x61: {  	_ =	swait.ge [sflag:s8], $0x1F400  }
0x62: {  	[sflag:s8] =	ssyncset.done $0x0  }
0x63: {  	[sflag:s8] =	ssyncadd.s32 $0xFFFE0C00  }
0x64: {  	[hbm4b:s13+s2] =	stream.linear.scatter [tilespmem:s7], [sflag:$0x2], $0x1F400, $0x38;
	[tilespmem:$0x1F800] =	vst v63  }
0x65: {  	_ =	swait.ge [sflag:s3], $0x1F400  }
0x66: {  	[sflag:s3] =	ssyncset.done $0x0  }
0x67: {  	[sflag:s3] =	ssyncadd.s32 $0xFFFE0C00  }
0x68: {  	[tilespmem:s2], [sflag:$0x2] =	stream.linear.gather [hbm4b:s14+s2], $0x3E8, $0x38;
	[tilespmem:$0x1F800] =	vst v63  }
0x69: {  	_ =	swait.ge [sflag:s3], $0x3E8  }
0x6a: {  	[sflag:s3] =	ssyncset.done $0x0  }
0x6b: {  	[sflag:s3] =	ssyncadd.s32 $0xFFFFFC18  }
0x6c: {  	[tilespmem:s7], [sflag:$0x1] =	stream.indirect.gather [hbm4b:s5+s6], $0x80, s2, s6, $0xb8;
	[tilespmem:$0x1F800] =	vst v63  }
0x6d: {  	_ =	swait.ge [sflag:s8], $0x1F400  }
0x6e: {  	[sflag:s8] =	ssyncset.done $0x0  }
0x6f: {  	[sflag:s8] =	ssyncadd.s32 $0xFFFE0C00  }
0x70: {  	[hbm4b:s15+s2] =	stream.linear.scatter [tilespmem:s7], [sflag:$0x2], $0x1F400, $0x38;
	[tilespmem:$0x1F800] =	vst v63  }
0x71: {  	_ =	swait.ge [sflag:s3], $0x1F400  }
0x72: {  	[sflag:s3] =	ssyncset.done $0x0  }
0x73: {  	[sflag:s3] =	ssyncadd.s32 $0xFFFE0C00  }
0x74: {  	[tilespmem:s2], [sflag:$0x2] =	stream.linear.gather [hbm4b:s16+s2], $0x3E8, $0x38;
	[tilespmem:$0x1F800] =	vst v63  }
0x75: {  	_ =	swait.ge [sflag:s3], $0x3E8  }
0x76: {  	[sflag:s3] =	ssyncset.done $0x0  }
0x77: {  	[sflag:s3] =	ssyncadd.s32 $0xFFFFFC18  }
0x78: {  	[tilespmem:s7], [sflag:$0x1] =	stream.indirect.gather [hbm4b:s5+s6], $0x80, s2, s6, $0xb8;
	[tilespmem:$0x1F800] =	vst v63  }
0x79: {  	_ =	swait.ge [sflag:s8], $0x1F400  }
.Ltmp1:
0x7a: {  	[sflag:s8] =	ssyncset.done $0x0;
	(pc) =	sbr.rel @p0 .LBB2_1-.Ltmp1, $4  }
0x7b: {  	[sflag:s8] =	ssyncadd.s32 $0xFFFE0C00  }
0x7c: {  	[hbm4b:s17+s2] =	stream.linear.scatter [tilespmem:s7], [sflag:$0x2], $0x1F400, $0x38;
	[tilespmem:$0x1F800] =	vst v63  }
0x7d: {  	_ =	swait.ge [sflag:s3], $0x1F400  }
0x7e: {  	[sflag:s3] =	ssyncset.done $0x0  }
.LBB2_2:
0x7f: {  	[sflag:s3] =	ssyncadd.s32 $0xFFFE0C00  }
0x80: {  	_ =	sfence.sel $0x180000  }
0x81: {  	[bflag:$0x0] =	sbarrier.arrive $0xFFFF  }
0x82: {  	p0 =	sne.s32 s0, $0x0;
	_ =	strace $0x9000004D  }
0x83: {  	s0 =	sadd.s32 @!p0 $0x100000, s1;
	[bflag:$0x2] =	sbarrier.arrive $0xFFFF  }
0x84: {  	[sflag:s0] =	ssyncadd.tile.s32 @!p0 $0x1;
	_ =	shalt  }
.Lfunc_end2:
_tile_overlayer_lowered:
.L_overlay_start_2:
0x85: {  	(tag) =	ssettag $0x2  }
0x86: {  	s0 =	rddreg [dreg:$0x0];
	s2 =	stileid.u32  }
0x87: {  	s1 =	rddreg [dreg:$0x1];
	p0 =	sne.s32 s2, $0x0  }
0x88: {  	s3 =	rddreg [dreg:$0x2];
	[bflag:$0x3] =	sbarrier.arrive $0xFFFF;
	s2 =	simm.s32 @!p0 $0x1C02  }
0x89: {  	[timem:s3], [sflag:s2] =	dma.local @!p0 [hbm:s0], s1  }
0x8a: {  	s0 =	simm.s32 @!p0 $0x2  }
0x8b: {  	_ =	swait.ge @!p0 [sflag:s0], s1  }
0x8c: {  	s1 =	ssub.s32 @!p0 $0x0, s1;
	[sflag:s0] =	ssyncset.done @!p0 $0x0  }
0x8d: {  	[sflag:s0] =	ssyncadd.s32 @!p0 s1  }
0x8e: {  	[bflag:$0x3] =	sbarrier.arrive $0xFFFF  }
0x8f: {  	_ =	shalt  }

// kernel: kernel.20.cloned.1.call-start
scs
__scs_entry_jumppad:
0x0: {  	(pc) =	sbr.rel $0x88, $3  }
0x1: {  	(tag) =	ssettag $0x0;
	lr =	simm.s32 $0x1  }
0x2: {  	[smem:$0x3F64] =	sst lr;
	_ =	strace $0xD0000000  }
0x3: {  	_ = 	snop  }
0x4: {  	_ = 	snop  }
0x5: {  	_ = 	snop  }
0x6: {  	_ = 	snop  }
0x7: {  	_ = 	snop  }
__scs_overlays_trampoline_lowered:
0x8: {  	[smem:$0x3F73] =	sst s0  }
0x9: {  	[smem:$0x3F74] =	sst s1  }
0xa: {  	[smem:$0x3F75] =	sst s2  }
0xb: {  	[smem:$0x3F76] =	sst s3  }
0xc: {  	[smem:$0x3F77] =	sst s4  }
0xd: {  	[smem:$0x3F78] =	sst s5  }
0xe: {  	[smem:$0x3F79] =	sst s6  }
0xf: {  	[smem:$0x3F7A] =	sst s7  }
0x10: {  	[smem:$0x3F7B] =	sst s8  }
0x11: {  	[smem:$0x3F7C] =	sst s9;
	s0 =	simm.s32 @!p0 $0x0  }
0x12: {  	s1 =	sld [smem:$0x3F62];
	s0 =	simm.s32 @p0 $0x1  }
0x13: {  	[smem:$0x3F7D] =	sst s0;
	s0 =	simm.s32 @!p1 $0x0  }
0x14: {  	s2 =	sld [smem:$0x3F61];
	s0 =	simm.s32 @p1 $0x1  }
0x15: {  	[smem:$0x3F7E] =	sst s0;
	s0 =	simm.s32 @!p2 $0x0  }
0x16: {  	s3 =	sld [smem:$0x3FDB];
	s0 =	simm.s32 @p2 $0x1  }
0x17: {  	s4 =	simm.s32 $0x1BF5;
	[smem:$0x3F80] =	sst s0  }
0x18: {  	s0 =	sld [smem:$0x3F63];
	_ =	swait.ge [sflag:s4], $0x0  }
0x19: {  	s7 =	sld [smem:$0x3F64]  }
0x1a: {  	s8 =	sadd.s32 $0xFFFFE003, lr  }
0x1b: {  	s9 =	sadd.s32 $0xFFFFFEF7, lr;
	s5 =	simm.s32 $0xFFFFFFFF;
	p2 =	slt.u32 s8, $0xFFFFF086  }
0x1c: {  	p1 =	slt.u32 s9, $0xF7A;
	s5 =	simm.s32 @!p2 $0x0  }
0x1d: {  	s5 =	simm.s32 @p1 $0x1;
	p0 =	seq.s32 s7, s2  }
0x1e: {  	s7 =	smul.u32 @!p0 $0xF7A, s2;
	p2 =	seq.s32 @!p0 s5, $0x0  }
0x1f: {  	s9 =	smul.u32 $0xF7A, s1;
	s8 =	simm.s32 @!p0 $0x1BF5;
	p2 =	por !p2, p0  }
0x20: {  	[sflag:s8] =	ssyncset.s32 @!p0 $0xFFFFF086;
	s6 =	sadd.s32 @!p0 s3, s7;
	s7 =	simm.s32 @!p0 $0x108  }
0x21: {  	s3 =	sadd.s32 s3, s9;
	s6 =	sadd.s32 @!p0 $0x88, s6;
	s7 =	simm.s32 @p2 $0x1082  }
0x22: {  	[simem:s7], [sflag:s8] =	dma.local @!p0 [hbm:s6], $0xF7A  }
0x23: {  	s9 =	sor.u32 $0xD0000000, s2;
	s6 =	simm.s32 $0x108;
	_ =	swait.ge @!p0 [sflag:s8], $0x0  }
0x24: {  	s3 =	sadd.s32 $0x88, s3;
	s6 =	simm.s32 @!p1 $0x1082;
	[sflag:s4] =	ssyncset.s32 $0xFFFFF086  }
0x25: {  	[simem:s6], [sflag:s4] =	dma.local [hbm:s3], $0xF7A  }
0x26: {  	[smem:$0x3F64] =	sst s1;
	(tag) =	ssettag s2;
	_ =	strace s9  }
0x27: {  	s1 =	sld [smem:$0x3F74]  }
0x28: {  	s2 =	sld [smem:$0x3F75]  }
0x29: {  	s4 =	sld [smem:$0x3F77]  }
0x2a: {  	p0 =	seq.s32 s5, $0x0;
	s5 =	sld [smem:$0x3F78]  }
0x2b: {  	s6 =	sld [smem:$0x3F79]  }
0x2c: {  	s7 =	sld [smem:$0x3F7A]  }
0x2d: {  	s3 =	simm.s32 $0x108;
	s8 =	sld [smem:$0x3F7B]  }
0x2e: {  	s3 =	simm.s32 @!p0 $0x1082;
	s9 =	sld [smem:$0x3F7C]  }
0x2f: {  	lr =	sadd.s32 s0, s3;
	s0 =	sld [smem:$0x3F73]  }
0x30: {  	s3 =	sld [smem:$0x3F76]  }
0x31: {  	[smem:$0x3F7F] =	sst s10  }
0x32: {  	s10 =	sld [smem:$0x3F7D];
	_ =	sdelay $0x3  }
0x33: {  	p0 =	seq.s32 s10, $0x1;
	s10 =	sld [smem:$0x3F7F];
	_ =	sdelay $0x3  }
0x34: {  	[smem:$0x3F7F] =	sst s10  }
0x35: {  	s10 =	sld [smem:$0x3F7E];
	_ =	sdelay $0x3  }
0x36: {  	p1 =	seq.s32 s10, $0x1;
	s10 =	sld [smem:$0x3F7F];
	_ =	sdelay $0x3  }
0x37: {  	[smem:$0x3F7F] =	sst s10  }
0x38: {  	s10 =	sld [smem:$0x3F80]  }
0x39: {  	_ = 	snop;
	(pc) =	sbr.ind lr, $3  }
0x3a: {  	_ = 	snop  }
0x3b: {  	_ = 	snop  }
0x3c: {  	p2 =	seq.s32 s10, $0x1;
	s10 =	sld [smem:$0x3F7F]  }
0x3d: {  	_ =	shalt  }
0x3e: {  	_ =	shalt  }
0x3f: {  	_ =	shalt  }
0x40: {  	_ =	shalt  }
0x41: {  	_ =	shalt  }
0x42: {  	_ =	shalt  }
0x43: {  	_ =	shalt  }
0x44: {  	_ =	shalt  }
0x45: {  	_ =	shalt  }
0x46: {  	_ =	shalt  }
0x47: {  	_ =	shalt  }
0x48: {  	_ =	shalt  }
0x49: {  	_ =	shalt  }
0x4a: {  	_ =	shalt  }
0x4b: {  	_ =	shalt  }
0x4c: {  	_ =	shalt  }
0x4d: {  	_ =	shalt  }
0x4e: {  	_ =	shalt  }
0x4f: {  	_ =	shalt  }
0x50: {  	_ =	shalt  }
0x51: {  	_ =	shalt  }
0x52: {  	_ =	shalt  }
0x53: {  	_ =	shalt  }
0x54: {  	_ =	shalt  }
0x55: {  	_ =	shalt  }
0x56: {  	_ =	shalt  }
0x57: {  	_ =	shalt  }
0x58: {  	_ =	shalt  }
0x59: {  	_ =	shalt  }
0x5a: {  	_ =	shalt  }
0x5b: {  	_ =	shalt  }
0x5c: {  	_ =	shalt  }
0x5d: {  	_ =	shalt  }
0x5e: {  	_ =	shalt  }
0x5f: {  	_ =	shalt  }
0x60: {  	_ =	shalt  }
0x61: {  	_ =	shalt  }
0x62: {  	_ =	shalt  }
0x63: {  	_ =	shalt  }
0x64: {  	_ =	shalt  }
0x65: {  	_ =	shalt  }
0x66: {  	_ =	shalt  }
0x67: {  	_ =	shalt  }
0x68: {  	_ =	shalt  }
0x69: {  	_ =	shalt  }
0x6a: {  	_ =	shalt  }
0x6b: {  	_ =	shalt  }
0x6c: {  	_ =	shalt  }
0x6d: {  	_ =	shalt  }
0x6e: {  	_ =	shalt  }
0x6f: {  	_ =	shalt  }
0x70: {  	_ =	shalt  }
0x71: {  	_ =	shalt  }
0x72: {  	_ =	shalt  }
0x73: {  	_ =	shalt  }
0x74: {  	_ =	shalt  }
0x75: {  	_ =	shalt  }
0x76: {  	_ =	shalt  }
0x77: {  	_ =	shalt  }
0x78: {  	_ =	shalt  }
0x79: {  	_ =	shalt  }
0x7a: {  	_ =	shalt  }
0x7b: {  	_ =	shalt  }
0x7c: {  	_ =	shalt  }
0x7d: {  	_ =	shalt  }
0x7e: {  	_ =	shalt  }
0x7f: {  	_ =	shalt  }
0x80: {  	_ =	shalt  }
0x81: {  	_ =	shalt  }
0x82: {  	_ =	shalt  }
0x83: {  	_ =	shalt  }
0x84: {  	_ =	shalt  }
0x85: {  	_ =	shalt  }
0x86: {  	_ =	shalt  }
0x87: {  	_ =	shalt  }
.Lfunc_end0:
.L_simem_size_0:
called_computation.3_lowered:
.L_overlay_start_0:
0x88: {  	s2 =	sld [smem:$0x3FD9]  }
0x89: {  	s3 =	sld [smem:$0x3FFE];
	_ =	sdelay $0x1  }
0x8a: {  	s1 =	srdreg.scid  }
0x8b: {  	s0 =	sand.u32 $0x1, s1  }
0x8c: {  	s16 =	sshll.u32 s0, $0xA;
	s2 =	sadd.s32 s3, s2  }
0x8d: {  	s2 =	sadd.s32 s2, s16  }
0x8e: {  	[smem:$0x3F8B] =	sst s2  }
0x8f: {  	_ = 	snop  }
0x90: {  	(tm) =	ssettm $0x1  }
0x91: {  	s17 =	sld [smem:$0x3FFB];
	_ =	sdelay $0x3  }
0x92: {  	_ =	strace s17  }
0x93: {  	s2 =	sld [smem:$0x3FFC];
	_ =	sdelay $0x3  }
0x94: {  	_ =	strace s2  }
0x95: {  	s2 =	sld [smem:$0x3FFD];
	_ =	sdelay $0x3  }
0x96: {  	_ =	strace s2  }
0x97: {  	_ =	strace $0x8FFFFFFF  }
0x98: {  	s18 =	sld [smem:$0x3FDB];
	_ =	sdelay $0x1  }
0x99: {  	s19 =	simm.s32 $_scs_section_size  }
0x9a: {  	s4 =	simm.s32 $_size__tile_overlayer_lowered;
	s5 =	simm.s32 $_tile_overlayer_lowered  }
0x9b: {  	s22 =	simm.s32 $0x1BFF;
	s21 =	sshll.u32 s5, $0x1;
	s2 =	sadd.s32 s19, s18  }
0x9c: {  	s6 =	simm.s32 $0x0;
	s20 =	sshll.u32 s4, $0x1;
	s4 =	sadd.s32 s21, s2  }
0x9d: {  	[timem:s6], [sflag:s22] =	dma.local [hbm:s4], s20  }
0x9e: {  	_ =	swait.ge [sflag:s22], s20  }
0x9f: {  	s3 =	ssub.s32 $0x0, s20;
	[sflag:s22] =	ssyncset.done $0x0  }
0xa0: {  	[sflag:s22] =	ssyncadd.s32 s3;
	_ =	sdelay $0x1  }
0xa1: {  	s23 =	simm.s32 $0x1B8B  }
0xa2: {  	_ =	swait.ge [sflag:s23], $0x1  }
0xa3: {  	[sflag:s23] =	ssyncset.done $0x0  }
0xa4: {  	s25 =	simm.s32 $0x1B8E;
	s24 =	sld [smem:$0x3FFE];
	[sflag:s23] =	ssyncadd.s32 $0xFFFFFFFF  }
0xa5: {  	s26 =	simm.s32 $execute0_lowered;
	[smem:$0x3FD2] =	sst s25  }
0xa6: {  	s4 =	sshll.u32 s26, $0x1;
	_ =	strace $0x8000004F;
	[dreg:$0x1] =	wrdreg $0xFFFFFFFF  }
0xa7: {  	s28 =	simm.s32 $_size_execute0_lowered;
	s2 =	sadd.s32 s2, s4;
	[dreg:$0x0] =	wrdreg $0x0  }
0xa8: {  	s4 =	sshll.u32 s28, $0x1;
	[dreg:$0x2] =	wrdreg s2  }
0xa9: {  	[dreg:$0x3] =	wrdreg s4  }
0xaa: {  	[dreg:$0x4] =	wrdreg $0xC0  }
0xab: {  	_ =	task [dreg:s6], $0x5FFFF  }
0xac: {  	[dreg:$0x1] =	wrdreg $0xFFFFFFFF  }
0xad: {  	[dreg:$0x0] =	wrdreg $0x60  }
0xae: {  	[dreg:$0x2] =	wrdreg s24  }
0xaf: {  	[dreg:$0x3] =	wrdreg $0x9  }
0xb0: {  	_ =	task.clear_ibuf [dreg:s6], $0x4FFFF;
	_ =	strace $0x9000004F  }
0xb1: {  	s29 =	simm.s32 $0x9;
	_ =	strace $0x80000051  }
0xb2: {  	_ =	swait.ge [sflag:s29], $0x1  }
0xb3: {  	[sflag:s29] =	ssyncadd.s32 $0xFFFFFFFF  }
0xb4: {  	_ =	strace $0x90000051  }
0xb5: {  	_ =	sfence  }
0xb6: {  	s30 =	sld [smem:$0x0];
	_ =	sdelay $0x2  }
0xb7: {  	s31 =	sshll.u32 s1, $0xD;
	s1 =	sshrl.u32 s1, $0x2  }
0xb8: {  	s3 =	sand.u32 $0x4000, s31;
	s1 =	sadd.s32 s1, s30  }
0xb9: {  	s0 =	sor.u32 s3, s0;
	s1 =	sshll.u32 s1, $0x11  }
0xba: {  	s0 =	sor.u32 s1, s0  }
0xbb: {  	s0 =	sadd.s32 $0x8F2B, s0  }
0xbc: {  	[sflag:s0] =	ssyncadd.remote.s32 $0x1  }
0xbd: {  	_ =	sfence.sel $0xFFFF  }
0xbe: {  	[dreg:$0x0] =	wrdreg $0xFFFFFFFF;
	(pc) =	sbr.abs _section_cstart, $3  }
0xbf: {  	[dreg:$0x1] =	wrdreg $0xFFFFFFFF  }
0xc0: {  	_ =	task.clear_ibuf [dreg:s6], $0x2FFFF;
	_ =	strace $0x9FFFFFFF  }
0xc1: {  	(tm) =	ssettm $0x7FFFFFFF  }
tec
execute0_lowered:
.L_overlay_start_1:
0x0: {  	(tag) =	ssettag $0x1  }
0x1: {  	s1 =	srdreg.scid;
	s0 =	stileid.u32  }
0x2: {  	s17 =	sand.u32 $0x1, s1;
	s26 =	sshll.u32 s0, $0x1  }
0x3: {  	s9 =	sor.u32 s17, s26  }
0x4: {  	s10 =	rddreg [dreg:$0x0];
	s18 =	smul.u32 $0x1388, s9  }
0x5: {  	s2 =	simm.s32 $0x0;
	s1 =	rddreg [dreg:$0x1]  }
0x6: {  	[smem:$0x7FF] =	sst s2;
	s16 =	sadd.s32 $0xE400, s10;
	s3 =	sshrl.u32 s18, $0x3  }
0x7: {  	_ =	strace $0x80000050;
	s4 =	sadd.s32 s16, s3;
	s3 =	simm.s32 $0x2  }
0x8: {  	[tilespmem:s2], [sflag:$0x2] =	stream.linear.gather [hbm4b:s4+s2], $0x3E8, $0x38;
	[tilespmem:$0x1F800] =	vst v63  }
0x9: {  	_ =	swait.ge [sflag:s3], $0x3E8  }
0xa: {  	s6 =	simm.s32 $0x3E8;
	s7 =	simm.s32 $0x400;
	[sflag:s3] =	ssyncset.done $0x0  }
0xb: {  	s8 =	simm.s32 $0x1;
	s5 =	sadd.s32 $0x13400, s10;
	[sflag:s3] =	ssyncadd.s32 $0xFFFFFC18  }
0xc: {  	[tilespmem:s7], [sflag:$0x1] =	stream.indirect.gather [hbm4b:s5+s6], $0x80, s2, s6, $0xb8;
	[tilespmem:$0x1F800] =	vst v63  }
0xd: {  	s9 =	smul.u32 $0x13880, s9;
	_ =	swait.ge [sflag:s8], $0x1F400  }
0xe: {  	s19 =	sadd.s32 $0x284400, s10;
	[sflag:s8] =	ssyncset.done $0x0  }
0xf: {  	s9 =	sadd.s32 s19, s9;
	[sflag:s8] =	ssyncadd.s32 $0xFFFE0C00  }
0x10: {  	[hbm4b:s9+s2] =	stream.linear.scatter [tilespmem:s7], [sflag:$0x2], $0x1F400, $0x38;
	[tilespmem:$0x1F800] =	vst v63  }
0x11: {  	s11 =	sadd.s32 $0x3E8, s18;
	_ =	swait.ge [sflag:s3], $0x1F400  }
0x12: {  	s28 =	sshrl.u32 s11, $0x3;
	[sflag:s3] =	ssyncset.done $0x0  }
0x13: {  	s10 =	sadd.s32 s16, s28;
	[sflag:s3] =	ssyncadd.s32 $0xFFFE0C00  }
0x14: {  	[tilespmem:s2], [sflag:$0x2] =	stream.linear.gather [hbm4b:s10+s2], $0x3E8, $0x38;
	[tilespmem:$0x1F800] =	vst v63  }
0x15: {  	_ =	swait.ge [sflag:s3], $0x3E8  }
0x16: {  	[sflag:s3] =	ssyncset.done $0x0  }
0x17: {  	[sflag:s3] =	ssyncadd.s32 $0xFFFFFC18  }
0x18: {  	[tilespmem:s7], [sflag:$0x1] =	stream.indirect.gather [hbm4b:s5+s6], $0x80, s2, s6, $0xb8;
	[tilespmem:$0x1F800] =	vst v63  }
0x19: {  	_ =	swait.ge [sflag:s8], $0x1F400  }
0x1a: {  	s11 =	sshll.u32 s11, $0x4;
	[sflag:s8] =	ssyncset.done $0x0  }
0x1b: {  	s11 =	sadd.s32 s19, s11;
	[sflag:s8] =	ssyncadd.s32 $0xFFFE0C00  }
0x1c: {  	[hbm4b:s11+s2] =	stream.linear.scatter [tilespmem:s7], [sflag:$0x2], $0x1F400, $0x38;
	[tilespmem:$0x1F800] =	vst v63  }
0x1d: {  	s13 =	sadd.s32 $0x7D0, s18;
	_ =	swait.ge [sflag:s3], $0x1F400  }
0x1e: {  	s12 =	sshrl.u32 s13, $0x3;
	[sflag:s3] =	ssyncset.done $0x0  }
0x1f: {  	s12 =	sadd.s32 s16, s12;
	[sflag:s3] =	ssyncadd.s32 $0xFFFE0C00  }
0x20: {  	[tilespmem:s2], [sflag:$0x2] =	stream.linear.gather [hbm4b:s12+s2], $0x3E8, $0x38;
	[tilespmem:$0x1F800] =	vst v63  }
0x21: {  	_ =	swait.ge [sflag:s3], $0x3E8  }
0x22: {  	[sflag:s3] =	ssyncset.done $0x0  }
0x23: {  	[sflag:s3] =	ssyncadd.s32 $0xFFFFFC18  }
0x24: {  	[tilespmem:s7], [sflag:$0x1] =	stream.indirect.gather [hbm4b:s5+s6], $0x80, s2, s6, $0xb8;
	[tilespmem:$0x1F800] =	vst v63  }
0x25: {  	_ =	swait.ge [sflag:s8], $0x1F400  }
0x26: {  	s13 =	sshll.u32 s13, $0x4;
	[sflag:s8] =	ssyncset.done $0x0  }
0x27: {  	s13 =	sadd.s32 s19, s13;
	[sflag:s8] =	ssyncadd.s32 $0xFFFE0C00  }
0x28: {  	[hbm4b:s13+s2] =	stream.linear.scatter [tilespmem:s7], [sflag:$0x2], $0x1F400, $0x38;
	[tilespmem:$0x1F800] =	vst v63  }
0x29: {  	s15 =	sadd.s32 $0xBB8, s18;
	_ =	swait.ge [sflag:s3], $0x1F400  }
0x2a: {  	s14 =	sshrl.u32 s15, $0x3;
	[sflag:s3] =	ssyncset.done $0x0  }
0x2b: {  	s14 =	sadd.s32 s16, s14;
	[sflag:s3] =	ssyncadd.s32 $0xFFFE0C00  }
0x2c: {  	[tilespmem:s2], [sflag:$0x2] =	stream.linear.gather [hbm4b:s14+s2], $0x3E8, $0x38;
	[tilespmem:$0x1F800] =	vst v63  }
0x2d: {  	_ =	swait.ge [sflag:s3], $0x3E8  }
0x2e: {  	[sflag:s3] =	ssyncset.done $0x0  }
0x2f: {  	[sflag:s3] =	ssyncadd.s32 $0xFFFFFC18  }
0x30: {  	[tilespmem:s7], [sflag:$0x1] =	stream.indirect.gather [hbm4b:s5+s6], $0x80, s2, s6, $0xb8;
	[tilespmem:$0x1F800] =	vst v63  }
0x31: {  	_ =	swait.ge [sflag:s8], $0x1F400  }
0x32: {  	s15 =	sshll.u32 s15, $0x4;
	[sflag:s8] =	ssyncset.done $0x0  }
0x33: {  	s15 =	sadd.s32 s19, s15;
	[sflag:s8] =	ssyncadd.s32 $0xFFFE0C00  }
0x34: {  	[hbm4b:s15+s2] =	stream.linear.scatter [tilespmem:s7], [sflag:$0x2], $0x1F400, $0x38;
	[tilespmem:$0x1F800] =	vst v63  }
0x35: {  	s18 =	sadd.s32 $0xFA0, s18;
	_ =	swait.ge [sflag:s3], $0x1F400  }
0x36: {  	s20 =	sshrl.u32 s18, $0x3;
	[sflag:s3] =	ssyncset.done $0x0  }
0x37: {  	s17 =	ssub.s32 $0x2, s17;
	s16 =	sadd.s32 s16, s20;
	[sflag:s3] =	ssyncadd.s32 $0xFFFE0C00  }
0x38: {  	[tilespmem:s2], [sflag:$0x2] =	stream.linear.gather [hbm4b:s16+s2], $0x3E8, $0x38;
	[tilespmem:$0x1F800] =	vst v63  }
0x39: {  	s29 =	sshrl.u32 s17, $0x1;
	_ =	swait.ge [sflag:s3], $0x3E8  }
0x3a: {  	s20 =	ssub.s32 s17, s29;
	[sflag:s3] =	ssyncset.done $0x0  }
0x3b: {  	s31 =	smax.u32 s20, $0x1;
	[sflag:s3] =	ssyncadd.s32 $0xFFFFFC18  }
0x3c: {  	[tilespmem:s7], [sflag:$0x1] =	stream.indirect.gather [hbm4b:s5+s6], $0x80, s2, s6, $0xb8;
	[tilespmem:$0x1F800] =	vst v63  }
0x3d: {  	p0 =	sne.s32 s31, $0x1;
	_ =	swait.ge [sflag:s8], $0x1F400  }
.Ltmp0:
0x3e: {  	s30 =	sshll.u32 s18, $0x4;
	[sflag:s8] =	ssyncset.done $0x0;
	(pc) =	sbr.rel @!p0 .LBB2_2-.Ltmp0, $4  }
0x3f: {  	s17 =	sadd.s32 s19, s30;
	[sflag:s8] =	ssyncadd.s32 $0xFFFE0C00  }
0x40: {  	[hbm4b:s17+s2] =	stream.linear.scatter [tilespmem:s7], [sflag:$0x2], $0x1F400, $0x38;
	[tilespmem:$0x1F800] =	vst v63  }
0x41: {  	_ =	swait.ge [sflag:s3], $0x1F400  }
0x42: {  	s18 =	sadd.s32 $0xFFFFFFFF, s31;
	[sflag:s3] =	ssyncset.done $0x0  }
.LBB2_1:
0x43: {  	p0 =	sne.s32 s18, $0x1;
	s18 =	sadd.s32 $0xFFFFFFFF, s18;
	[sflag:s3] =	ssyncadd.s32 $0xFFFE0C00  }
0x44: {  	[tilespmem:s2], [sflag:$0x2] =	stream.linear.gather [hbm4b:s4+s2], $0x3E8, $0x38;
	[tilespmem:$0x1F800] =	vst v63  }
0x45: {  	_ =	swait.ge [sflag:s3], $0x3E8  }
0x46: {  	[sflag:s3] =	ssyncset.done $0x0  }
0x47: {  	[sflag:s3] =	ssyncadd.s32 $0xFFFFFC18  }
0x48: {  	[tilespmem:s7], [sflag:$0x1] =	stream.indirect.gather [hbm4b:s5+s6], $0x80, s2, s6, $0xb8;
	[tilespmem:$0x1F800] =	vst v63  }
0x49: {  	_ =	swait.ge [sflag:s8], $0x1F400  }
0x4a: {  	[sflag:s8] =	ssyncset.done $0x0  }
0x4b: {  	[sflag:s8] =	ssyncadd.s32 $0xFFFE0C00  }
0x4c: {  	[hbm4b:s9+s2] =	stream.linear.scatter [tilespmem:s7], [sflag:$0x2], $0x1F400, $0x38;
	[tilespmem:$0x1F800] =	vst v63  }
0x4d: {  	_ =	swait.ge [sflag:s3], $0x1F400  }
0x4e: {  	[sflag:s3] =	ssyncset.done $0x0  }
0x4f: {  	[sflag:s3] =	ssyncadd.s32 $0xFFFE0C00  }
0x50: {  	[tilespmem:s2], [sflag:$0x2] =	stream.linear.gather [hbm4b:s10+s2], $0x3E8, $0x38;
	[tilespmem:$0x1F800] =	vst v63  }
0x51: {  	_ =	swait.ge [sflag:s3], $0x3E8  }
0x52: {  	[sflag:s3] =	ssyncset.done $0x0  }
0x53: {  	[sflag:s3] =	ssyncadd.s32 $0xFFFFFC18  }
0x54: {  	[tilespmem:s7], [sflag:$0x1] =	stream.indirect.gather [hbm4b:s5+s6], $0x80, s2, s6, $0xb8;
	[tilespmem:$0x1F800] =	vst v63  }
0x55: {  	_ =	swait.ge [sflag:s8], $0x1F400  }
0x56: {  	[sflag:s8] =	ssyncset.done $0x0  }
0x57: {  	[sflag:s8] =	ssyncadd.s32 $0xFFFE0C00  }
0x58: {  	[hbm4b:s11+s2] =	stream.linear.scatter [tilespmem:s7], [sflag:$0x2], $0x1F400, $0x38;
	[tilespmem:$0x1F800] =	vst v63  }
0x59: {  	_ =	swait.ge [sflag:s3], $0x1F400  }
0x5a: {  	[sflag:s3] =	ssyncset.done $0x0  }
0x5b: {  	[sflag:s3] =	ssyncadd.s32 $0xFFFE0C00  }
0x5c: {  	[tilespmem:s2], [sflag:$0x2] =	stream.linear.gather [hbm4b:s12+s2], $0x3E8, $0x38;
	[tilespmem:$0x1F800] =	vst v63  }
0x5d: {  	_ =	swait.ge [sflag:s3], $0x3E8  }
0x5e: {  	[sflag:s3] =	ssyncset.done $0x0  }
0x5f: {  	[sflag:s3] =	ssyncadd.s32 $0xFFFFFC18  }
0x60: {  	[tilespmem:s7], [sflag:$0x1] =	stream.indirect.gather [hbm4b:s5+s6], $0x80, s2, s6, $0xb8;
	[tilespmem:$0x1F800] =	vst v63  }
0x61: {  	_ =	swait.ge [sflag:s8], $0x1F400  }
0x62: {  	[sflag:s8] =	ssyncset.done $0x0  }
0x63: {  	[sflag:s8] =	ssyncadd.s32 $0xFFFE0C00  }
0x64: {  	[hbm4b:s13+s2] =	stream.linear.scatter [tilespmem:s7], [sflag:$0x2], $0x1F400, $0x38;
	[tilespmem:$0x1F800] =	vst v63  }
0x65: {  	_ =	swait.ge [sflag:s3], $0x1F400  }
0x66: {  	[sflag:s3] =	ssyncset.done $0x0  }
0x67: {  	[sflag:s3] =	ssyncadd.s32 $0xFFFE0C00  }
0x68: {  	[tilespmem:s2], [sflag:$0x2] =	stream.linear.gather [hbm4b:s14+s2], $0x3E8, $0x38;
	[tilespmem:$0x1F800] =	vst v63  }
0x69: {  	_ =	swait.ge [sflag:s3], $0x3E8  }
0x6a: {  	[sflag:s3] =	ssyncset.done $0x0  }
0x6b: {  	[sflag:s3] =	ssyncadd.s32 $0xFFFFFC18  }
0x6c: {  	[tilespmem:s7], [sflag:$0x1] =	stream.indirect.gather [hbm4b:s5+s6], $0x80, s2, s6, $0xb8;
	[tilespmem:$0x1F800] =	vst v63  }
0x6d: {  	_ =	swait.ge [sflag:s8], $0x1F400  }
0x6e: {  	[sflag:s8] =	ssyncset.done $0x0  }
0x6f: {  	[sflag:s8] =	ssyncadd.s32 $0xFFFE0C00  }
0x70: {  	[hbm4b:s15+s2] =	stream.linear.scatter [tilespmem:s7], [sflag:$0x2], $0x1F400, $0x38;
	[tilespmem:$0x1F800] =	vst v63  }
0x71: {  	_ =	swait.ge [sflag:s3], $0x1F400  }
0x72: {  	[sflag:s3] =	ssyncset.done $0x0  }
0x73: {  	[sflag:s3] =	ssyncadd.s32 $0xFFFE0C00  }
0x74: {  	[tilespmem:s2], [sflag:$0x2] =	stream.linear.gather [hbm4b:s16+s2], $0x3E8, $0x38;
	[tilespmem:$0x1F800] =	vst v63  }
0x75: {  	_ =	swait.ge [sflag:s3], $0x3E8  }
0x76: {  	[sflag:s3] =	ssyncset.done $0x0  }
0x77: {  	[sflag:s3] =	ssyncadd.s32 $0xFFFFFC18  }
0x78: {  	[tilespmem:s7], [sflag:$0x1] =	stream.indirect.gather [hbm4b:s5+s6], $0x80, s2, s6, $0xb8;
	[tilespmem:$0x1F800] =	vst v63  }
0x79: {  	_ =	swait.ge [sflag:s8], $0x1F400  }
.Ltmp1:
0x7a: {  	[sflag:s8] =	ssyncset.done $0x0;
	(pc) =	sbr.rel @p0 .LBB2_1-.Ltmp1, $4  }
0x7b: {  	[sflag:s8] =	ssyncadd.s32 $0xFFFE0C00  }
0x7c: {  	[hbm4b:s17+s2] =	stream.linear.scatter [tilespmem:s7], [sflag:$0x2], $0x1F400, $0x38;
	[tilespmem:$0x1F800] =	vst v63  }
0x7d: {  	_ =	swait.ge [sflag:s3], $0x1F400  }
0x7e: {  	[sflag:s3] =	ssyncset.done $0x0  }
.LBB2_2:
0x7f: {  	[sflag:s3] =	ssyncadd.s32 $0xFFFE0C00  }
0x80: {  	_ =	sfence.sel $0x180000  }
0x81: {  	[bflag:$0x0] =	sbarrier.arrive $0xFFFF  }
0x82: {  	p0 =	sne.s32 s0, $0x0;
	_ =	strace $0x90000050  }
0x83: {  	s0 =	sadd.s32 @!p0 $0x100000, s1;
	[bflag:$0x2] =	sbarrier.arrive $0xFFFF  }
0x84: {  	[sflag:s0] =	ssyncadd.tile.s32 @!p0 $0x1;
	_ =	shalt  }
.Lfunc_end2:
_tile_overlayer_lowered:
.L_overlay_start_2:
0x85: {  	(tag) =	ssettag $0x2  }
0x86: {  	s0 =	rddreg [dreg:$0x0];
	s2 =	stileid.u32  }
0x87: {  	s1 =	rddreg [dreg:$0x1];
	p0 =	sne.s32 s2, $0x0  }
0x88: {  	s3 =	rddreg [dreg:$0x2];
	[bflag:$0x3] =	sbarrier.arrive $0xFFFF;
	s2 =	simm.s32 @!p0 $0x1C02  }
0x89: {  	[timem:s3], [sflag:s2] =	dma.local @!p0 [hbm:s0], s1  }
0x8a: {  	s0 =	simm.s32 @!p0 $0x2  }
0x8b: {  	_ =	swait.ge @!p0 [sflag:s0], s1  }
0x8c: {  	s1 =	ssub.s32 @!p0 $0x0, s1;
	[sflag:s0] =	ssyncset.done @!p0 $0x0  }
0x8d: {  	[sflag:s0] =	ssyncadd.s32 @!p0 s1  }
0x8e: {  	[bflag:$0x3] =	sbarrier.arrive $0xFFFF  }
0x8f: {  	_ =	shalt  }

// kernel: kernel.23.cloned.1.call-start
scs
__scs_entry_jumppad:
0x0: {  	(pc) =	sbr.rel $0x88, $3  }
0x1: {  	(tag) =	ssettag $0x0;
	lr =	simm.s32 $0x1  }
0x2: {  	[smem:$0x3F64] =	sst lr;
	_ =	strace $0xD0000000  }
0x3: {  	_ = 	snop  }
0x4: {  	_ = 	snop  }
0x5: {  	_ = 	snop  }
0x6: {  	_ = 	snop  }
0x7: {  	_ = 	snop  }
__scs_overlays_trampoline_lowered:
0x8: {  	[smem:$0x3F73] =	sst s0  }
0x9: {  	[smem:$0x3F74] =	sst s1  }
0xa: {  	[smem:$0x3F75] =	sst s2  }
0xb: {  	[smem:$0x3F76] =	sst s3  }
0xc: {  	[smem:$0x3F77] =	sst s4  }
0xd: {  	[smem:$0x3F78] =	sst s5  }
0xe: {  	[smem:$0x3F79] =	sst s6  }
0xf: {  	[smem:$0x3F7A] =	sst s7  }
0x10: {  	[smem:$0x3F7B] =	sst s8  }
0x11: {  	[smem:$0x3F7C] =	sst s9;
	s0 =	simm.s32 @!p0 $0x0  }
0x12: {  	s1 =	sld [smem:$0x3F62];
	s0 =	simm.s32 @p0 $0x1  }
0x13: {  	[smem:$0x3F7D] =	sst s0;
	s0 =	simm.s32 @!p1 $0x0  }
0x14: {  	s2 =	sld [smem:$0x3F61];
	s0 =	simm.s32 @p1 $0x1  }
0x15: {  	[smem:$0x3F7E] =	sst s0;
	s0 =	simm.s32 @!p2 $0x0  }
0x16: {  	s3 =	sld [smem:$0x3FDB];
	s0 =	simm.s32 @p2 $0x1  }
0x17: {  	s4 =	simm.s32 $0x1BF5;
	[smem:$0x3F80] =	sst s0  }
0x18: {  	s0 =	sld [smem:$0x3F63];
	_ =	swait.ge [sflag:s4], $0x0  }
0x19: {  	s7 =	sld [smem:$0x3F64]  }
0x1a: {  	s8 =	sadd.s32 $0xFFFFE003, lr  }
0x1b: {  	s9 =	sadd.s32 $0xFFFFFEF7, lr;
	s5 =	simm.s32 $0xFFFFFFFF;
	p2 =	slt.u32 s8, $0xFFFFF086  }
0x1c: {  	p1 =	slt.u32 s9, $0xF7A;
	s5 =	simm.s32 @!p2 $0x0  }
0x1d: {  	s5 =	simm.s32 @p1 $0x1;
	p0 =	seq.s32 s7, s2  }
0x1e: {  	s7 =	smul.u32 @!p0 $0xF7A, s2;
	p2 =	seq.s32 @!p0 s5, $0x0  }
0x1f: {  	s9 =	smul.u32 $0xF7A, s1;
	s8 =	simm.s32 @!p0 $0x1BF5;
	p2 =	por !p2, p0  }
0x20: {  	[sflag:s8] =	ssyncset.s32 @!p0 $0xFFFFF086;
	s6 =	sadd.s32 @!p0 s3, s7;
	s7 =	simm.s32 @!p0 $0x108  }
0x21: {  	s3 =	sadd.s32 s3, s9;
	s6 =	sadd.s32 @!p0 $0x88, s6;
	s7 =	simm.s32 @p2 $0x1082  }
0x22: {  	[simem:s7], [sflag:s8] =	dma.local @!p0 [hbm:s6], $0xF7A  }
0x23: {  	s9 =	sor.u32 $0xD0000000, s2;
	s6 =	simm.s32 $0x108;
	_ =	swait.ge @!p0 [sflag:s8], $0x0  }
0x24: {  	s3 =	sadd.s32 $0x88, s3;
	s6 =	simm.s32 @!p1 $0x1082;
	[sflag:s4] =	ssyncset.s32 $0xFFFFF086  }
0x25: {  	[simem:s6], [sflag:s4] =	dma.local [hbm:s3], $0xF7A  }
0x26: {  	[smem:$0x3F64] =	sst s1;
	(tag) =	ssettag s2;
	_ =	strace s9  }
0x27: {  	s1 =	sld [smem:$0x3F74]  }
0x28: {  	s2 =	sld [smem:$0x3F75]  }
0x29: {  	s4 =	sld [smem:$0x3F77]  }
0x2a: {  	p0 =	seq.s32 s5, $0x0;
	s5 =	sld [smem:$0x3F78]  }
0x2b: {  	s6 =	sld [smem:$0x3F79]  }
0x2c: {  	s7 =	sld [smem:$0x3F7A]  }
0x2d: {  	s3 =	simm.s32 $0x108;
	s8 =	sld [smem:$0x3F7B]  }
0x2e: {  	s3 =	simm.s32 @!p0 $0x1082;
	s9 =	sld [smem:$0x3F7C]  }
0x2f: {  	lr =	sadd.s32 s0, s3;
	s0 =	sld [smem:$0x3F73]  }
0x30: {  	s3 =	sld [smem:$0x3F76]  }
0x31: {  	[smem:$0x3F7F] =	sst s10  }
0x32: {  	s10 =	sld [smem:$0x3F7D];
	_ =	sdelay $0x3  }
0x33: {  	p0 =	seq.s32 s10, $0x1;
	s10 =	sld [smem:$0x3F7F];
	_ =	sdelay $0x3  }
0x34: {  	[smem:$0x3F7F] =	sst s10  }
0x35: {  	s10 =	sld [smem:$0x3F7E];
	_ =	sdelay $0x3  }
0x36: {  	p1 =	seq.s32 s10, $0x1;
	s10 =	sld [smem:$0x3F7F];
	_ =	sdelay $0x3  }
0x37: {  	[smem:$0x3F7F] =	sst s10  }
0x38: {  	s10 =	sld [smem:$0x3F80]  }
0x39: {  	_ = 	snop;
	(pc) =	sbr.ind lr, $3  }
0x3a: {  	_ = 	snop  }
0x3b: {  	_ = 	snop  }
0x3c: {  	p2 =	seq.s32 s10, $0x1;
	s10 =	sld [smem:$0x3F7F]  }
0x3d: {  	_ =	shalt  }
0x3e: {  	_ =	shalt  }
0x3f: {  	_ =	shalt  }
0x40: {  	_ =	shalt  }
0x41: {  	_ =	shalt  }
0x42: {  	_ =	shalt  }
0x43: {  	_ =	shalt  }
0x44: {  	_ =	shalt  }
0x45: {  	_ =	shalt  }
0x46: {  	_ =	shalt  }
0x47: {  	_ =	shalt  }
0x48: {  	_ =	shalt  }
0x49: {  	_ =	shalt  }
0x4a: {  	_ =	shalt  }
0x4b: {  	_ =	shalt  }
0x4c: {  	_ =	shalt  }
0x4d: {  	_ =	shalt  }
0x4e: {  	_ =	shalt  }
0x4f: {  	_ =	shalt  }
0x50: {  	_ =	shalt  }
0x51: {  	_ =	shalt  }
0x52: {  	_ =	shalt  }
0x53: {  	_ =	shalt  }
0x54: {  	_ =	shalt  }
0x55: {  	_ =	shalt  }
0x56: {  	_ =	shalt  }
0x57: {  	_ =	shalt  }
0x58: {  	_ =	shalt  }
0x59: {  	_ =	shalt  }
0x5a: {  	_ =	shalt  }
0x5b: {  	_ =	shalt  }
0x5c: {  	_ =	shalt  }
0x5d: {  	_ =	shalt  }
0x5e: {  	_ =	shalt  }
0x5f: {  	_ =	shalt  }
0x60: {  	_ =	shalt  }
0x61: {  	_ =	shalt  }
0x62: {  	_ =	shalt  }
0x63: {  	_ =	shalt  }
0x64: {  	_ =	shalt  }
0x65: {  	_ =	shalt  }
0x66: {  	_ =	shalt  }
0x67: {  	_ =	shalt  }
0x68: {  	_ =	shalt  }
0x69: {  	_ =	shalt  }
0x6a: {  	_ =	shalt  }
0x6b: {  	_ =	shalt  }
0x6c: {  	_ =	shalt  }
0x6d: {  	_ =	shalt  }
0x6e: {  	_ =	shalt  }
0x6f: {  	_ =	shalt  }
0x70: {  	_ =	shalt  }
0x71: {  	_ =	shalt  }
0x72: {  	_ =	shalt  }
0x73: {  	_ =	shalt  }
0x74: {  	_ =	shalt  }
0x75: {  	_ =	shalt  }
0x76: {  	_ =	shalt  }
0x77: {  	_ =	shalt  }
0x78: {  	_ =	shalt  }
0x79: {  	_ =	shalt  }
0x7a: {  	_ =	shalt  }
0x7b: {  	_ =	shalt  }
0x7c: {  	_ =	shalt  }
0x7d: {  	_ =	shalt  }
0x7e: {  	_ =	shalt  }
0x7f: {  	_ =	shalt  }
0x80: {  	_ =	shalt  }
0x81: {  	_ =	shalt  }
0x82: {  	_ =	shalt  }
0x83: {  	_ =	shalt  }
0x84: {  	_ =	shalt  }
0x85: {  	_ =	shalt  }
0x86: {  	_ =	shalt  }
0x87: {  	_ =	shalt  }
.Lfunc_end0:
.L_simem_size_0:
called_computation.4_lowered:
.L_overlay_start_0:
0x88: {  	s2 =	sld [smem:$0x3FD9]  }
0x89: {  	s3 =	sld [smem:$0x3FFE];
	_ =	sdelay $0x1  }
0x8a: {  	s1 =	srdreg.scid  }
0x8b: {  	s0 =	sand.u32 $0x1, s1  }
0x8c: {  	s16 =	sshll.u32 s0, $0xA;
	s2 =	sadd.s32 s3, s2  }
0x8d: {  	s2 =	sadd.s32 s2, s16  }
0x8e: {  	[smem:$0x3F8B] =	sst s2  }
0x8f: {  	_ = 	snop  }
0x90: {  	(tm) =	ssettm $0x1  }
0x91: {  	s17 =	sld [smem:$0x3FFB];
	_ =	sdelay $0x3  }
0x92: {  	_ =	strace s17  }
0x93: {  	s2 =	sld [smem:$0x3FFC];
	_ =	sdelay $0x3  }
0x94: {  	_ =	strace s2  }
0x95: {  	s2 =	sld [smem:$0x3FFD];
	_ =	sdelay $0x3  }
0x96: {  	_ =	strace s2  }
0x97: {  	_ =	strace $0x8FFFFFFF  }
0x98: {  	s18 =	sld [smem:$0x3FDB];
	_ =	sdelay $0x1  }
0x99: {  	s19 =	simm.s32 $_scs_section_size  }
0x9a: {  	s4 =	simm.s32 $_size__tile_overlayer_lowered;
	s5 =	simm.s32 $_tile_overlayer_lowered  }
0x9b: {  	s22 =	simm.s32 $0x1BFF;
	s21 =	sshll.u32 s5, $0x1;
	s2 =	sadd.s32 s19, s18  }
0x9c: {  	s6 =	simm.s32 $0x0;
	s20 =	sshll.u32 s4, $0x1;
	s4 =	sadd.s32 s21, s2  }
0x9d: {  	[timem:s6], [sflag:s22] =	dma.local [hbm:s4], s20  }
0x9e: {  	_ =	swait.ge [sflag:s22], s20  }
0x9f: {  	s3 =	ssub.s32 $0x0, s20;
	[sflag:s22] =	ssyncset.done $0x0  }
0xa0: {  	[sflag:s22] =	ssyncadd.s32 s3;
	_ =	sdelay $0x1  }
0xa1: {  	s23 =	simm.s32 $0x1B8B  }
0xa2: {  	_ =	swait.ge [sflag:s23], $0x1  }
0xa3: {  	[sflag:s23] =	ssyncset.done $0x0  }
0xa4: {  	s25 =	simm.s32 $0x1B8E;
	s24 =	sld [smem:$0x3FFE];
	[sflag:s23] =	ssyncadd.s32 $0xFFFFFFFF  }
0xa5: {  	s26 =	simm.s32 $execute0_lowered;
	[smem:$0x3FD2] =	sst s25  }
0xa6: {  	s4 =	sshll.u32 s26, $0x1;
	_ =	strace $0x80000052;
	[dreg:$0x1] =	wrdreg $0xFFFFFFFF  }
0xa7: {  	s28 =	simm.s32 $_size_execute0_lowered;
	s2 =	sadd.s32 s2, s4;
	[dreg:$0x0] =	wrdreg $0x0  }
0xa8: {  	s4 =	sshll.u32 s28, $0x1;
	[dreg:$0x2] =	wrdreg s2  }
0xa9: {  	[dreg:$0x3] =	wrdreg s4  }
0xaa: {  	[dreg:$0x4] =	wrdreg $0xC0  }
0xab: {  	_ =	task [dreg:s6], $0x5FFFF  }
0xac: {  	[dreg:$0x1] =	wrdreg $0xFFFFFFFF  }
0xad: {  	[dreg:$0x0] =	wrdreg $0x60  }
0xae: {  	[dreg:$0x2] =	wrdreg s24  }
0xaf: {  	[dreg:$0x3] =	wrdreg $0x9  }
0xb0: {  	_ =	task.clear_ibuf [dreg:s6], $0x4FFFF;
	_ =	strace $0x90000052  }
0xb1: {  	s29 =	simm.s32 $0x9;
	_ =	strace $0x80000054  }
0xb2: {  	_ =	swait.ge [sflag:s29], $0x1  }
0xb3: {  	[sflag:s29] =	ssyncadd.s32 $0xFFFFFFFF  }
0xb4: {  	_ =	strace $0x90000054  }
0xb5: {  	_ =	sfence  }
0xb6: {  	s30 =	sld [smem:$0x0];
	_ =	sdelay $0x2  }
0xb7: {  	s31 =	sshll.u32 s1, $0xD;
	s1 =	sshrl.u32 s1, $0x2  }
0xb8: {  	s3 =	sand.u32 $0x4000, s31;
	s1 =	sadd.s32 s1, s30  }
0xb9: {  	s0 =	sor.u32 s3, s0;
	s1 =	sshll.u32 s1, $0x11  }
0xba: {  	s0 =	sor.u32 s1, s0  }
0xbb: {  	s0 =	sadd.s32 $0x8F2B, s0  }
0xbc: {  	[sflag:s0] =	ssyncadd.remote.s32 $0x1  }
0xbd: {  	_ =	sfence.sel $0xFFFF  }
0xbe: {  	[dreg:$0x0] =	wrdreg $0xFFFFFFFF;
	(pc) =	sbr.abs _section_cstart, $3  }
0xbf: {  	[dreg:$0x1] =	wrdreg $0xFFFFFFFF  }
0xc0: {  	_ =	task.clear_ibuf [dreg:s6], $0x2FFFF;
	_ =	strace $0x9FFFFFFF  }
0xc1: {  	(tm) =	ssettm $0x7FFFFFFF  }
tec
execute0_lowered:
.L_overlay_start_1:
0x0: {  	(tag) =	ssettag $0x1  }
0x1: {  	s1 =	srdreg.scid;
	s0 =	stileid.u32  }
0x2: {  	s17 =	sand.u32 $0x1, s1;
	s26 =	sshll.u32 s0, $0x1  }
0x3: {  	s9 =	sor.u32 s17, s26  }
0x4: {  	s10 =	rddreg [dreg:$0x0];
	s18 =	smul.u32 $0x1388, s9  }
0x5: {  	s2 =	simm.s32 $0x0;
	s1 =	rddreg [dreg:$0x1]  }
0x6: {  	[smem:$0x7FF] =	sst s2;
	s16 =	sadd.s32 $0xE400, s10;
	s3 =	sshrl.u32 s18, $0x3  }
0x7: {  	_ =	strace $0x80000053;
	s4 =	sadd.s32 s16, s3;
	s3 =	simm.s32 $0x2  }
0x8: {  	[tilespmem:s2], [sflag:$0x2] =	stream.linear.gather [hbm4b:s4+s2], $0x3E8, $0x38;
	[tilespmem:$0x1F800] =	vst v63  }
0x9: {  	_ =	swait.ge [sflag:s3], $0x3E8  }
0xa: {  	s6 =	simm.s32 $0x3E8;
	s7 =	simm.s32 $0x400;
	[sflag:s3] =	ssyncset.done $0x0  }
0xb: {  	s8 =	simm.s32 $0x1;
	s5 =	sadd.s32 $0x284400, s10;
	[sflag:s3] =	ssyncadd.s32 $0xFFFFFC18  }
0xc: {  	[tilespmem:s7], [sflag:$0x1] =	stream.indirect.gather [hbm4b:s5+s6], $0x80, s2, s6, $0xb8;
	[tilespmem:$0x1F800] =	vst v63  }
0xd: {  	s9 =	smul.u32 $0x13880, s9;
	_ =	swait.ge [sflag:s8], $0x1F400  }
0xe: {  	s19 =	sadd.s32 $0x4F5400, s10;
	[sflag:s8] =	ssyncset.done $0x0  }
0xf: {  	s9 =	sadd.s32 s19, s9;
	[sflag:s8] =	ssyncadd.s32 $0xFFFE0C00  }
0x10: {  	[hbm4b:s9+s2] =	stream.linear.scatter [tilespmem:s7], [sflag:$0x2], $0x1F400, $0x38;
	[tilespmem:$0x1F800] =	vst v63  }
0x11: {  	s11 =	sadd.s32 $0x3E8, s18;
	_ =	swait.ge [sflag:s3], $0x1F400  }
0x12: {  	s28 =	sshrl.u32 s11, $0x3;
	[sflag:s3] =	ssyncset.done $0x0  }
0x13: {  	s10 =	sadd.s32 s16, s28;
	[sflag:s3] =	ssyncadd.s32 $0xFFFE0C00  }
0x14: {  	[tilespmem:s2], [sflag:$0x2] =	stream.linear.gather [hbm4b:s10+s2], $0x3E8, $0x38;
	[tilespmem:$0x1F800] =	vst v63  }
0x15: {  	_ =	swait.ge [sflag:s3], $0x3E8  }
0x16: {  	[sflag:s3] =	ssyncset.done $0x0  }
0x17: {  	[sflag:s3] =	ssyncadd.s32 $0xFFFFFC18  }
0x18: {  	[tilespmem:s7], [sflag:$0x1] =	stream.indirect.gather [hbm4b:s5+s6], $0x80, s2, s6, $0xb8;
	[tilespmem:$0x1F800] =	vst v63  }
0x19: {  	_ =	swait.ge [sflag:s8], $0x1F400  }
0x1a: {  	s11 =	sshll.u32 s11, $0x4;
	[sflag:s8] =	ssyncset.done $0x0  }
0x1b: {  	s11 =	sadd.s32 s19, s11;
	[sflag:s8] =	ssyncadd.s32 $0xFFFE0C00  }
0x1c: {  	[hbm4b:s11+s2] =	stream.linear.scatter [tilespmem:s7], [sflag:$0x2], $0x1F400, $0x38;
	[tilespmem:$0x1F800] =	vst v63  }
0x1d: {  	s13 =	sadd.s32 $0x7D0, s18;
	_ =	swait.ge [sflag:s3], $0x1F400  }
0x1e: {  	s12 =	sshrl.u32 s13, $0x3;
	[sflag:s3] =	ssyncset.done $0x0  }
0x1f: {  	s12 =	sadd.s32 s16, s12;
	[sflag:s3] =	ssyncadd.s32 $0xFFFE0C00  }
0x20: {  	[tilespmem:s2], [sflag:$0x2] =	stream.linear.gather [hbm4b:s12+s2], $0x3E8, $0x38;
	[tilespmem:$0x1F800] =	vst v63  }
0x21: {  	_ =	swait.ge [sflag:s3], $0x3E8  }
0x22: {  	[sflag:s3] =	ssyncset.done $0x0  }
0x23: {  	[sflag:s3] =	ssyncadd.s32 $0xFFFFFC18  }
0x24: {  	[tilespmem:s7], [sflag:$0x1] =	stream.indirect.gather [hbm4b:s5+s6], $0x80, s2, s6, $0xb8;
	[tilespmem:$0x1F800] =	vst v63  }
0x25: {  	_ =	swait.ge [sflag:s8], $0x1F400  }
0x26: {  	s13 =	sshll.u32 s13, $0x4;
	[sflag:s8] =	ssyncset.done $0x0  }
0x27: {  	s13 =	sadd.s32 s19, s13;
	[sflag:s8] =	ssyncadd.s32 $0xFFFE0C00  }
0x28: {  	[hbm4b:s13+s2] =	stream.linear.scatter [tilespmem:s7], [sflag:$0x2], $0x1F400, $0x38;
	[tilespmem:$0x1F800] =	vst v63  }
0x29: {  	s15 =	sadd.s32 $0xBB8, s18;
	_ =	swait.ge [sflag:s3], $0x1F400  }
0x2a: {  	s14 =	sshrl.u32 s15, $0x3;
	[sflag:s3] =	ssyncset.done $0x0  }
0x2b: {  	s14 =	sadd.s32 s16, s14;
	[sflag:s3] =	ssyncadd.s32 $0xFFFE0C00  }
0x2c: {  	[tilespmem:s2], [sflag:$0x2] =	stream.linear.gather [hbm4b:s14+s2], $0x3E8, $0x38;
	[tilespmem:$0x1F800] =	vst v63  }
0x2d: {  	_ =	swait.ge [sflag:s3], $0x3E8  }
0x2e: {  	[sflag:s3] =	ssyncset.done $0x0  }
0x2f: {  	[sflag:s3] =	ssyncadd.s32 $0xFFFFFC18  }
0x30: {  	[tilespmem:s7], [sflag:$0x1] =	stream.indirect.gather [hbm4b:s5+s6], $0x80, s2, s6, $0xb8;
	[tilespmem:$0x1F800] =	vst v63  }
0x31: {  	_ =	swait.ge [sflag:s8], $0x1F400  }
0x32: {  	s15 =	sshll.u32 s15, $0x4;
	[sflag:s8] =	ssyncset.done $0x0  }
0x33: {  	s15 =	sadd.s32 s19, s15;
	[sflag:s8] =	ssyncadd.s32 $0xFFFE0C00  }
0x34: {  	[hbm4b:s15+s2] =	stream.linear.scatter [tilespmem:s7], [sflag:$0x2], $0x1F400, $0x38;
	[tilespmem:$0x1F800] =	vst v63  }
0x35: {  	s18 =	sadd.s32 $0xFA0, s18;
	_ =	swait.ge [sflag:s3], $0x1F400  }
0x36: {  	s20 =	sshrl.u32 s18, $0x3;
	[sflag:s3] =	ssyncset.done $0x0  }
0x37: {  	s17 =	ssub.s32 $0x2, s17;
	s16 =	sadd.s32 s16, s20;
	[sflag:s3] =	ssyncadd.s32 $0xFFFE0C00  }
0x38: {  	[tilespmem:s2], [sflag:$0x2] =	stream.linear.gather [hbm4b:s16+s2], $0x3E8, $0x38;
	[tilespmem:$0x1F800] =	vst v63  }
0x39: {  	s29 =	sshrl.u32 s17, $0x1;
	_ =	swait.ge [sflag:s3], $0x3E8  }
0x3a: {  	s20 =	ssub.s32 s17, s29;
	[sflag:s3] =	ssyncset.done $0x0  }
0x3b: {  	s31 =	smax.u32 s20, $0x1;
	[sflag:s3] =	ssyncadd.s32 $0xFFFFFC18  }
0x3c: {  	[tilespmem:s7], [sflag:$0x1] =	stream.indirect.gather [hbm4b:s5+s6], $0x80, s2, s6, $0xb8;
	[tilespmem:$0x1F800] =	vst v63  }
0x3d: {  	p0 =	sne.s32 s31, $0x1;
	_ =	swait.ge [sflag:s8], $0x1F400  }
.Ltmp0:
0x3e: {  	s30 =	sshll.u32 s18, $0x4;
	[sflag:s8] =	ssyncset.done $0x0;
	(pc) =	sbr.rel @!p0 .LBB2_2-.Ltmp0, $4  }
0x3f: {  	s17 =	sadd.s32 s19, s30;
	[sflag:s8] =	ssyncadd.s32 $0xFFFE0C00  }
0x40: {  	[hbm4b:s17+s2] =	stream.linear.scatter [tilespmem:s7], [sflag:$0x2], $0x1F400, $0x38;
	[tilespmem:$0x1F800] =	vst v63  }
0x41: {  	_ =	swait.ge [sflag:s3], $0x1F400  }
0x42: {  	s18 =	sadd.s32 $0xFFFFFFFF, s31;
	[sflag:s3] =	ssyncset.done $0x0  }
.LBB2_1:
0x43: {  	p0 =	sne.s32 s18, $0x1;
	s18 =	sadd.s32 $0xFFFFFFFF, s18;
	[sflag:s3] =	ssyncadd.s32 $0xFFFE0C00  }
0x44: {  	[tilespmem:s2], [sflag:$0x2] =	stream.linear.gather [hbm4b:s4+s2], $0x3E8, $0x38;
	[tilespmem:$0x1F800] =	vst v63  }
0x45: {  	_ =	swait.ge [sflag:s3], $0x3E8  }
0x46: {  	[sflag:s3] =	ssyncset.done $0x0  }
0x47: {  	[sflag:s3] =	ssyncadd.s32 $0xFFFFFC18  }
0x48: {  	[tilespmem:s7], [sflag:$0x1] =	stream.indirect.gather [hbm4b:s5+s6], $0x80, s2, s6, $0xb8;
	[tilespmem:$0x1F800] =	vst v63  }
0x49: {  	_ =	swait.ge [sflag:s8], $0x1F400  }
0x4a: {  	[sflag:s8] =	ssyncset.done $0x0  }
0x4b: {  	[sflag:s8] =	ssyncadd.s32 $0xFFFE0C00  }
0x4c: {  	[hbm4b:s9+s2] =	stream.linear.scatter [tilespmem:s7], [sflag:$0x2], $0x1F400, $0x38;
	[tilespmem:$0x1F800] =	vst v63  }
0x4d: {  	_ =	swait.ge [sflag:s3], $0x1F400  }
0x4e: {  	[sflag:s3] =	ssyncset.done $0x0  }
0x4f: {  	[sflag:s3] =	ssyncadd.s32 $0xFFFE0C00  }
0x50: {  	[tilespmem:s2], [sflag:$0x2] =	stream.linear.gather [hbm4b:s10+s2], $0x3E8, $0x38;
	[tilespmem:$0x1F800] =	vst v63  }
0x51: {  	_ =	swait.ge [sflag:s3], $0x3E8  }
0x52: {  	[sflag:s3] =	ssyncset.done $0x0  }
0x53: {  	[sflag:s3] =	ssyncadd.s32 $0xFFFFFC18  }
0x54: {  	[tilespmem:s7], [sflag:$0x1] =	stream.indirect.gather [hbm4b:s5+s6], $0x80, s2, s6, $0xb8;
	[tilespmem:$0x1F800] =	vst v63  }
0x55: {  	_ =	swait.ge [sflag:s8], $0x1F400  }
0x56: {  	[sflag:s8] =	ssyncset.done $0x0  }
0x57: {  	[sflag:s8] =	ssyncadd.s32 $0xFFFE0C00  }
0x58: {  	[hbm4b:s11+s2] =	stream.linear.scatter [tilespmem:s7], [sflag:$0x2], $0x1F400, $0x38;
	[tilespmem:$0x1F800] =	vst v63  }
0x59: {  	_ =	swait.ge [sflag:s3], $0x1F400  }
0x5a: {  	[sflag:s3] =	ssyncset.done $0x0  }
0x5b: {  	[sflag:s3] =	ssyncadd.s32 $0xFFFE0C00  }
0x5c: {  	[tilespmem:s2], [sflag:$0x2] =	stream.linear.gather [hbm4b:s12+s2], $0x3E8, $0x38;
	[tilespmem:$0x1F800] =	vst v63  }
0x5d: {  	_ =	swait.ge [sflag:s3], $0x3E8  }
0x5e: {  	[sflag:s3] =	ssyncset.done $0x0  }
0x5f: {  	[sflag:s3] =	ssyncadd.s32 $0xFFFFFC18  }
0x60: {  	[tilespmem:s7], [sflag:$0x1] =	stream.indirect.gather [hbm4b:s5+s6], $0x80, s2, s6, $0xb8;
	[tilespmem:$0x1F800] =	vst v63  }
0x61: {  	_ =	swait.ge [sflag:s8], $0x1F400  }
0x62: {  	[sflag:s8] =	ssyncset.done $0x0  }
0x63: {  	[sflag:s8] =	ssyncadd.s32 $0xFFFE0C00  }
0x64: {  	[hbm4b:s13+s2] =	stream.linear.scatter [tilespmem:s7], [sflag:$0x2], $0x1F400, $0x38;
	[tilespmem:$0x1F800] =	vst v63  }
0x65: {  	_ =	swait.ge [sflag:s3], $0x1F400  }
0x66: {  	[sflag:s3] =	ssyncset.done $0x0  }
0x67: {  	[sflag:s3] =	ssyncadd.s32 $0xFFFE0C00  }
0x68: {  	[tilespmem:s2], [sflag:$0x2] =	stream.linear.gather [hbm4b:s14+s2], $0x3E8, $0x38;
	[tilespmem:$0x1F800] =	vst v63  }
0x69: {  	_ =	swait.ge [sflag:s3], $0x3E8  }
0x6a: {  	[sflag:s3] =	ssyncset.done $0x0  }
0x6b: {  	[sflag:s3] =	ssyncadd.s32 $0xFFFFFC18  }
0x6c: {  	[tilespmem:s7], [sflag:$0x1] =	stream.indirect.gather [hbm4b:s5+s6], $0x80, s2, s6, $0xb8;
	[tilespmem:$0x1F800] =	vst v63  }
0x6d: {  	_ =	swait.ge [sflag:s8], $0x1F400  }
0x6e: {  	[sflag:s8] =	ssyncset.done $0x0  }
0x6f: {  	[sflag:s8] =	ssyncadd.s32 $0xFFFE0C00  }
0x70: {  	[hbm4b:s15+s2] =	stream.linear.scatter [tilespmem:s7], [sflag:$0x2], $0x1F400, $0x38;
	[tilespmem:$0x1F800] =	vst v63  }
0x71: {  	_ =	swait.ge [sflag:s3], $0x1F400  }
0x72: {  	[sflag:s3] =	ssyncset.done $0x0  }
0x73: {  	[sflag:s3] =	ssyncadd.s32 $0xFFFE0C00  }
0x74: {  	[tilespmem:s2], [sflag:$0x2] =	stream.linear.gather [hbm4b:s16+s2], $0x3E8, $0x38;
	[tilespmem:$0x1F800] =	vst v63  }
0x75: {  	_ =	swait.ge [sflag:s3], $0x3E8  }
0x76: {  	[sflag:s3] =	ssyncset.done $0x0  }
0x77: {  	[sflag:s3] =	ssyncadd.s32 $0xFFFFFC18  }
0x78: {  	[tilespmem:s7], [sflag:$0x1] =	stream.indirect.gather [hbm4b:s5+s6], $0x80, s2, s6, $0xb8;
	[tilespmem:$0x1F800] =	vst v63  }
0x79: {  	_ =	swait.ge [sflag:s8], $0x1F400  }
.Ltmp1:
0x7a: {  	[sflag:s8] =	ssyncset.done $0x0;
	(pc) =	sbr.rel @p0 .LBB2_1-.Ltmp1, $4  }
0x7b: {  	[sflag:s8] =	ssyncadd.s32 $0xFFFE0C00  }
0x7c: {  	[hbm4b:s17+s2] =	stream.linear.scatter [tilespmem:s7], [sflag:$0x2], $0x1F400, $0x38;
	[tilespmem:$0x1F800] =	vst v63  }
0x7d: {  	_ =	swait.ge [sflag:s3], $0x1F400  }
0x7e: {  	[sflag:s3] =	ssyncset.done $0x0  }
.LBB2_2:
0x7f: {  	[sflag:s3] =	ssyncadd.s32 $0xFFFE0C00  }
0x80: {  	_ =	sfence.sel $0x180000  }
0x81: {  	[bflag:$0x0] =	sbarrier.arrive $0xFFFF  }
0x82: {  	p0 =	sne.s32 s0, $0x0;
	_ =	strace $0x90000053  }
0x83: {  	s0 =	sadd.s32 @!p0 $0x100000, s1;
	[bflag:$0x2] =	sbarrier.arrive $0xFFFF  }
0x84: {  	[sflag:s0] =	ssyncadd.tile.s32 @!p0 $0x1;
	_ =	shalt  }
.Lfunc_end2:
_tile_overlayer_lowered:
.L_overlay_start_2:
0x85: {  	(tag) =	ssettag $0x2  }
0x86: {  	s0 =	rddreg [dreg:$0x0];
	s2 =	stileid.u32  }
0x87: {  	s1 =	rddreg [dreg:$0x1];
	p0 =	sne.s32 s2, $0x0  }
0x88: {  	s3 =	rddreg [dreg:$0x2];
	[bflag:$0x3] =	sbarrier.arrive $0xFFFF;
	s2 =	simm.s32 @!p0 $0x1C02  }
0x89: {  	[timem:s3], [sflag:s2] =	dma.local @!p0 [hbm:s0], s1  }
0x8a: {  	s0 =	simm.s32 @!p0 $0x2  }
0x8b: {  	_ =	swait.ge @!p0 [sflag:s0], s1  }
0x8c: {  	s1 =	ssub.s32 @!p0 $0x0, s1;
	[sflag:s0] =	ssyncset.done @!p0 $0x0  }
0x8d: {  	[sflag:s0] =	ssyncadd.s32 @!p0 s1  }
0x8e: {  	[bflag:$0x3] =	sbarrier.arrive $0xFFFF  }
0x8f: {  	_ =	shalt  }

</sc_bundles>
